<compile_context>
chip_gen: v7x
topology: tpu7x:2x2x1
jax: 0.10.2.dev20260603
libtpu: 0.0.44.dev20260713+nightly
codegen_flags: <defaults>
</compile_context>

<pallas_src>
import functools

import jax
import jax.numpy as jnp
from jax import lax
from jax.experimental import pallas as pl
from jax.experimental.pallas import tpu as pltpu
from jax.experimental.pallas import tpu_sc as plsc

K = 8192
D = 256
N = 8192
T = 256
GRID = N // T
COMMITMENT_COST = 0.25

NC = 2
NS = 16
NW = NC * NS
BPW = N // NW
CHUNK = 64
NCHUNK = BPW // CHUNK
LANES = 16


def _tc_body(x_ref, emb_ref, enc_ref, idx_ref, perp_ref, hist_acc):
    i = pl.program_id(0)
    x = x_ref[...]
    e = emb_ref[...]

    @pl.when(i == 0)
    def _init():
        hist_acc[...] = jnp.zeros_like(hist_acc)

    x_norm = jnp.sum(x * x, axis=1, keepdims=True)
    e_norm = jnp.sum(e * e, axis=1)
    x2b = (x + x).astype(jnp.bfloat16)
    eb = e.astype(jnp.bfloat16)
    prod2 = jax.lax.dot_general(x2b, eb, (((1,), (1,)), ((), ())),
                                preferred_element_type=jnp.float32)
    dist = (x_norm + e_norm[None, :]) - prod2

    mn = jnp.min(dist, axis=1, keepdims=True)
    iota = jax.lax.broadcasted_iota(jnp.int32, (T, K), 1)
    idx = jnp.min(jnp.where(dist == mn, iota, K), axis=1)
    idx_ref[...] = idx[:, None]
    enc = (iota == idx[:, None]).astype(jnp.float32)
    enc_ref[...] = enc
    hist_acc[...] += jnp.sum(enc, axis=0)[None, :]

    @pl.when(i == GRID - 1)
    def _fini():
        avg = hist_acc[...] * jnp.float32(1.0 / N)
        ent = jnp.sum(avg * jnp.log(avg + 1e-10))
        perp_ref[0, 0] = jnp.exp(-ent)


def _sc_kernel_fn(ebf_hbm, idx_hbm, x_hbm, st_hbm, part_hbm,
                  idx_v, zq0_v, zq1_v, x0_v, x1_v, vec_v,
                  sem0, sem1, xsem0, xsem1):
    wid = lax.axis_index("s") * NC + lax.axis_index("c")
    base = wid * BPW
    pltpu.sync_copy(idx_hbm.at[pl.ds(base, BPW)], idx_v)

    zq_bufs = (zq0_v, zq1_v)
    x_bufs = (x0_v, x1_v)
    sems = (sem0, sem1)
    xsems = (xsem0, xsem1)
    pltpu.async_copy(ebf_hbm.at[idx_v.at[pl.ds(0, CHUNK)]], zq0_v, sem0)
    pltpu.async_copy(x_hbm.at[pl.ds(base, CHUNK)], x0_v, xsem0)

    acc = jnp.zeros((LANES,), jnp.float32)
    for c in range(NCHUNK):
        zq_v = zq_bufs[c % 2]
        x_v = x_bufs[c % 2]
        if c + 1 < NCHUNK:
            pltpu.async_copy(
                ebf_hbm.at[idx_v.at[pl.ds((c + 1) * CHUNK, CHUNK)]],
                zq_bufs[(c + 1) % 2], sems[(c + 1) % 2])
            pltpu.async_copy(
                x_hbm.at[pl.ds(base + (c + 1) * CHUNK, CHUNK)],
                x_bufs[(c + 1) % 2], xsems[(c + 1) % 2])
        pltpu.make_async_copy(
            ebf_hbm.at[idx_v.at[pl.ds(c * CHUNK, CHUNK)]],
            zq_v, sems[c % 2]).wait()
        pltpu.make_async_copy(
            x_hbm.at[pl.ds(base + c * CHUNK, CHUNK)],
            x_v, xsems[c % 2]).wait()

        def row_body(r, a):
            for j in range(D // LANES):
                sl = pl.ds(j * LANES, LANES)
                zq = zq_v[r, sl]
                b = lax.bitcast_convert_type(zq, jnp.int32)
                b = b + jnp.int32(0x7FFF) + ((b >> 16) & 1)
                b = b & jnp.int32(-65536)
                zq = lax.bitcast_convert_type(b, jnp.float32)
                xv = x_v[r, sl]
                t = zq - xv
                zq_v[r, sl] = xv + t
                a = a + t * t
            return a

        acc = lax.fori_loop(0, CHUNK, row_body, acc)
        pltpu.sync_copy(zq_v, st_hbm.at[pl.ds(base + c * CHUNK, CHUNK)])

    vec_v[...] = acc
    pltpu.sync_copy(vec_v, part_hbm.at[wid])


_sc_quantize = functools.partial(
    pl.kernel,
    mesh=plsc.VectorSubcoreMesh(core_axis_name="c", subcore_axis_name="s"),
    out_type=[
        jax.ShapeDtypeStruct((N, D), jnp.float32),
        jax.ShapeDtypeStruct((NW, LANES), jnp.float32),
    ],
    scratch_types=[
        pltpu.VMEM((BPW,), jnp.int32),
        pltpu.VMEM((CHUNK, D), jnp.float32),
        pltpu.VMEM((CHUNK, D), jnp.float32),
        pltpu.VMEM((CHUNK, D), jnp.float32),
        pltpu.VMEM((CHUNK, D), jnp.float32),
        pltpu.VMEM((LANES,), jnp.float32),
        pltpu.SemaphoreType.DMA,
        pltpu.SemaphoreType.DMA,
        pltpu.SemaphoreType.DMA,
        pltpu.SemaphoreType.DMA,
    ],
)(_sc_kernel_fn)


def kernel(z_e, embedding):
    B, Dm, H, W = z_e.shape
    z = jnp.transpose(z_e, (0, 2, 3, 1)).reshape(N, D)
    enc, idxo, perp = pl.pallas_call(
        _tc_body,
        grid=(GRID,),
        in_specs=[
            pl.BlockSpec((T, D), lambda i: (i, 0)),
            pl.BlockSpec((K, D), lambda i: (0, 0)),
        ],
        out_specs=[
            pl.BlockSpec((T, K), lambda i: (i, 0)),
            pl.BlockSpec((T, 1), lambda i: (i, 0)),
            pl.BlockSpec((1, 1), lambda i: (0, 0), memory_space=pltpu.SMEM),
        ],
        out_shape=[
            jax.ShapeDtypeStruct((N, K), jnp.float32),
            jax.ShapeDtypeStruct((N, 1), jnp.int32),
            jax.ShapeDtypeStruct((1, 1), jnp.float32),
        ],
        scratch_shapes=[
            pltpu.VMEM((1, K), jnp.float32),
        ],
    )(z, embedding)
    st, loss_parts = _sc_quantize(embedding, idxo.reshape(N), z)
    m = jnp.sum(loss_parts) / jnp.float32(N * D)
    loss = m + COMMITMENT_COST * m
    out = jnp.transpose(st.reshape(B, H, W, Dm), (0, 3, 1, 2))
    return out, loss, perp[0, 0], enc

# --- scband reference (transcript-rebuilt; emitter-appended) ---
"""Pipeline reference for scband-vector-quantizer-15341623181400 (READ-ONLY COPY).

The authoritative reference and input builder live on the scoring server;
editing this copy changes nothing except your own understanding.
"""

import jax, jax.numpy as jnp
import numpy as np

NUM_EMBEDDINGS = 8192
EMBEDDING_DIM = 256
COMMITMENT_COST = 0.25


def setup_inputs(seed: int = 0) -> dict:
    key = jax.random.key(seed)
    k1, k2 = jax.random.split(key)
    z_e = jax.random.normal(k1, (8, 256, 32, 32), dtype=jnp.float32)
    embedding = jax.random.uniform(
        k2, (NUM_EMBEDDINGS, EMBEDDING_DIM), dtype=jnp.float32,
        minval=-1.0 / NUM_EMBEDDINGS, maxval=1.0 / NUM_EMBEDDINGS)
    return {"z_e": z_e, "embedding": embedding}


def reference(z_e, embedding):
    K, D = embedding.shape
    # [B, D, H, W] -> [B, H, W, D]
    z = jnp.transpose(z_e, (0, 2, 3, 1))
    flat_inputs = z.reshape(-1, D)
    num_vectors = flat_inputs.shape[0]
    emb_norm_sq = jnp.sum(embedding ** 2, axis=1)
    x_norm_sq = jnp.sum(flat_inputs ** 2, axis=1, keepdims=True)
    distances = x_norm_sq + emb_norm_sq[None, :] - 2.0 * (flat_inputs @ embedding.T)
    encoding_indices = jnp.argmin(distances, axis=1)
    encodings = jax.nn.one_hot(encoding_indices, K, dtype=flat_inputs.dtype)
    z_q_flat = encodings @ embedding
    z_q = z_q_flat.reshape(z.shape)
    e_latent_loss = jnp.mean((jax.lax.stop_gradient(z_q) - z) ** 2)
    q_latent_loss = jnp.mean((z_q - jax.lax.stop_gradient(z)) ** 2)
    loss = q_latent_loss + COMMITMENT_COST * e_latent_loss
    z_st = z + jax.lax.stop_gradient(z_q - z)
    encoding_sum = jnp.sum(encodings.astype(jnp.float32), axis=0)
    avg_probs = encoding_sum / float(num_vectors)
    perplexity = jnp.exp(-jnp.sum(avg_probs * jnp.log(avg_probs + 1e-10)))
    out = jnp.transpose(z_st, (0, 3, 1, 2))
    return (out, loss, perplexity, encodings)

if __name__ == "__main__":
    import jax
    _d = setup_inputs()
    print(jax.jit(kernel)(*tuple(_d.values())))

</pallas_src>

<mosaic_0001>
#map = affine_map<(d0, d1) -> (0, 0)>
#map1 = affine_map<(d0, d1) -> (0)>
module attributes {stable_mosaic.version = 14 : i64} {
  func.func @_sc_kernel_fn(%arg0: i32, %arg1: i32, %arg2: memref<8192x256xf32, #tpu.memory_space<hbm>>, %arg3: memref<8192xi32, #tpu.memory_space<hbm>>, %arg4: memref<8192x256xf32, #tpu.memory_space<hbm>>, %arg5: memref<8192x256xf32, #tpu.memory_space<hbm>>, %arg6: memref<32x16xf32, #tpu.memory_space<hbm>>, %arg7: memref<256xi32, #tpu.memory_space<vmem>>, %arg8: memref<64x256xf32, #tpu.memory_space<vmem>>, %arg9: memref<64x256xf32, #tpu.memory_space<vmem>>, %arg10: memref<64x256xf32, #tpu.memory_space<vmem>>, %arg11: memref<64x256xf32, #tpu.memory_space<vmem>>, %arg12: memref<16xf32, #tpu.memory_space<vmem>>, %arg13: memref<!tpu.dma_semaphore, #tpu.memory_space<semaphore_mem>>, %arg14: memref<!tpu.dma_semaphore, #tpu.memory_space<semaphore_mem>>, %arg15: memref<!tpu.dma_semaphore, #tpu.memory_space<semaphore_mem>>, %arg16: memref<!tpu.dma_semaphore, #tpu.memory_space<semaphore_mem>>) attributes {dimension_semantics = [#tpu.dimension_semantics<core_parallel>, #tpu.dimension_semantics<subcore_parallel>], iteration_bounds = array<i64: 2, 16>, scalar_prefetch = 0 : i64, scratch_operands = 10 : i64, tpu.core_type = #tpu.core_type<sc_vector_subcore>, window_params = [{transform_indices = #map}, {transform_indices = #map1}, {transform_indices = #map}, {transform_indices = #map}, {transform_indices = #map}]} {
    %mul3A = arith.constant 2 : i32
    %mul3A_0 = arith.muli %arg1, %mul3A : i32
    %add3A = arith.addi %mul3A_0, %arg0 : i32
    %mul3A_1 = arith.constant 256 : i32
    %mul3A_2 = arith.muli %add3A, %mul3A_1 : i32
    "tpu.region"() ({
      %run_scoped3A = tpu.sem_alloc : memref<!tpu.dma_semaphore, #tpu.memory_space<semaphore_mem>>
      %dma_start3A_122 = tpu.memref_slice %arg3[%mul3A_2] : memref<8192xi32, #tpu.memory_space<hbm>> -> memref<256xi32, #tpu.memory_space<hbm>>
      %dma_start3A_123 = tpu.memref_slice %arg3[%mul3A_2] : memref<8192xi32, #tpu.memory_space<hbm>> -> memref<256xi32, #tpu.memory_space<hbm>>
      tpu.enqueue_dma source(%dma_start3A_123 : memref<256xi32, #tpu.memory_space<hbm>>) target(%arg7 : memref<256xi32, #tpu.memory_space<vmem>>) target_semaphore(%run_scoped3A : memref<!tpu.dma_semaphore, #tpu.memory_space<semaphore_mem>>)
      %dma_wait3A_124 = tpu.memref_slice %arg3[%mul3A_2] : memref<8192xi32, #tpu.memory_space<hbm>> -> memref<256xi32, #tpu.memory_space<hbm>>
      %dma_wait3A_125 = tpu.memref_slice %arg3[%mul3A_2] : memref<8192xi32, #tpu.memory_space<hbm>> -> memref<256xi32, #tpu.memory_space<hbm>>
      tpu.wait_dma2 semaphore(%run_scoped3A : memref<!tpu.dma_semaphore, #tpu.memory_space<semaphore_mem>>) src(%dma_wait3A_125 : memref<256xi32, #tpu.memory_space<hbm>>) dst(%arg7 : memref<256xi32, #tpu.memory_space<vmem>>)
      tpu.yield
    }) : () -> ()
    %dma_start3A = arith.constant 0 : i32
    %dma_start3A_3 = tpu.memref_slice %arg7[%dma_start3A] : memref<256xi32, #tpu.memory_space<vmem>> -> memref<64xi32, #tpu.memory_space<vmem>>
    %dma_start3A_4 = arith.constant 0 : i32
    %dma_start3A_5 = arith.constant 0 : i32
    %dma_start3A_6 = tpu.memref_slice %arg2[%dma_start3A_4, %dma_start3A_5] : memref<8192x256xf32, #tpu.memory_space<hbm>> -> memref<8192x256xf32, #tpu.memory_space<hbm>>
    tpu.enqueue_indirect_dma source(%dma_start3A_6 : memref<8192x256xf32, #tpu.memory_space<hbm>>) target(%arg8 : memref<64x256xf32, #tpu.memory_space<vmem>>) offsets(%dma_start3A_3 : memref<64xi32, #tpu.memory_space<vmem>>) semaphore(%arg13 : memref<!tpu.dma_semaphore, #tpu.memory_space<semaphore_mem>>)
    %dma_start3A_7 = arith.constant 0 : i32
    %dma_start3A_8 = tpu.memref_slice %arg4[%mul3A_2, %dma_start3A_7] : memref<8192x256xf32, #tpu.memory_space<hbm>> -> memref<64x256xf32, #tpu.memory_space<hbm>>
    %dma_start3A_9 = arith.constant 0 : i32
    %dma_start3A_10 = tpu.memref_slice %arg4[%mul3A_2, %dma_start3A_9] : memref<8192x256xf32, #tpu.memory_space<hbm>> -> memref<64x256xf32, #tpu.memory_space<hbm>>
    tpu.enqueue_dma source(%dma_start3A_10 : memref<64x256xf32, #tpu.memory_space<hbm>>) target(%arg10 : memref<64x256xf32, #tpu.memory_space<vmem>>) target_semaphore(%arg15 : memref<!tpu.dma_semaphore, #tpu.memory_space<semaphore_mem>>)
    %broadcast_in_dim3A = arith.constant 0.000000e+00 : f32
    %broadcast_in_dim3A_11 = vector.broadcast %broadcast_in_dim3A : f32 to vector<16xf32>
    %dma_start3A_12 = arith.constant 64 : i32
    %dma_start3A_13 = tpu.memref_slice %arg7[%dma_start3A_12] : memref<256xi32, #tpu.memory_space<vmem>> -> memref<64xi32, #tpu.memory_space<vmem>>
    %dma_start3A_14 = arith.constant 0 : i32
    %dma_start3A_15 = arith.constant 0 : i32
    %dma_start3A_16 = tpu.memref_slice %arg2[%dma_start3A_14, %dma_start3A_15] : memref<8192x256xf32, #tpu.memory_space<hbm>> -> memref<8192x256xf32, #tpu.memory_space<hbm>>
    tpu.enqueue_indirect_dma source(%dma_start3A_16 : memref<8192x256xf32, #tpu.memory_space<hbm>>) target(%arg9 : memref<64x256xf32, #tpu.memory_space<vmem>>) offsets(%dma_start3A_13 : memref<64xi32, #tpu.memory_space<vmem>>) semaphore(%arg14 : memref<!tpu.dma_semaphore, #tpu.memory_space<semaphore_mem>>)
    %add3A_17 = arith.constant 64 : i32
    %add3A_18 = arith.addi %mul3A_2, %add3A_17 : i32
    %dma_start3A_19 = arith.constant 0 : i32
    %dma_start3A_20 = tpu.memref_slice %arg4[%add3A_18, %dma_start3A_19] : memref<8192x256xf32, #tpu.memory_space<hbm>> -> memref<64x256xf32, #tpu.memory_space<hbm>>
    %dma_start3A_21 = arith.constant 0 : i32
    %dma_start3A_22 = tpu.memref_slice %arg4[%add3A_18, %dma_start3A_21] : memref<8192x256xf32, #tpu.memory_space<hbm>> -> memref<64x256xf32, #tpu.memory_space<hbm>>
    tpu.enqueue_dma source(%dma_start3A_22 : memref<64x256xf32, #tpu.memory_space<hbm>>) target(%arg11 : memref<64x256xf32, #tpu.memory_space<vmem>>) target_semaphore(%arg16 : memref<!tpu.dma_semaphore, #tpu.memory_space<semaphore_mem>>)
    %dma_wait3A = arith.constant 0 : i32
    %dma_wait3A_23 = tpu.memref_slice %arg7[%dma_wait3A] : memref<256xi32, #tpu.memory_space<vmem>> -> memref<64xi32, #tpu.memory_space<vmem>>
    %dma_wait3A_24 = arith.constant 0 : i32
    %dma_wait3A_25 = arith.constant 0 : i32
    %dma_wait3A_26 = tpu.memref_slice %arg2[%dma_wait3A_24, %dma_wait3A_25] : memref<8192x256xf32, #tpu.memory_space<hbm>> -> memref<8192x256xf32, #tpu.memory_space<hbm>>
    tpu.wait_indirect_dma semaphore(%arg13 : memref<!tpu.dma_semaphore, #tpu.memory_space<semaphore_mem>>) src(%dma_wait3A_26 : memref<8192x256xf32, #tpu.memory_space<hbm>>) dst(%arg8 : memref<64x256xf32, #tpu.memory_space<vmem>>)
    %add3A_27 = arith.constant 0 : i32
    %add3A_28 = arith.addi %mul3A_2, %add3A_27 : i32
    %dma_wait3A_29 = arith.constant 0 : i32
    %dma_wait3A_30 = tpu.memref_slice %arg4[%add3A_28, %dma_wait3A_29] : memref<8192x256xf32, #tpu.memory_space<hbm>> -> memref<64x256xf32, #tpu.memory_space<hbm>>
    %dma_wait3A_31 = arith.constant 0 : i32
    %dma_wait3A_32 = tpu.memref_slice %arg4[%add3A_28, %dma_wait3A_31] : memref<8192x256xf32, #tpu.memory_space<hbm>> -> memref<64x256xf32, #tpu.memory_space<hbm>>
    tpu.wait_dma2 semaphore(%arg15 : memref<!tpu.dma_semaphore, #tpu.memory_space<semaphore_mem>>) src(%dma_wait3A_32 : memref<64x256xf32, #tpu.memory_space<hbm>>) dst(%arg10 : memref<64x256xf32, #tpu.memory_space<vmem>>)
    %scan3A = arith.constant 0 : i32
    %scan3A_33 = arith.constant 64 : i32
    %scan3A_34 = arith.addi %scan3A, %scan3A_33 : i32
    %scan3A_35 = arith.constant 1 : i32
    %scan3A_36 = scf.for %scan3A_122 = %scan3A to %scan3A_34 step %scan3A_35 iter_args(%scan3A_123 = %broadcast_in_dim3A_11) -> (vector<16xf32>)  : i32 {
      %get3A = arith.index_cast %scan3A_122 : i32 to index
      %get3A_124 = arith.constant 0 : index
      %get3A_125 = tpu.vector_load %arg8[%get3A, %get3A_124] {strides = array<i32>} : memref<64x256xf32, #tpu.memory_space<vmem>>, vector<1x16xf32>,
      %get3A_126 = vector.shape_cast %get3A_125 : vector<1x16xf32> to vector<16xf32>
      %bitcast_convert_type3A = tpu.bitcast %get3A_126 : vector<16xf32> -> vector<16xi32>
      %add3A_127 = arith.constant 32767 : i32
      %add3A_128 = vector.broadcast %add3A_127 : i32 to vector<16xi32>
      %add3A_129 = arith.addi %bitcast_convert_type3A, %add3A_128 : vector<16xi32>
      %shift_right_arithmetic3A = arith.constant 16 : i32
      %shift_right_arithmetic3A_130 = vector.broadcast %shift_right_arithmetic3A : i32 to vector<16xi32>
      %shift_right_arithmetic3A_131 = arith.shrsi %bitcast_convert_type3A, %shift_right_arithmetic3A_130 : vector<16xi32>
      %and3A = arith.constant 1 : i32
      %and3A_132 = vector.broadcast %and3A : i32 to vector<16xi32>
      %and3A_133 = arith.andi %shift_right_arithmetic3A_131, %and3A_132 : vector<16xi32>
      %add3A_134 = arith.addi %add3A_129, %and3A_133 : vector<16xi32>
      %and3A_135 = arith.constant -65536 : i32
      %and3A_136 = vector.broadcast %and3A_135 : i32 to vector<16xi32>
      %and3A_137 = arith.andi %add3A_134, %and3A_136 : vector<16xi32>
      %bitcast_convert_type3A_138 = tpu.bitcast %and3A_137 : vector<16xi32> -> vector<16xf32>
      %get3A_139 = arith.index_cast %scan3A_122 : i32 to index
      %get3A_140 = arith.constant 0 : index
      %get3A_141 = tpu.vector_load %arg10[%get3A_139, %get3A_140] {strides = array<i32>} : memref<64x256xf32, #tpu.memory_space<vmem>>, vector<1x16xf32>,
      %get3A_142 = vector.shape_cast %get3A_141 : vector<1x16xf32> to vector<16xf32>
      %sub3A = arith.subf %bitcast_convert_type3A_138, %get3A_142 : vector<16xf32>
      %add3A_143 = arith.addf %get3A_142, %sub3A : vector<16xf32>
      %swap3A_144 = arith.index_cast %scan3A_122 : i32 to index
      %swap3A_145 = arith.constant 0 : index
      %swap3A_146 = tpu.vector_load %arg8[%swap3A_144, %swap3A_145] {strides = array<i32>} : memref<64x256xf32, #tpu.memory_space<vmem>>, vector<1x16xf32>,
      %swap3A_147 = vector.shape_cast %swap3A_146 : vector<1x16xf32> to vector<16xf32>
      %swap3A_148 = vector.shape_cast %add3A_143 : vector<16xf32> to vector<1x16xf32>
      tpu.vector_store %arg8[%swap3A_144, %swap3A_145], %swap3A_148 {strides = array<i32>} : memref<64x256xf32, #tpu.memory_space<vmem>>, vector<1x16xf32>,
      %mul3A_149 = arith.mulf %sub3A, %sub3A : vector<16xf32>
      %add3A_150 = arith.addf %scan3A_123, %mul3A_149 : vector<16xf32>
      %get3A_151 = arith.index_cast %scan3A_122 : i32 to index
      %get3A_152 = arith.constant 16 : index
      %get3A_153 = tpu.vector_load %arg8[%get3A_151, %get3A_152] {strides = array<i32>} : memref<64x256xf32, #tpu.memory_space<vmem>>, vector<1x16xf32>,
      %get3A_154 = vector.shape_cast %get3A_153 : vector<1x16xf32> to vector<16xf32>
      %bitcast_convert_type3A_155 = tpu.bitcast %get3A_154 : vector<16xf32> -> vector<16xi32>
      %add3A_156 = arith.constant 32767 : i32
      %add3A_157 = vector.broadcast %add3A_156 : i32 to vector<16xi32>
      %add3A_158 = arith.addi %bitcast_convert_type3A_155, %add3A_157 : vector<16xi32>
      %shift_right_arithmetic3A_159 = arith.constant 16 : i32
      %shift_right_arithmetic3A_160 = vector.broadcast %shift_right_arithmetic3A_159 : i32 to vector<16xi32>
      %shift_right_arithmetic3A_161 = arith.shrsi %bitcast_convert_type3A_155, %shift_right_arithmetic3A_160 : vector<16xi32>
      %and3A_162 = arith.constant 1 : i32
      %and3A_163 = vector.broadcast %and3A_162 : i32 to vector<16xi32>
      %and3A_164 = arith.andi %shift_right_arithmetic3A_161, %and3A_163 : vector<16xi32>
      %add3A_165 = arith.addi %add3A_158, %and3A_164 : vector<16xi32>
      %and3A_166 = arith.constant -65536 : i32
      %and3A_167 = vector.broadcast %and3A_166 : i32 to vector<16xi32>
      %and3A_168 = arith.andi %add3A_165, %and3A_167 : vector<16xi32>
      %bitcast_convert_type3A_169 = tpu.bitcast %and3A_168 : vector<16xi32> -> vector<16xf32>
      %get3A_170 = arith.index_cast %scan3A_122 : i32 to index
      %get3A_171 = arith.constant 16 : index
      %get3A_172 = tpu.vector_load %arg10[%get3A_170, %get3A_171] {strides = array<i32>} : memref<64x256xf32, #tpu.memory_space<vmem>>, vector<1x16xf32>,
      %get3A_173 = vector.shape_cast %get3A_172 : vector<1x16xf32> to vector<16xf32>
      %sub3A_174 = arith.subf %bitcast_convert_type3A_169, %get3A_173 : vector<16xf32>
      %add3A_175 = arith.addf %get3A_173, %sub3A_174 : vector<16xf32>
      %swap3A_176 = arith.index_cast %scan3A_122 : i32 to index
      %swap3A_177 = arith.constant 16 : index
      %swap3A_178 = tpu.vector_load %arg8[%swap3A_176, %swap3A_177] {strides = array<i32>} : memref<64x256xf32, #tpu.memory_space<vmem>>, vector<1x16xf32>,
      %swap3A_179 = vector.shape_cast %swap3A_178 : vector<1x16xf32> to vector<16xf32>
      %swap3A_180 = vector.shape_cast %add3A_175 : vector<16xf32> to vector<1x16xf32>
      tpu.vector_store %arg8[%swap3A_176, %swap3A_177], %swap3A_180 {strides = array<i32>} : memref<64x256xf32, #tpu.memory_space<vmem>>, vector<1x16xf32>,
      %mul3A_181 = arith.mulf %sub3A_174, %sub3A_174 : vector<16xf32>
      %add3A_182 = arith.addf %add3A_150, %mul3A_181 : vector<16xf32>
      %get3A_183 = arith.index_cast %scan3A_122 : i32 to index
      %get3A_184 = arith.constant 32 : index
      %get3A_185 = tpu.vector_load %arg8[%get3A_183, %get3A_184] {strides = array<i32>} : memref<64x256xf32, #tpu.memory_space<vmem>>, vector<1x16xf32>,
      %get3A_186 = vector.shape_cast %get3A_185 : vector<1x16xf32> to vector<16xf32>
      %bitcast_convert_type3A_187 = tpu.bitcast %get3A_186 : vector<16xf32> -> vector<16xi32>
      %add3A_188 = arith.constant 32767 : i32
      %add3A_189 = vector.broadcast %add3A_188 : i32 to vector<16xi32>
      %add3A_190 = arith.addi %bitcast_convert_type3A_187, %add3A_189 : vector<16xi32>
      %shift_right_arithmetic3A_191 = arith.constant 16 : i32
      %shift_right_arithmetic3A_192 = vector.broadcast %shift_right_arithmetic3A_191 : i32 to vector<16xi32>
      %shift_right_arithmetic3A_193 = arith.shrsi %bitcast_convert_type3A_187, %shift_right_arithmetic3A_192 : vector<16xi32>
      %and3A_194 = arith.constant 1 : i32
      %and3A_195 = vector.broadcast %and3A_194 : i32 to vector<16xi32>
      %and3A_196 = arith.andi %shift_right_arithmetic3A_193, %and3A_195 : vector<16xi32>
      %add3A_197 = arith.addi %add3A_190, %and3A_196 : vector<16xi32>
      %and3A_198 = arith.constant -65536 : i32
      %and3A_199 = vector.broadcast %and3A_198 : i32 to vector<16xi32>
      %and3A_200 = arith.andi %add3A_197, %and3A_199 : vector<16xi32>
      %bitcast_convert_type3A_201 = tpu.bitcast %and3A_200 : vector<16xi32> -> vector<16xf32>
      %get3A_202 = arith.index_cast %scan3A_122 : i32 to index
      %get3A_203 = arith.constant 32 : index
      %get3A_204 = tpu.vector_load %arg10[%get3A_202, %get3A_203] {strides = array<i32>} : memref<64x256xf32, #tpu.memory_space<vmem>>, vector<1x16xf32>,
      %get3A_205 = vector.shape_cast %get3A_204 : vector<1x16xf32> to vector<16xf32>
      %sub3A_206 = arith.subf %bitcast_convert_type3A_201, %get3A_205 : vector<16xf32>
      %add3A_207 = arith.addf %get3A_205, %sub3A_206 : vector<16xf32>
      %swap3A_208 = arith.index_cast %scan3A_122 : i32 to index
      %swap3A_209 = arith.constant 32 : index
      %swap3A_210 = tpu.vector_load %arg8[%swap3A_208, %swap3A_209] {strides = array<i32>} : memref<64x256xf32, #tpu.memory_space<vmem>>, vector<1x16xf32>,
      %swap3A_211 = vector.shape_cast %swap3A_210 : vector<1x16xf32> to vector<16xf32>
      %swap3A_212 = vector.shape_cast %add3A_207 : vector<16xf32> to vector<1x16xf32>
      tpu.vector_store %arg8[%swap3A_208, %swap3A_209], %swap3A_212 {strides = array<i32>} : memref<64x256xf32, #tpu.memory_space<vmem>>, vector<1x16xf32>,
      %mul3A_213 = arith.mulf %sub3A_206, %sub3A_206 : vector<16xf32>
      %add3A_214 = arith.addf %add3A_182, %mul3A_213 : vector<16xf32>
      %get3A_215 = arith.index_cast %scan3A_122 : i32 to index
      %get3A_216 = arith.constant 48 : index
      %get3A_217 = tpu.vector_load %arg8[%get3A_215, %get3A_216] {strides = array<i32>} : memref<64x256xf32, #tpu.memory_space<vmem>>, vector<1x16xf32>,
      %get3A_218 = vector.shape_cast %get3A_217 : vector<1x16xf32> to vector<16xf32>
      %bitcast_convert_type3A_219 = tpu.bitcast %get3A_218 : vector<16xf32> -> vector<16xi32>
      %add3A_220 = arith.constant 32767 : i32
      %add3A_221 = vector.broadcast %add3A_220 : i32 to vector<16xi32>
      %add3A_222 = arith.addi %bitcast_convert_type3A_219, %add3A_221 : vector<16xi32>
      %shift_right_arithmetic3A_223 = arith.constant 16 : i32
      %shift_right_arithmetic3A_224 = vector.broadcast %shift_right_arithmetic3A_223 : i32 to vector<16xi32>
      %shift_right_arithmetic3A_225 = arith.shrsi %bitcast_convert_type3A_219, %shift_right_arithmetic3A_224 : vector<16xi32>
      %and3A_226 = arith.constant 1 : i32
      %and3A_227 = vector.broadcast %and3A_226 : i32 to vector<16xi32>
      %and3A_228 = arith.andi %shift_right_arithmetic3A_225, %and3A_227 : vector<16xi32>
      %add3A_229 = arith.addi %add3A_222, %and3A_228 : vector<16xi32>
      %and3A_230 = arith.constant -65536 : i32
      %and3A_231 = vector.broadcast %and3A_230 : i32 to vector<16xi32>
      %and3A_232 = arith.andi %add3A_229, %and3A_231 : vector<16xi32>
      %bitcast_convert_type3A_233 = tpu.bitcast %and3A_232 : vector<16xi32> -> vector<16xf32>
      %get3A_234 = arith.index_cast %scan3A_122 : i32 to index
      %get3A_235 = arith.constant 48 : index
      %get3A_236 = tpu.vector_load %arg10[%get3A_234, %get3A_235] {strides = array<i32>} : memref<64x256xf32, #tpu.memory_space<vmem>>, vector<1x16xf32>,
      %get3A_237 = vector.shape_cast %get3A_236 : vector<1x16xf32> to vector<16xf32>
      %sub3A_238 = arith.subf %bitcast_convert_type3A_233, %get3A_237 : vector<16xf32>
      %add3A_239 = arith.addf %get3A_237, %sub3A_238 : vector<16xf32>
      %swap3A_240 = arith.index_cast %scan3A_122 : i32 to index
      %swap3A_241 = arith.constant 48 : index
      %swap3A_242 = tpu.vector_load %arg8[%swap3A_240, %swap3A_241] {strides = array<i32>} : memref<64x256xf32, #tpu.memory_space<vmem>>, vector<1x16xf32>,
      %swap3A_243 = vector.shape_cast %swap3A_242 : vector<1x16xf32> to vector<16xf32>
      %swap3A_244 = vector.shape_cast %add3A_239 : vector<16xf32> to vector<1x16xf32>
      tpu.vector_store %arg8[%swap3A_240, %swap3A_241], %swap3A_244 {strides = array<i32>} : memref<64x256xf32, #tpu.memory_space<vmem>>, vector<1x16xf32>,
      %mul3A_245 = arith.mulf %sub3A_238, %sub3A_238 : vector<16xf32>
      %add3A_246 = arith.addf %add3A_214, %mul3A_245 : vector<16xf32>
      %get3A_247 = arith.index_cast %scan3A_122 : i32 to index
      %get3A_248 = arith.constant 64 : index
      %get3A_249 = tpu.vector_load %arg8[%get3A_247, %get3A_248] {strides = array<i32>} : memref<64x256xf32, #tpu.memory_space<vmem>>, vector<1x16xf32>,
      %get3A_250 = vector.shape_cast %get3A_249 : vector<1x16xf32> to vector<16xf32>
      %bitcast_convert_type3A_251 = tpu.bitcast %get3A_250 : vector<16xf32> -> vector<16xi32>
      %add3A_252 = arith.constant 32767 : i32
      %add3A_253 = vector.broadcast %add3A_252 : i32 to vector<16xi32>
      %add3A_254 = arith.addi %bitcast_convert_type3A_251, %add3A_253 : vector<16xi32>
      %shift_right_arithmetic3A_255 = arith.constant 16 : i32
      %shift_right_arithmetic3A_256 = vector.broadcast %shift_right_arithmetic3A_255 : i32 to vector<16xi32>
      %shift_right_arithmetic3A_257 = arith.shrsi %bitcast_convert_type3A_251, %shift_right_arithmetic3A_256 : vector<16xi32>
      %and3A_258 = arith.constant 1 : i32
      %and3A_259 = vector.broadcast %and3A_258 : i32 to vector<16xi32>
      %and3A_260 = arith.andi %shift_right_arithmetic3A_257, %and3A_259 : vector<16xi32>
      %add3A_261 = arith.addi %add3A_254, %and3A_260 : vector<16xi32>
      %and3A_262 = arith.constant -65536 : i32
      %and3A_263 = vector.broadcast %and3A_262 : i32 to vector<16xi32>
      %and3A_264 = arith.andi %add3A_261, %and3A_263 : vector<16xi32>
      %bitcast_convert_type3A_265 = tpu.bitcast %and3A_264 : vector<16xi32> -> vector<16xf32>
      %get3A_266 = arith.index_cast %scan3A_122 : i32 to index
      %get3A_267 = arith.constant 64 : index
      %get3A_268 = tpu.vector_load %arg10[%get3A_266, %get3A_267] {strides = array<i32>} : memref<64x256xf32, #tpu.memory_space<vmem>>, vector<1x16xf32>,
      %get3A_269 = vector.shape_cast %get3A_268 : vector<1x16xf32> to vector<16xf32>
      %sub3A_270 = arith.subf %bitcast_convert_type3A_265, %get3A_269 : vector<16xf32>
      %add3A_271 = arith.addf %get3A_269, %sub3A_270 : vector<16xf32>
      %swap3A_272 = arith.index_cast %scan3A_122 : i32 to index
      %swap3A_273 = arith.constant 64 : index
      %swap3A_274 = tpu.vector_load %arg8[%swap3A_272, %swap3A_273] {strides = array<i32>} : memref<64x256xf32, #tpu.memory_space<vmem>>, vector<1x16xf32>,
      %swap3A_275 = vector.shape_cast %swap3A_274 : vector<1x16xf32> to vector<16xf32>
      %swap3A_276 = vector.shape_cast %add3A_271 : vector<16xf32> to vector<1x16xf32>
      tpu.vector_store %arg8[%swap3A_272, %swap3A_273], %swap3A_276 {strides = array<i32>} : memref<64x256xf32, #tpu.memory_space<vmem>>, vector<1x16xf32>,
      %mul3A_277 = arith.mulf %sub3A_270, %sub3A_270 : vector<16xf32>
      %add3A_278 = arith.addf %add3A_246, %mul3A_277 : vector<16xf32>
      %get3A_279 = arith.index_cast %scan3A_122 : i32 to index
      %get3A_280 = arith.constant 80 : index
      %get3A_281 = tpu.vector_load %arg8[%get3A_279, %get3A_280] {strides = array<i32>} : memref<64x256xf32, #tpu.memory_space<vmem>>, vector<1x16xf32>,
      %get3A_282 = vector.shape_cast %get3A_281 : vector<1x16xf32> to vector<16xf32>
      %bitcast_convert_type3A_283 = tpu.bitcast %get3A_282 : vector<16xf32> -> vector<16xi32>
      %add3A_284 = arith.constant 32767 : i32
      %add3A_285 = vector.broadcast %add3A_284 : i32 to vector<16xi32>
      %add3A_286 = arith.addi %bitcast_convert_type3A_283, %add3A_285 : vector<16xi32>
      %shift_right_arithmetic3A_287 = arith.constant 16 : i32
      %shift_right_arithmetic3A_288 = vector.broadcast %shift_right_arithmetic3A_287 : i32 to vector<16xi32>
      %shift_right_arithmetic3A_289 = arith.shrsi %bitcast_convert_type3A_283, %shift_right_arithmetic3A_288 : vector<16xi32>
      %and3A_290 = arith.constant 1 : i32
      %and3A_291 = vector.broadcast %and3A_290 : i32 to vector<16xi32>
      %and3A_292 = arith.andi %shift_right_arithmetic3A_289, %and3A_291 : vector<16xi32>
      %add3A_293 = arith.addi %add3A_286, %and3A_292 : vector<16xi32>
      %and3A_294 = arith.constant -65536 : i32
      %and3A_295 = vector.broadcast %and3A_294 : i32 to vector<16xi32>
      %and3A_296 = arith.andi %add3A_293, %and3A_295 : vector<16xi32>
      %bitcast_convert_type3A_297 = tpu.bitcast %and3A_296 : vector<16xi32> -> vector<16xf32>
      %get3A_298 = arith.index_cast %scan3A_122 : i32 to index
      %get3A_299 = arith.constant 80 : index
      %get3A_300 = tpu.vector_load %arg10[%get3A_298, %get3A_299] {strides = array<i32>} : memref<64x256xf32, #tpu.memory_space<vmem>>, vector<1x16xf32>,
      %get3A_301 = vector.shape_cast %get3A_300 : vector<1x16xf32> to vector<16xf32>
      %sub3A_302 = arith.subf %bitcast_convert_type3A_297, %get3A_301 : vector<16xf32>
      %add3A_303 = arith.addf %get3A_301, %sub3A_302 : vector<16xf32>
      %swap3A_304 = arith.index_cast %scan3A_122 : i32 to index
      %swap3A_305 = arith.constant 80 : index
      %swap3A_306 = tpu.vector_load %arg8[%swap3A_304, %swap3A_305] {strides = array<i32>} : memref<64x256xf32, #tpu.memory_space<vmem>>, vector<1x16xf32>,
      %swap3A_307 = vector.shape_cast %swap3A_306 : vector<1x16xf32> to vector<16xf32>
      %swap3A_308 = vector.shape_cast %add3A_303 : vector<16xf32> to vector<1x16xf32>
      tpu.vector_store %arg8[%swap3A_304, %swap3A_305], %swap3A_308 {strides = array<i32>} : memref<64x256xf32, #tpu.memory_space<vmem>>, vector<1x16xf32>,
      %mul3A_309 = arith.mulf %sub3A_302, %sub3A_302 : vector<16xf32>
      %add3A_310 = arith.addf %add3A_278, %mul3A_309 : vector<16xf32>
      %get3A_311 = arith.index_cast %scan3A_122 : i32 to index
      %get3A_312 = arith.constant 96 : index
      %get3A_313 = tpu.vector_load %arg8[%get3A_311, %get3A_312] {strides = array<i32>} : memref<64x256xf32, #tpu.memory_space<vmem>>, vector<1x16xf32>,
      %get3A_314 = vector.shape_cast %get3A_313 : vector<1x16xf32> to vector<16xf32>
      %bitcast_convert_type3A_315 = tpu.bitcast %get3A_314 : vector<16xf32> -> vector<16xi32>
      %add3A_316 = arith.constant 32767 : i32
      %add3A_317 = vector.broadcast %add3A_316 : i32 to vector<16xi32>
      %add3A_318 = arith.addi %bitcast_convert_type3A_315, %add3A_317 : vector<16xi32>
      %shift_right_arithmetic3A_319 = arith.constant 16 : i32
      %shift_right_arithmetic3A_320 = vector.broadcast %shift_right_arithmetic3A_319 : i32 to vector<16xi32>
      %shift_right_arithmetic3A_321 = arith.shrsi %bitcast_convert_type3A_315, %shift_right_arithmetic3A_320 : vector<16xi32>
      %and3A_322 = arith.constant 1 : i32
      %and3A_323 = vector.broadcast %and3A_322 : i32 to vector<16xi32>
      %and3A_324 = arith.andi %shift_right_arithmetic3A_321, %and3A_323 : vector<16xi32>
      %add3A_325 = arith.addi %add3A_318, %and3A_324 : vector<16xi32>
      %and3A_326 = arith.constant -65536 : i32
      %and3A_327 = vector.broadcast %and3A_326 : i32 to vector<16xi32>
      %and3A_328 = arith.andi %add3A_325, %and3A_327 : vector<16xi32>
      %bitcast_convert_type3A_329 = tpu.bitcast %and3A_328 : vector<16xi32> -> vector<16xf32>
      %get3A_330 = arith.index_cast %scan3A_122 : i32 to index
      %get3A_331 = arith.constant 96 : index
      %get3A_332 = tpu.vector_load %arg10[%get3A_330, %get3A_331] {strides = array<i32>} : memref<64x256xf32, #tpu.memory_space<vmem>>, vector<1x16xf32>,
      %get3A_333 = vector.shape_cast %get3A_332 : vector<1x16xf32> to vector<16xf32>
      %sub3A_334 = arith.subf %bitcast_convert_type3A_329, %get3A_333 : vector<16xf32>
      %add3A_335 = arith.addf %get3A_333, %sub3A_334 : vector<16xf32>
      %swap3A_336 = arith.index_cast %scan3A_122 : i32 to index
      %swap3A_337 = arith.constant 96 : index
      %swap3A_338 = tpu.vector_load %arg8[%swap3A_336, %swap3A_337] {strides = array<i32>} : memref<64x256xf32, #tpu.memory_space<vmem>>, vector<1x16xf32>,
      %swap3A_339 = vector.shape_cast %swap3A_338 : vector<1x16xf32> to vector<16xf32>
      %swap3A_340 = vector.shape_cast %add3A_335 : vector<16xf32> to vector<1x16xf32>
      tpu.vector_store %arg8[%swap3A_336, %swap3A_337], %swap3A_340 {strides = array<i32>} : memref<64x256xf32, #tpu.memory_space<vmem>>, vector<1x16xf32>,
      %mul3A_341 = arith.mulf %sub3A_334, %sub3A_334 : vector<16xf32>
      %add3A_342 = arith.addf %add3A_310, %mul3A_341 : vector<16xf32>
      %get3A_343 = arith.index_cast %scan3A_122 : i32 to index
      %get3A_344 = arith.constant 112 : index
      %get3A_345 = tpu.vector_load %arg8[%get3A_343, %get3A_344] {strides = array<i32>} : memref<64x256xf32, #tpu.memory_space<vmem>>, vector<1x16xf32>,
      %get3A_346 = vector.shape_cast %get3A_345 : vector<1x16xf32> to vector<16xf32>
      %bitcast_convert_type3A_347 = tpu.bitcast %get3A_346 : vector<16xf32> -> vector<16xi32>
      %add3A_348 = arith.constant 32767 : i32
      %add3A_349 = vector.broadcast %add3A_348 : i32 to vector<16xi32>
      %add3A_350 = arith.addi %bitcast_convert_type3A_347, %add3A_349 : vector<16xi32>
      %shift_right_arithmetic3A_351 = arith.constant 16 : i32
      %shift_right_arithmetic3A_352 = vector.broadcast %shift_right_arithmetic3A_351 : i32 to vector<16xi32>
      %shift_right_arithmetic3A_353 = arith.shrsi %bitcast_convert_type3A_347, %shift_right_arithmetic3A_352 : vector<16xi32>
      %and3A_354 = arith.constant 1 : i32
      %and3A_355 = vector.broadcast %and3A_354 : i32 to vector<16xi32>
      %and3A_356 = arith.andi %shift_right_arithmetic3A_353, %and3A_355 : vector<16xi32>
      %add3A_357 = arith.addi %add3A_350, %and3A_356 : vector<16xi32>
      %and3A_358 = arith.constant -65536 : i32
      %and3A_359 = vector.broadcast %and3A_358 : i32 to vector<16xi32>
      %and3A_360 = arith.andi %add3A_357, %and3A_359 : vector<16xi32>
      %bitcast_convert_type3A_361 = tpu.bitcast %and3A_360 : vector<16xi32> -> vector<16xf32>
      %get3A_362 = arith.index_cast %scan3A_122 : i32 to index
      %get3A_363 = arith.constant 112 : index
      %get3A_364 = tpu.vector_load %arg10[%get3A_362, %get3A_363] {strides = array<i32>} : memref<64x256xf32, #tpu.memory_space<vmem>>, vector<1x16xf32>,
      %get3A_365 = vector.shape_cast %get3A_364 : vector<1x16xf32> to vector<16xf32>
      %sub3A_366 = arith.subf %bitcast_convert_type3A_361, %get3A_365 : vector<16xf32>
      %add3A_367 = arith.addf %get3A_365, %sub3A_366 : vector<16xf32>
      %swap3A_368 = arith.index_cast %scan3A_122 : i32 to index
      %swap3A_369 = arith.constant 112 : index
      %swap3A_370 = tpu.vector_load %arg8[%swap3A_368, %swap3A_369] {strides = array<i32>} : memref<64x256xf32, #tpu.memory_space<vmem>>, vector<1x16xf32>,
      %swap3A_371 = vector.shape_cast %swap3A_370 : vector<1x16xf32> to vector<16xf32>
      %swap3A_372 = vector.shape_cast %add3A_367 : vector<16xf32> to vector<1x16xf32>
      tpu.vector_store %arg8[%swap3A_368, %swap3A_369], %swap3A_372 {strides = array<i32>} : memref<64x256xf32, #tpu.memory_space<vmem>>, vector<1x16xf32>,
      %mul3A_373 = arith.mulf %sub3A_366, %sub3A_366 : vector<16xf32>
      %add3A_374 = arith.addf %add3A_342, %mul3A_373 : vector<16xf32>
      %get3A_375 = arith.index_cast %scan3A_122 : i32 to index
      %get3A_376 = arith.constant 128 : index
      %get3A_377 = tpu.vector_load %arg8[%get3A_375, %get3A_376] {strides = array<i32>} : memref<64x256xf32, #tpu.memory_space<vmem>>, vector<1x16xf32>,
      %get3A_378 = vector.shape_cast %get3A_377 : vector<1x16xf32> to vector<16xf32>
      %bitcast_convert_type3A_379 = tpu.bitcast %get3A_378 : vector<16xf32> -> vector<16xi32>
      %add3A_380 = arith.constant 32767 : i32
      %add3A_381 = vector.broadcast %add3A_380 : i32 to vector<16xi32>
      %add3A_382 = arith.addi %bitcast_convert_type3A_379, %add3A_381 : vector<16xi32>
      %shift_right_arithmetic3A_383 = arith.constant 16 : i32
      %shift_right_arithmetic3A_384 = vector.broadcast %shift_right_arithmetic3A_383 : i32 to vector<16xi32>
      %shift_right_arithmetic3A_385 = arith.shrsi %bitcast_convert_type3A_379, %shift_right_arithmetic3A_384 : vector<16xi32>
      %and3A_386 = arith.constant 1 : i32
      %and3A_387 = vector.broadcast %and3A_386 : i32 to vector<16xi32>
      %and3A_388 = arith.andi %shift_right_arithmetic3A_385, %and3A_387 : vector<16xi32>
      %add3A_389 = arith.addi %add3A_382, %and3A_388 : vector<16xi32>
      %and3A_390 = arith.constant -65536 : i32
      %and3A_391 = vector.broadcast %and3A_390 : i32 to vector<16xi32>
      %and3A_392 = arith.andi %add3A_389, %and3A_391 : vector<16xi32>
      %bitcast_convert_type3A_393 = tpu.bitcast %and3A_392 : vector<16xi32> -> vector<16xf32>
      %get3A_394 = arith.index_cast %scan3A_122 : i32 to index
      %get3A_395 = arith.constant 128 : index
      %get3A_396 = tpu.vector_load %arg10[%get3A_394, %get3A_395] {strides = array<i32>} : memref<64x256xf32, #tpu.memory_space<vmem>>, vector<1x16xf32>,
      %get3A_397 = vector.shape_cast %get3A_396 : vector<1x16xf32> to vector<16xf32>
      %sub3A_398 = arith.subf %bitcast_convert_type3A_393, %get3A_397 : vector<16xf32>
      %add3A_399 = arith.addf %get3A_397, %sub3A_398 : vector<16xf32>
      %swap3A_400 = arith.index_cast %scan3A_122 : i32 to index
      %swap3A_401 = arith.constant 128 : index
      %swap3A_402 = tpu.vector_load %arg8[%swap3A_400, %swap3A_401] {strides = array<i32>} : memref<64x256xf32, #tpu.memory_space<vmem>>, vector<1x16xf32>,
      %swap3A_403 = vector.shape_cast %swap3A_402 : vector<1x16xf32> to vector<16xf32>
      %swap3A_404 = vector.shape_cast %add3A_399 : vector<16xf32> to vector<1x16xf32>
      tpu.vector_store %arg8[%swap3A_400, %swap3A_401], %swap3A_404 {strides = array<i32>} : memref<64x256xf32, #tpu.memory_space<vmem>>, vector<1x16xf32>,
      %mul3A_405 = arith.mulf %sub3A_398, %sub3A_398 : vector<16xf32>
      %add3A_406 = arith.addf %add3A_374, %mul3A_405 : vector<16xf32>
      %get3A_407 = arith.index_cast %scan3A_122 : i32 to index
      %get3A_408 = arith.constant 144 : index
      %get3A_409 = tpu.vector_load %arg8[%get3A_407, %get3A_408] {strides = array<i32>} : memref<64x256xf32, #tpu.memory_space<vmem>>, vector<1x16xf32>,
      %get3A_410 = vector.shape_cast %get3A_409 : vector<1x16xf32> to vector<16xf32>
      %bitcast_convert_type3A_411 = tpu.bitcast %get3A_410 : vector<16xf32> -> vector<16xi32>
      %add3A_412 = arith.constant 32767 : i32
      %add3A_413 = vector.broadcast %add3A_412 : i32 to vector<16xi32>
      %add3A_414 = arith.addi %bitcast_convert_type3A_411, %add3A_413 : vector<16xi32>
      %shift_right_arithmetic3A_415 = arith.constant 16 : i32
      %shift_right_arithmetic3A_416 = vector.broadcast %shift_right_arithmetic3A_415 : i32 to vector<16xi32>
      %shift_right_arithmetic3A_417 = arith.shrsi %bitcast_convert_type3A_411, %shift_right_arithmetic3A_416 : vector<16xi32>
      %and3A_418 = arith.constant 1 : i32
      %and3A_419 = vector.broadcast %and3A_418 : i32 to vector<16xi32>
      %and3A_420 = arith.andi %shift_right_arithmetic3A_417, %and3A_419 : vector<16xi32>
      %add3A_421 = arith.addi %add3A_414, %and3A_420 : vector<16xi32>
      %and3A_422 = arith.constant -65536 : i32
      %and3A_423 = vector.broadcast %and3A_422 : i32 to vector<16xi32>
      %and3A_424 = arith.andi %add3A_421, %and3A_423 : vector<16xi32>
      %bitcast_convert_type3A_425 = tpu.bitcast %and3A_424 : vector<16xi32> -> vector<16xf32>
      %get3A_426 = arith.index_cast %scan3A_122 : i32 to index
      %get3A_427 = arith.constant 144 : index
      %get3A_428 = tpu.vector_load %arg10[%get3A_426, %get3A_427] {strides = array<i32>} : memref<64x256xf32, #tpu.memory_space<vmem>>, vector<1x16xf32>,
      %get3A_429 = vector.shape_cast %get3A_428 : vector<1x16xf32> to vector<16xf32>
      %sub3A_430 = arith.subf %bitcast_convert_type3A_425, %get3A_429 : vector<16xf32>
      %add3A_431 = arith.addf %get3A_429, %sub3A_430 : vector<16xf32>
      %swap3A_432 = arith.index_cast %scan3A_122 : i32 to index
      %swap3A_433 = arith.constant 144 : index
      %swap3A_434 = tpu.vector_load %arg8[%swap3A_432, %swap3A_433] {strides = array<i32>} : memref<64x256xf32, #tpu.memory_space<vmem>>, vector<1x16xf32>,
      %swap3A_435 = vector.shape_cast %swap3A_434 : vector<1x16xf32> to vector<16xf32>
      %swap3A_436 = vector.shape_cast %add3A_431 : vector<16xf32> to vector<1x16xf32>
      tpu.vector_store %arg8[%swap3A_432, %swap3A_433], %swap3A_436 {strides = array<i32>} : memref<64x256xf32, #tpu.memory_space<vmem>>, vector<1x16xf32>,
      %mul3A_437 = arith.mulf %sub3A_430, %sub3A_430 : vector<16xf32>
      %add3A_438 = arith.addf %add3A_406, %mul3A_437 : vector<16xf32>
      %get3A_439 = arith.index_cast %scan3A_122 : i32 to index
      %get3A_440 = arith.constant 160 : index
      %get3A_441 = tpu.vector_load %arg8[%get3A_439, %get3A_440] {strides = array<i32>} : memref<64x256xf32, #tpu.memory_space<vmem>>, vector<1x16xf32>,
      %get3A_442 = vector.shape_cast %get3A_441 : vector<1x16xf32> to vector<16xf32>
      %bitcast_convert_type3A_443 = tpu.bitcast %get3A_442 : vector<16xf32> -> vector<16xi32>
      %add3A_444 = arith.constant 32767 : i32
      %add3A_445 = vector.broadcast %add3A_444 : i32 to vector<16xi32>
      %add3A_446 = arith.addi %bitcast_convert_type3A_443, %add3A_445 : vector<16xi32>
      %shift_right_arithmetic3A_447 = arith.constant 16 : i32
      %shift_right_arithmetic3A_448 = vector.broadcast %shift_right_arithmetic3A_447 : i32 to vector<16xi32>
      %shift_right_arithmetic3A_449 = arith.shrsi %bitcast_convert_type3A_443, %shift_right_arithmetic3A_448 : vector<16xi32>
      %and3A_450 = arith.constant 1 : i32
      %and3A_451 = vector.broadcast %and3A_450 : i32 to vector<16xi32>
      %and3A_452 = arith.andi %shift_right_arithmetic3A_449, %and3A_451 : vector<16xi32>
      %add3A_453 = arith.addi %add3A_446, %and3A_452 : vector<16xi32>
      %and3A_454 = arith.constant -65536 : i32
      %and3A_455 = vector.broadcast %and3A_454 : i32 to vector<16xi32>
      %and3A_456 = arith.andi %add3A_453, %and3A_455 : vector<16xi32>
      %bitcast_convert_type3A_457 = tpu.bitcast %and3A_456 : vector<16xi32> -> vector<16xf32>
      %get3A_458 = arith.index_cast %scan3A_122 : i32 to index
      %get3A_459 = arith.constant 160 : index
      %get3A_460 = tpu.vector_load %arg10[%get3A_458, %get3A_459] {strides = array<i32>} : memref<64x256xf32, #tpu.memory_space<vmem>>, vector<1x16xf32>,
      %get3A_461 = vector.shape_cast %get3A_460 : vector<1x16xf32> to vector<16xf32>
      %sub3A_462 = arith.subf %bitcast_convert_type3A_457, %get3A_461 : vector<16xf32>
      %add3A_463 = arith.addf %get3A_461, %sub3A_462 : vector<16xf32>
      %swap3A_464 = arith.index_cast %scan3A_122 : i32 to index
      %swap3A_465 = arith.constant 160 : index
      %swap3A_466 = tpu.vector_load %arg8[%swap3A_464, %swap3A_465] {strides = array<i32>} : memref<64x256xf32, #tpu.memory_space<vmem>>, vector<1x16xf32>,
      %swap3A_467 = vector.shape_cast %swap3A_466 : vector<1x16xf32> to vector<16xf32>
      %swap3A_468 = vector.shape_cast %add3A_463 : vector<16xf32> to vector<1x16xf32>
      tpu.vector_store %arg8[%swap3A_464, %swap3A_465], %swap3A_468 {strides = array<i32>} : memref<64x256xf32, #tpu.memory_space<vmem>>, vector<1x16xf32>,
      %mul3A_469 = arith.mulf %sub3A_462, %sub3A_462 : vector<16xf32>
      %add3A_470 = arith.addf %add3A_438, %mul3A_469 : vector<16xf32>
      %get3A_471 = arith.index_cast %scan3A_122 : i32 to index
      %get3A_472 = arith.constant 176 : index
      %get3A_473 = tpu.vector_load %arg8[%get3A_471, %get3A_472] {strides = array<i32>} : memref<64x256xf32, #tpu.memory_space<vmem>>, vector<1x16xf32>,
      %get3A_474 = vector.shape_cast %get3A_473 : vector<1x16xf32> to vector<16xf32>
      %bitcast_convert_type3A_475 = tpu.bitcast %get3A_474 : vector<16xf32> -> vector<16xi32>
      %add3A_476 = arith.constant 32767 : i32
      %add3A_477 = vector.broadcast %add3A_476 : i32 to vector<16xi32>
      %add3A_478 = arith.addi %bitcast_convert_type3A_475, %add3A_477 : vector<16xi32>
      %shift_right_arithmetic3A_479 = arith.constant 16 : i32
      %shift_right_arithmetic3A_480 = vector.broadcast %shift_right_arithmetic3A_479 : i32 to vector<16xi32>
      %shift_right_arithmetic3A_481 = arith.shrsi %bitcast_convert_type3A_475, %shift_right_arithmetic3A_480 : vector<16xi32>
      %and3A_482 = arith.constant 1 : i32
      %and3A_483 = vector.broadcast %and3A_482 : i32 to vector<16xi32>
      %and3A_484 = arith.andi %shift_right_arithmetic3A_481, %and3A_483 : vector<16xi32>
      %add3A_485 = arith.addi %add3A_478, %and3A_484 : vector<16xi32>
      %and3A_486 = arith.constant -65536 : i32
      %and3A_487 = vector.broadcast %and3A_486 : i32 to vector<16xi32>
      %and3A_488 = arith.andi %add3A_485, %and3A_487 : vector<16xi32>
      %bitcast_convert_type3A_489 = tpu.bitcast %and3A_488 : vector<16xi32> -> vector<16xf32>
      %get3A_490 = arith.index_cast %scan3A_122 : i32 to index
      %get3A_491 = arith.constant 176 : index
      %get3A_492 = tpu.vector_load %arg10[%get3A_490, %get3A_491] {strides = array<i32>} : memref<64x256xf32, #tpu.memory_space<vmem>>, vector<1x16xf32>,
      %get3A_493 = vector.shape_cast %get3A_492 : vector<1x16xf32> to vector<16xf32>
      %sub3A_494 = arith.subf %bitcast_convert_type3A_489, %get3A_493 : vector<16xf32>
      %add3A_495 = arith.addf %get3A_493, %sub3A_494 : vector<16xf32>
      %swap3A_496 = arith.index_cast %scan3A_122 : i32 to index
      %swap3A_497 = arith.constant 176 : index
      %swap3A_498 = tpu.vector_load %arg8[%swap3A_496, %swap3A_497] {strides = array<i32>} : memref<64x256xf32, #tpu.memory_space<vmem>>, vector<1x16xf32>,
      %swap3A_499 = vector.shape_cast %swap3A_498 : vector<1x16xf32> to vector<16xf32>
      %swap3A_500 = vector.shape_cast %add3A_495 : vector<16xf32> to vector<1x16xf32>
      tpu.vector_store %arg8[%swap3A_496, %swap3A_497], %swap3A_500 {strides = array<i32>} : memref<64x256xf32, #tpu.memory_space<vmem>>, vector<1x16xf32>,
      %mul3A_501 = arith.mulf %sub3A_494, %sub3A_494 : vector<16xf32>
      %add3A_502 = arith.addf %add3A_470, %mul3A_501 : vector<16xf32>
      %get3A_503 = arith.index_cast %scan3A_122 : i32 to index
      %get3A_504 = arith.constant 192 : index
      %get3A_505 = tpu.vector_load %arg8[%get3A_503, %get3A_504] {strides = array<i32>} : memref<64x256xf32, #tpu.memory_space<vmem>>, vector<1x16xf32>,
      %get3A_506 = vector.shape_cast %get3A_505 : vector<1x16xf32> to vector<16xf32>
      %bitcast_convert_type3A_507 = tpu.bitcast %get3A_506 : vector<16xf32> -> vector<16xi32>
      %add3A_508 = arith.constant 32767 : i32
      %add3A_509 = vector.broadcast %add3A_508 : i32 to vector<16xi32>
      %add3A_510 = arith.addi %bitcast_convert_type3A_507, %add3A_509 : vector<16xi32>
      %shift_right_arithmetic3A_511 = arith.constant 16 : i32
      %shift_right_arithmetic3A_512 = vector.broadcast %shift_right_arithmetic3A_511 : i32 to vector<16xi32>
      %shift_right_arithmetic3A_513 = arith.shrsi %bitcast_convert_type3A_507, %shift_right_arithmetic3A_512 : vector<16xi32>
      %and3A_514 = arith.constant 1 : i32
      %and3A_515 = vector.broadcast %and3A_514 : i32 to vector<16xi32>
      %and3A_516 = arith.andi %shift_right_arithmetic3A_513, %and3A_515 : vector<16xi32>
      %add3A_517 = arith.addi %add3A_510, %and3A_516 : vector<16xi32>
      %and3A_518 = arith.constant -65536 : i32
      %and3A_519 = vector.broadcast %and3A_518 : i32 to vector<16xi32>
      %and3A_520 = arith.andi %add3A_517, %and3A_519 : vector<16xi32>
      %bitcast_convert_type3A_521 = tpu.bitcast %and3A_520 : vector<16xi32> -> vector<16xf32>
      %get3A_522 = arith.index_cast %scan3A_122 : i32 to index
      %get3A_523 = arith.constant 192 : index
      %get3A_524 = tpu.vector_load %arg10[%get3A_522, %get3A_523] {strides = array<i32>} : memref<64x256xf32, #tpu.memory_space<vmem>>, vector<1x16xf32>,
      %get3A_525 = vector.shape_cast %get3A_524 : vector<1x16xf32> to vector<16xf32>
      %sub3A_526 = arith.subf %bitcast_convert_type3A_521, %get3A_525 : vector<16xf32>
      %add3A_527 = arith.addf %get3A_525, %sub3A_526 : vector<16xf32>
      %swap3A_528 = arith.index_cast %scan3A_122 : i32 to index
      %swap3A_529 = arith.constant 192 : index
      %swap3A_530 = tpu.vector_load %arg8[%swap3A_528, %swap3A_529] {strides = array<i32>} : memref<64x256xf32, #tpu.memory_space<vmem>>, vector<1x16xf32>,
      %swap3A_531 = vector.shape_cast %swap3A_530 : vector<1x16xf32> to vector<16xf32>
      %swap3A_532 = vector.shape_cast %add3A_527 : vector<16xf32> to vector<1x16xf32>
      tpu.vector_store %arg8[%swap3A_528, %swap3A_529], %swap3A_532 {strides = array<i32>} : memref<64x256xf32, #tpu.memory_space<vmem>>, vector<1x16xf32>,
      %mul3A_533 = arith.mulf %sub3A_526, %sub3A_526 : vector<16xf32>
      %add3A_534 = arith.addf %add3A_502, %mul3A_533 : vector<16xf32>
      %get3A_535 = arith.index_cast %scan3A_122 : i32 to index
      %get3A_536 = arith.constant 208 : index
      %get3A_537 = tpu.vector_load %arg8[%get3A_535, %get3A_536] {strides = array<i32>} : memref<64x256xf32, #tpu.memory_space<vmem>>, vector<1x16xf32>,
      %get3A_538 = vector.shape_cast %get3A_537 : vector<1x16xf32> to vector<16xf32>
      %bitcast_convert_type3A_539 = tpu.bitcast %get3A_538 : vector<16xf32> -> vector<16xi32>
      %add3A_540 = arith.constant 32767 : i32
      %add3A_541 = vector.broadcast %add3A_540 : i32 to vector<16xi32>
      %add3A_542 = arith.addi %bitcast_convert_type3A_539, %add3A_541 : vector<16xi32>
      %shift_right_arithmetic3A_543 = arith.constant 16 : i32
      %shift_right_arithmetic3A_544 = vector.broadcast %shift_right_arithmetic3A_543 : i32 to vector<16xi32>
      %shift_right_arithmetic3A_545 = arith.shrsi %bitcast_convert_type3A_539, %shift_right_arithmetic3A_544 : vector<16xi32>
      %and3A_546 = arith.constant 1 : i32
      %and3A_547 = vector.broadcast %and3A_546 : i32 to vector<16xi32>
      %and3A_548 = arith.andi %shift_right_arithmetic3A_545, %and3A_547 : vector<16xi32>
      %add3A_549 = arith.addi %add3A_542, %and3A_548 : vector<16xi32>
      %and3A_550 = arith.constant -65536 : i32
      %and3A_551 = vector.broadcast %and3A_550 : i32 to vector<16xi32>
      %and3A_552 = arith.andi %add3A_549, %and3A_551 : vector<16xi32>
      %bitcast_convert_type3A_553 = tpu.bitcast %and3A_552 : vector<16xi32> -> vector<16xf32>
      %get3A_554 = arith.index_cast %scan3A_122 : i32 to index
      %get3A_555 = arith.constant 208 : index
      %get3A_556 = tpu.vector_load %arg10[%get3A_554, %get3A_555] {strides = array<i32>} : memref<64x256xf32, #tpu.memory_space<vmem>>, vector<1x16xf32>,
      %get3A_557 = vector.shape_cast %get3A_556 : vector<1x16xf32> to vector<16xf32>
      %sub3A_558 = arith.subf %bitcast_convert_type3A_553, %get3A_557 : vector<16xf32>
      %add3A_559 = arith.addf %get3A_557, %sub3A_558 : vector<16xf32>
      %swap3A_560 = arith.index_cast %scan3A_122 : i32 to index
      %swap3A_561 = arith.constant 208 : index
      %swap3A_562 = tpu.vector_load %arg8[%swap3A_560, %swap3A_561] {strides = array<i32>} : memref<64x256xf32, #tpu.memory_space<vmem>>, vector<1x16xf32>,
      %swap3A_563 = vector.shape_cast %swap3A_562 : vector<1x16xf32> to vector<16xf32>
      %swap3A_564 = vector.shape_cast %add3A_559 : vector<16xf32> to vector<1x16xf32>
      tpu.vector_store %arg8[%swap3A_560, %swap3A_561], %swap3A_564 {strides = array<i32>} : memref<64x256xf32, #tpu.memory_space<vmem>>, vector<1x16xf32>,
      %mul3A_565 = arith.mulf %sub3A_558, %sub3A_558 : vector<16xf32>
      %add3A_566 = arith.addf %add3A_534, %mul3A_565 : vector<16xf32>
      %get3A_567 = arith.index_cast %scan3A_122 : i32 to index
      %get3A_568 = arith.constant 224 : index
      %get3A_569 = tpu.vector_load %arg8[%get3A_567, %get3A_568] {strides = array<i32>} : memref<64x256xf32, #tpu.memory_space<vmem>>, vector<1x16xf32>,
      %get3A_570 = vector.shape_cast %get3A_569 : vector<1x16xf32> to vector<16xf32>
      %bitcast_convert_type3A_571 = tpu.bitcast %get3A_570 : vector<16xf32> -> vector<16xi32>
      %add3A_572 = arith.constant 32767 : i32
      %add3A_573 = vector.broadcast %add3A_572 : i32 to vector<16xi32>
      %add3A_574 = arith.addi %bitcast_convert_type3A_571, %add3A_573 : vector<16xi32>
      %shift_right_arithmetic3A_575 = arith.constant 16 : i32
      %shift_right_arithmetic3A_576 = vector.broadcast %shift_right_arithmetic3A_575 : i32 to vector<16xi32>
      %shift_right_arithmetic3A_577 = arith.shrsi %bitcast_convert_type3A_571, %shift_right_arithmetic3A_576 : vector<16xi32>
      %and3A_578 = arith.constant 1 : i32
      %and3A_579 = vector.broadcast %and3A_578 : i32 to vector<16xi32>
      %and3A_580 = arith.andi %shift_right_arithmetic3A_577, %and3A_579 : vector<16xi32>
      %add3A_581 = arith.addi %add3A_574, %and3A_580 : vector<16xi32>
      %and3A_582 = arith.constant -65536 : i32
      %and3A_583 = vector.broadcast %and3A_582 : i32 to vector<16xi32>
      %and3A_584 = arith.andi %add3A_581, %and3A_583 : vector<16xi32>
      %bitcast_convert_type3A_585 = tpu.bitcast %and3A_584 : vector<16xi32> -> vector<16xf32>
      %get3A_586 = arith.index_cast %scan3A_122 : i32 to index
      %get3A_587 = arith.constant 224 : index
      %get3A_588 = tpu.vector_load %arg10[%get3A_586, %get3A_587] {strides = array<i32>} : memref<64x256xf32, #tpu.memory_space<vmem>>, vector<1x16xf32>,
      %get3A_589 = vector.shape_cast %get3A_588 : vector<1x16xf32> to vector<16xf32>
      %sub3A_590 = arith.subf %bitcast_convert_type3A_585, %get3A_589 : vector<16xf32>
      %add3A_591 = arith.addf %get3A_589, %sub3A_590 : vector<16xf32>
      %swap3A_592 = arith.index_cast %scan3A_122 : i32 to index
      %swap3A_593 = arith.constant 224 : index
      %swap3A_594 = tpu.vector_load %arg8[%swap3A_592, %swap3A_593] {strides = array<i32>} : memref<64x256xf32, #tpu.memory_space<vmem>>, vector<1x16xf32>,
      %swap3A_595 = vector.shape_cast %swap3A_594 : vector<1x16xf32> to vector<16xf32>
      %swap3A_596 = vector.shape_cast %add3A_591 : vector<16xf32> to vector<1x16xf32>
      tpu.vector_store %arg8[%swap3A_592, %swap3A_593], %swap3A_596 {strides = array<i32>} : memref<64x256xf32, #tpu.memory_space<vmem>>, vector<1x16xf32>,
      %mul3A_597 = arith.mulf %sub3A_590, %sub3A_590 : vector<16xf32>
      %add3A_598 = arith.addf %add3A_566, %mul3A_597 : vector<16xf32>
      %get3A_599 = arith.index_cast %scan3A_122 : i32 to index
      %get3A_600 = arith.constant 240 : index
      %get3A_601 = tpu.vector_load %arg8[%get3A_599, %get3A_600] {strides = array<i32>} : memref<64x256xf32, #tpu.memory_space<vmem>>, vector<1x16xf32>,
      %get3A_602 = vector.shape_cast %get3A_601 : vector<1x16xf32> to vector<16xf32>
      %bitcast_convert_type3A_603 = tpu.bitcast %get3A_602 : vector<16xf32> -> vector<16xi32>
      %add3A_604 = arith.constant 32767 : i32
      %add3A_605 = vector.broadcast %add3A_604 : i32 to vector<16xi32>
      %add3A_606 = arith.addi %bitcast_convert_type3A_603, %add3A_605 : vector<16xi32>
      %shift_right_arithmetic3A_607 = arith.constant 16 : i32
      %shift_right_arithmetic3A_608 = vector.broadcast %shift_right_arithmetic3A_607 : i32 to vector<16xi32>
      %shift_right_arithmetic3A_609 = arith.shrsi %bitcast_convert_type3A_603, %shift_right_arithmetic3A_608 : vector<16xi32>
      %and3A_610 = arith.constant 1 : i32
      %and3A_611 = vector.broadcast %and3A_610 : i32 to vector<16xi32>
      %and3A_612 = arith.andi %shift_right_arithmetic3A_609, %and3A_611 : vector<16xi32>
      %add3A_613 = arith.addi %add3A_606, %and3A_612 : vector<16xi32>
      %and3A_614 = arith.constant -65536 : i32
      %and3A_615 = vector.broadcast %and3A_614 : i32 to vector<16xi32>
      %and3A_616 = arith.andi %add3A_613, %and3A_615 : vector<16xi32>
      %bitcast_convert_type3A_617 = tpu.bitcast %and3A_616 : vector<16xi32> -> vector<16xf32>
      %get3A_618 = arith.index_cast %scan3A_122 : i32 to index
      %get3A_619 = arith.constant 240 : index
      %get3A_620 = tpu.vector_load %arg10[%get3A_618, %get3A_619] {strides = array<i32>} : memref<64x256xf32, #tpu.memory_space<vmem>>, vector<1x16xf32>,
      %get3A_621 = vector.shape_cast %get3A_620 : vector<1x16xf32> to vector<16xf32>
      %sub3A_622 = arith.subf %bitcast_convert_type3A_617, %get3A_621 : vector<16xf32>
      %add3A_623 = arith.addf %get3A_621, %sub3A_622 : vector<16xf32>
      %swap3A_624 = arith.index_cast %scan3A_122 : i32 to index
      %swap3A_625 = arith.constant 240 : index
      %swap3A_626 = tpu.vector_load %arg8[%swap3A_624, %swap3A_625] {strides = array<i32>} : memref<64x256xf32, #tpu.memory_space<vmem>>, vector<1x16xf32>,
      %swap3A_627 = vector.shape_cast %swap3A_626 : vector<1x16xf32> to vector<16xf32>
      %swap3A_628 = vector.shape_cast %add3A_623 : vector<16xf32> to vector<1x16xf32>
      tpu.vector_store %arg8[%swap3A_624, %swap3A_625], %swap3A_628 {strides = array<i32>} : memref<64x256xf32, #tpu.memory_space<vmem>>, vector<1x16xf32>,
      %mul3A_629 = arith.mulf %sub3A_622, %sub3A_622 : vector<16xf32>
      %add3A_630 = arith.addf %add3A_598, %mul3A_629 : vector<16xf32>
      scf.yield %add3A_630 : vector<16xf32>
    }
    %scan3A_37 = arith.constant 64 : i32
    %add3A_38 = arith.constant 0 : i32
    %add3A_39 = arith.addi %mul3A_2, %add3A_38 : i32
    "tpu.region"() ({
      %run_scoped3A = tpu.sem_alloc : memref<!tpu.dma_semaphore, #tpu.memory_space<semaphore_mem>>
      %dma_start3A_122 = arith.constant 0 : i32
      %dma_start3A_123 = tpu.memref_slice %arg5[%add3A_39, %dma_start3A_122] : memref<8192x256xf32, #tpu.memory_space<hbm>> -> memref<64x256xf32, #tpu.memory_space<hbm>>
      %dma_start3A_124 = arith.constant 0 : i32
      %dma_start3A_125 = tpu.memref_slice %arg5[%add3A_39, %dma_start3A_124] : memref<8192x256xf32, #tpu.memory_space<hbm>> -> memref<64x256xf32, #tpu.memory_space<hbm>>
      tpu.enqueue_dma source(%arg8 : memref<64x256xf32, #tpu.memory_space<vmem>>) target(%dma_start3A_125 : memref<64x256xf32, #tpu.memory_space<hbm>>) target_semaphore(%run_scoped3A : memref<!tpu.dma_semaphore, #tpu.memory_space<semaphore_mem>>)
      %dma_wait3A_126 = arith.constant 0 : i32
      %dma_wait3A_127 = tpu.memref_slice %arg5[%add3A_39, %dma_wait3A_126] : memref<8192x256xf32, #tpu.memory_space<hbm>> -> memref<64x256xf32, #tpu.memory_space<hbm>>
      %dma_wait3A_128 = arith.constant 0 : i32
      %dma_wait3A_129 = tpu.memref_slice %arg5[%add3A_39, %dma_wait3A_128] : memref<8192x256xf32, #tpu.memory_space<hbm>> -> memref<64x256xf32, #tpu.memory_space<hbm>>
      tpu.wait_dma2 semaphore(%run_scoped3A : memref<!tpu.dma_semaphore, #tpu.memory_space<semaphore_mem>>) src(%arg8 : memref<64x256xf32, #tpu.memory_space<vmem>>) dst(%dma_wait3A_129 : memref<64x256xf32, #tpu.memory_space<hbm>>)
      tpu.yield
    }) : () -> ()
    %dma_start3A_40 = arith.constant 128 : i32
    %dma_start3A_41 = tpu.memref_slice %arg7[%dma_start3A_40] : memref<256xi32, #tpu.memory_space<vmem>> -> memref<64xi32, #tpu.memory_space<vmem>>
    %dma_start3A_42 = arith.constant 0 : i32
    %dma_start3A_43 = arith.constant 0 : i32
    %dma_start3A_44 = tpu.memref_slice %arg2[%dma_start3A_42, %dma_start3A_43] : memref<8192x256xf32, #tpu.memory_space<hbm>> -> memref<8192x256xf32, #tpu.memory_space<hbm>>
    tpu.enqueue_indirect_dma source(%dma_start3A_44 : memref<8192x256xf32, #tpu.memory_space<hbm>>) target(%arg8 : memref<64x256xf32, #tpu.memory_space<vmem>>) offsets(%dma_start3A_41 : memref<64xi32, #tpu.memory_space<vmem>>) semaphore(%arg13 : memref<!tpu.dma_semaphore, #tpu.memory_space<semaphore_mem>>)
    %add3A_45 = arith.constant 128 : i32
    %add3A_46 = arith.addi %mul3A_2, %add3A_45 : i32
    %dma_start3A_47 = arith.constant 0 : i32
    %dma_start3A_48 = tpu.memref_slice %arg4[%add3A_46, %dma_start3A_47] : memref<8192x256xf32, #tpu.memory_space<hbm>> -> memref<64x256xf32, #tpu.memory_space<hbm>>
    %dma_start3A_49 = arith.constant 0 : i32
    %dma_start3A_50 = tpu.memref_slice %arg4[%add3A_46, %dma_start3A_49] : memref<8192x256xf32, #tpu.memory_space<hbm>> -> memref<64x256xf32, #tpu.memory_space<hbm>>
    tpu.enqueue_dma source(%dma_start3A_50 : memref<64x256xf32, #tpu.memory_space<hbm>>) target(%arg10 : memref<64x256xf32, #tpu.memory_space<vmem>>) target_semaphore(%arg15 : memref<!tpu.dma_semaphore, #tpu.memory_space<semaphore_mem>>)
    %dma_wait3A_51 = arith.constant 64 : i32
    %dma_wait3A_52 = tpu.memref_slice %arg7[%dma_wait3A_51] : memref<256xi32, #tpu.memory_space<vmem>> -> memref<64xi32, #tpu.memory_space<vmem>>
    %dma_wait3A_53 = arith.constant 0 : i32
    %dma_wait3A_54 = arith.constant 0 : i32
    %dma_wait3A_55 = tpu.memref_slice %arg2[%dma_wait3A_53, %dma_wait3A_54] : memref<8192x256xf32, #tpu.memory_space<hbm>> -> memref<8192x256xf32, #tpu.memory_space<hbm>>
    tpu.wait_indirect_dma semaphore(%arg14 : memref<!tpu.dma_semaphore, #tpu.memory_space<semaphore_mem>>) src(%dma_wait3A_55 : memref<8192x256xf32, #tpu.memory_space<hbm>>) dst(%arg9 : memref<64x256xf32, #tpu.memory_space<vmem>>)
    %add3A_56 = arith.constant 64 : i32
    %add3A_57 = arith.addi %mul3A_2, %add3A_56 : i32
    %dma_wait3A_58 = arith.constant 0 : i32
    %dma_wait3A_59 = tpu.memref_slice %arg4[%add3A_57, %dma_wait3A_58] : memref<8192x256xf32, #tpu.memory_space<hbm>> -> memref<64x256xf32, #tpu.memory_space<hbm>>
    %dma_wait3A_60 = arith.constant 0 : i32
    %dma_wait3A_61 = tpu.memref_slice %arg4[%add3A_57, %dma_wait3A_60] : memref<8192x256xf32, #tpu.memory_space<hbm>> -> memref<64x256xf32, #tpu.memory_space<hbm>>
    tpu.wait_dma2 semaphore(%arg16 : memref<!tpu.dma_semaphore, #tpu.memory_space<semaphore_mem>>) src(%dma_wait3A_61 : memref<64x256xf32, #tpu.memory_space<hbm>>) dst(%arg11 : memref<64x256xf32, #tpu.memory_space<vmem>>)
    %scan3A_62 = arith.constant 0 : i32
    %scan3A_63 = arith.constant 64 : i32
    %scan3A_64 = arith.addi %scan3A_62, %scan3A_63 : i32
    %scan3A_65 = arith.constant 1 : i32
    %scan3A_66 = scf.for %scan3A_122 = %scan3A_62 to %scan3A_64 step %scan3A_65 iter_args(%scan3A_123 = %scan3A_36) -> (vector<16xf32>)  : i32 {
      %get3A = arith.index_cast %scan3A_122 : i32 to index
      %get3A_124 = arith.constant 0 : index
      %get3A_125 = tpu.vector_load %arg9[%get3A, %get3A_124] {strides = array<i32>} : memref<64x256xf32, #tpu.memory_space<vmem>>, vector<1x16xf32>,
      %get3A_126 = vector.shape_cast %get3A_125 : vector<1x16xf32> to vector<16xf32>
      %bitcast_convert_type3A = tpu.bitcast %get3A_126 : vector<16xf32> -> vector<16xi32>
      %add3A_127 = arith.constant 32767 : i32
      %add3A_128 = vector.broadcast %add3A_127 : i32 to vector<16xi32>
      %add3A_129 = arith.addi %bitcast_convert_type3A, %add3A_128 : vector<16xi32>
      %shift_right_arithmetic3A = arith.constant 16 : i32
      %shift_right_arithmetic3A_130 = vector.broadcast %shift_right_arithmetic3A : i32 to vector<16xi32>
      %shift_right_arithmetic3A_131 = arith.shrsi %bitcast_convert_type3A, %shift_right_arithmetic3A_130 : vector<16xi32>
      %and3A = arith.constant 1 : i32
      %and3A_132 = vector.broadcast %and3A : i32 to vector<16xi32>
      %and3A_133 = arith.andi %shift_right_arithmetic3A_131, %and3A_132 : vector<16xi32>
      %add3A_134 = arith.addi %add3A_129, %and3A_133 : vector<16xi32>
      %and3A_135 = arith.constant -65536 : i32
      %and3A_136 = vector.broadcast %and3A_135 : i32 to vector<16xi32>
      %and3A_137 = arith.andi %add3A_134, %and3A_136 : vector<16xi32>
      %bitcast_convert_type3A_138 = tpu.bitcast %and3A_137 : vector<16xi32> -> vector<16xf32>
      %get3A_139 = arith.index_cast %scan3A_122 : i32 to index
      %get3A_140 = arith.constant 0 : index
      %get3A_141 = tpu.vector_load %arg11[%get3A_139, %get3A_140] {strides = array<i32>} : memref<64x256xf32, #tpu.memory_space<vmem>>, vector<1x16xf32>,
      %get3A_142 = vector.shape_cast %get3A_141 : vector<1x16xf32> to vector<16xf32>
      %sub3A = arith.subf %bitcast_convert_type3A_138, %get3A_142 : vector<16xf32>
      %add3A_143 = arith.addf %get3A_142, %sub3A : vector<16xf32>
      %swap3A_144 = arith.index_cast %scan3A_122 : i32 to index
      %swap3A_145 = arith.constant 0 : index
      %swap3A_146 = tpu.vector_load %arg9[%swap3A_144, %swap3A_145] {strides = array<i32>} : memref<64x256xf32, #tpu.memory_space<vmem>>, vector<1x16xf32>,
      %swap3A_147 = vector.shape_cast %swap3A_146 : vector<1x16xf32> to vector<16xf32>
      %swap3A_148 = vector.shape_cast %add3A_143 : vector<16xf32> to vector<1x16xf32>
      tpu.vector_store %arg9[%swap3A_144, %swap3A_145], %swap3A_148 {strides = array<i32>} : memref<64x256xf32, #tpu.memory_space<vmem>>, vector<1x16xf32>,
      %mul3A_149 = arith.mulf %sub3A, %sub3A : vector<16xf32>
      %add3A_150 = arith.addf %scan3A_123, %mul3A_149 : vector<16xf32>
      %get3A_151 = arith.index_cast %scan3A_122 : i32 to index
      %get3A_152 = arith.constant 16 : index
      %get3A_153 = tpu.vector_load %arg9[%get3A_151, %get3A_152] {strides = array<i32>} : memref<64x256xf32, #tpu.memory_space<vmem>>, vector<1x16xf32>,
      %get3A_154 = vector.shape_cast %get3A_153 : vector<1x16xf32> to vector<16xf32>
      %bitcast_convert_type3A_155 = tpu.bitcast %get3A_154 : vector<16xf32> -> vector<16xi32>
      %add3A_156 = arith.constant 32767 : i32
      %add3A_157 = vector.broadcast %add3A_156 : i32 to vector<16xi32>
      %add3A_158 = arith.addi %bitcast_convert_type3A_155, %add3A_157 : vector<16xi32>
      %shift_right_arithmetic3A_159 = arith.constant 16 : i32
      %shift_right_arithmetic3A_160 = vector.broadcast %shift_right_arithmetic3A_159 : i32 to vector<16xi32>
      %shift_right_arithmetic3A_161 = arith.shrsi %bitcast_convert_type3A_155, %shift_right_arithmetic3A_160 : vector<16xi32>
      %and3A_162 = arith.constant 1 : i32
      %and3A_163 = vector.broadcast %and3A_162 : i32 to vector<16xi32>
      %and3A_164 = arith.andi %shift_right_arithmetic3A_161, %and3A_163 : vector<16xi32>
      %add3A_165 = arith.addi %add3A_158, %and3A_164 : vector<16xi32>
      %and3A_166 = arith.constant -65536 : i32
      %and3A_167 = vector.broadcast %and3A_166 : i32 to vector<16xi32>
      %and3A_168 = arith.andi %add3A_165, %and3A_167 : vector<16xi32>
      %bitcast_convert_type3A_169 = tpu.bitcast %and3A_168 : vector<16xi32> -> vector<16xf32>
      %get3A_170 = arith.index_cast %scan3A_122 : i32 to index
      %get3A_171 = arith.constant 16 : index
      %get3A_172 = tpu.vector_load %arg11[%get3A_170, %get3A_171] {strides = array<i32>} : memref<64x256xf32, #tpu.memory_space<vmem>>, vector<1x16xf32>,
      %get3A_173 = vector.shape_cast %get3A_172 : vector<1x16xf32> to vector<16xf32>
      %sub3A_174 = arith.subf %bitcast_convert_type3A_169, %get3A_173 : vector<16xf32>
      %add3A_175 = arith.addf %get3A_173, %sub3A_174 : vector<16xf32>
      %swap3A_176 = arith.index_cast %scan3A_122 : i32 to index
      %swap3A_177 = arith.constant 16 : index
      %swap3A_178 = tpu.vector_load %arg9[%swap3A_176, %swap3A_177] {strides = array<i32>} : memref<64x256xf32, #tpu.memory_space<vmem>>, vector<1x16xf32>,
      %swap3A_179 = vector.shape_cast %swap3A_178 : vector<1x16xf32> to vector<16xf32>
      %swap3A_180 = vector.shape_cast %add3A_175 : vector<16xf32> to vector<1x16xf32>
      tpu.vector_store %arg9[%swap3A_176, %swap3A_177], %swap3A_180 {strides = array<i32>} : memref<64x256xf32, #tpu.memory_space<vmem>>, vector<1x16xf32>,
      %mul3A_181 = arith.mulf %sub3A_174, %sub3A_174 : vector<16xf32>
      %add3A_182 = arith.addf %add3A_150, %mul3A_181 : vector<16xf32>
      %get3A_183 = arith.index_cast %scan3A_122 : i32 to index
      %get3A_184 = arith.constant 32 : index
      %get3A_185 = tpu.vector_load %arg9[%get3A_183, %get3A_184] {strides = array<i32>} : memref<64x256xf32, #tpu.memory_space<vmem>>, vector<1x16xf32>,
      %get3A_186 = vector.shape_cast %get3A_185 : vector<1x16xf32> to vector<16xf32>
      %bitcast_convert_type3A_187 = tpu.bitcast %get3A_186 : vector<16xf32> -> vector<16xi32>
      %add3A_188 = arith.constant 32767 : i32
      %add3A_189 = vector.broadcast %add3A_188 : i32 to vector<16xi32>
      %add3A_190 = arith.addi %bitcast_convert_type3A_187, %add3A_189 : vector<16xi32>
      %shift_right_arithmetic3A_191 = arith.constant 16 : i32
      %shift_right_arithmetic3A_192 = vector.broadcast %shift_right_arithmetic3A_191 : i32 to vector<16xi32>
      %shift_right_arithmetic3A_193 = arith.shrsi %bitcast_convert_type3A_187, %shift_right_arithmetic3A_192 : vector<16xi32>
      %and3A_194 = arith.constant 1 : i32
      %and3A_195 = vector.broadcast %and3A_194 : i32 to vector<16xi32>
      %and3A_196 = arith.andi %shift_right_arithmetic3A_193, %and3A_195 : vector<16xi32>
      %add3A_197 = arith.addi %add3A_190, %and3A_196 : vector<16xi32>
      %and3A_198 = arith.constant -65536 : i32
      %and3A_199 = vector.broadcast %and3A_198 : i32 to vector<16xi32>
      %and3A_200 = arith.andi %add3A_197, %and3A_199 : vector<16xi32>
      %bitcast_convert_type3A_201 = tpu.bitcast %and3A_200 : vector<16xi32> -> vector<16xf32>
      %get3A_202 = arith.index_cast %scan3A_122 : i32 to index
      %get3A_203 = arith.constant 32 : index
      %get3A_204 = tpu.vector_load %arg11[%get3A_202, %get3A_203] {strides = array<i32>} : memref<64x256xf32, #tpu.memory_space<vmem>>, vector<1x16xf32>,
      %get3A_205 = vector.shape_cast %get3A_204 : vector<1x16xf32> to vector<16xf32>
      %sub3A_206 = arith.subf %bitcast_convert_type3A_201, %get3A_205 : vector<16xf32>
      %add3A_207 = arith.addf %get3A_205, %sub3A_206 : vector<16xf32>
      %swap3A_208 = arith.index_cast %scan3A_122 : i32 to index
      %swap3A_209 = arith.constant 32 : index
      %swap3A_210 = tpu.vector_load %arg9[%swap3A_208, %swap3A_209] {strides = array<i32>} : memref<64x256xf32, #tpu.memory_space<vmem>>, vector<1x16xf32>,
      %swap3A_211 = vector.shape_cast %swap3A_210 : vector<1x16xf32> to vector<16xf32>
      %swap3A_212 = vector.shape_cast %add3A_207 : vector<16xf32> to vector<1x16xf32>
      tpu.vector_store %arg9[%swap3A_208, %swap3A_209], %swap3A_212 {strides = array<i32>} : memref<64x256xf32, #tpu.memory_space<vmem>>, vector<1x16xf32>,
      %mul3A_213 = arith.mulf %sub3A_206, %sub3A_206 : vector<16xf32>
      %add3A_214 = arith.addf %add3A_182, %mul3A_213 : vector<16xf32>
      %get3A_215 = arith.index_cast %scan3A_122 : i32 to index
      %get3A_216 = arith.constant 48 : index
      %get3A_217 = tpu.vector_load %arg9[%get3A_215, %get3A_216] {strides = array<i32>} : memref<64x256xf32, #tpu.memory_space<vmem>>, vector<1x16xf32>,
      %get3A_218 = vector.shape_cast %get3A_217 : vector<1x16xf32> to vector<16xf32>
      %bitcast_convert_type3A_219 = tpu.bitcast %get3A_218 : vector<16xf32> -> vector<16xi32>
      %add3A_220 = arith.constant 32767 : i32
      %add3A_221 = vector.broadcast %add3A_220 : i32 to vector<16xi32>
      %add3A_222 = arith.addi %bitcast_convert_type3A_219, %add3A_221 : vector<16xi32>
      %shift_right_arithmetic3A_223 = arith.constant 16 : i32
      %shift_right_arithmetic3A_224 = vector.broadcast %shift_right_arithmetic3A_223 : i32 to vector<16xi32>
      %shift_right_arithmetic3A_225 = arith.shrsi %bitcast_convert_type3A_219, %shift_right_arithmetic3A_224 : vector<16xi32>
      %and3A_226 = arith.constant 1 : i32
      %and3A_227 = vector.broadcast %and3A_226 : i32 to vector<16xi32>
      %and3A_228 = arith.andi %shift_right_arithmetic3A_225, %and3A_227 : vector<16xi32>
      %add3A_229 = arith.addi %add3A_222, %and3A_228 : vector<16xi32>
      %and3A_230 = arith.constant -65536 : i32
      %and3A_231 = vector.broadcast %and3A_230 : i32 to vector<16xi32>
      %and3A_232 = arith.andi %add3A_229, %and3A_231 : vector<16xi32>
      %bitcast_convert_type3A_233 = tpu.bitcast %and3A_232 : vector<16xi32> -> vector<16xf32>
      %get3A_234 = arith.index_cast %scan3A_122 : i32 to index
      %get3A_235 = arith.constant 48 : index
      %get3A_236 = tpu.vector_load %arg11[%get3A_234, %get3A_235] {strides = array<i32>} : memref<64x256xf32, #tpu.memory_space<vmem>>, vector<1x16xf32>,
      %get3A_237 = vector.shape_cast %get3A_236 : vector<1x16xf32> to vector<16xf32>
      %sub3A_238 = arith.subf %bitcast_convert_type3A_233, %get3A_237 : vector<16xf32>
      %add3A_239 = arith.addf %get3A_237, %sub3A_238 : vector<16xf32>
      %swap3A_240 = arith.index_cast %scan3A_122 : i32 to index
      %swap3A_241 = arith.constant 48 : index
      %swap3A_242 = tpu.vector_load %arg9[%swap3A_240, %swap3A_241] {strides = array<i32>} : memref<64x256xf32, #tpu.memory_space<vmem>>, vector<1x16xf32>,
      %swap3A_243 = vector.shape_cast %swap3A_242 : vector<1x16xf32> to vector<16xf32>
      %swap3A_244 = vector.shape_cast %add3A_239 : vector<16xf32> to vector<1x16xf32>
      tpu.vector_store %arg9[%swap3A_240, %swap3A_241], %swap3A_244 {strides = array<i32>} : memref<64x256xf32, #tpu.memory_space<vmem>>, vector<1x16xf32>,
      %mul3A_245 = arith.mulf %sub3A_238, %sub3A_238 : vector<16xf32>
      %add3A_246 = arith.addf %add3A_214, %mul3A_245 : vector<16xf32>
      %get3A_247 = arith.index_cast %scan3A_122 : i32 to index
      %get3A_248 = arith.constant 64 : index
      %get3A_249 = tpu.vector_load %arg9[%get3A_247, %get3A_248] {strides = array<i32>} : memref<64x256xf32, #tpu.memory_space<vmem>>, vector<1x16xf32>,
      %get3A_250 = vector.shape_cast %get3A_249 : vector<1x16xf32> to vector<16xf32>
      %bitcast_convert_type3A_251 = tpu.bitcast %get3A_250 : vector<16xf32> -> vector<16xi32>
      %add3A_252 = arith.constant 32767 : i32
      %add3A_253 = vector.broadcast %add3A_252 : i32 to vector<16xi32>
      %add3A_254 = arith.addi %bitcast_convert_type3A_251, %add3A_253 : vector<16xi32>
      %shift_right_arithmetic3A_255 = arith.constant 16 : i32
      %shift_right_arithmetic3A_256 = vector.broadcast %shift_right_arithmetic3A_255 : i32 to vector<16xi32>
      %shift_right_arithmetic3A_257 = arith.shrsi %bitcast_convert_type3A_251, %shift_right_arithmetic3A_256 : vector<16xi32>
      %and3A_258 = arith.constant 1 : i32
      %and3A_259 = vector.broadcast %and3A_258 : i32 to vector<16xi32>
      %and3A_260 = arith.andi %shift_right_arithmetic3A_257, %and3A_259 : vector<16xi32>
      %add3A_261 = arith.addi %add3A_254, %and3A_260 : vector<16xi32>
      %and3A_262 = arith.constant -65536 : i32
      %and3A_263 = vector.broadcast %and3A_262 : i32 to vector<16xi32>
      %and3A_264 = arith.andi %add3A_261, %and3A_263 : vector<16xi32>
      %bitcast_convert_type3A_265 = tpu.bitcast %and3A_264 : vector<16xi32> -> vector<16xf32>
      %get3A_266 = arith.index_cast %scan3A_122 : i32 to index
      %get3A_267 = arith.constant 64 : index
      %get3A_268 = tpu.vector_load %arg11[%get3A_266, %get3A_267] {strides = array<i32>} : memref<64x256xf32, #tpu.memory_space<vmem>>, vector<1x16xf32>,
      %get3A_269 = vector.shape_cast %get3A_268 : vector<1x16xf32> to vector<16xf32>
      %sub3A_270 = arith.subf %bitcast_convert_type3A_265, %get3A_269 : vector<16xf32>
      %add3A_271 = arith.addf %get3A_269, %sub3A_270 : vector<16xf32>
      %swap3A_272 = arith.index_cast %scan3A_122 : i32 to index
      %swap3A_273 = arith.constant 64 : index
      %swap3A_274 = tpu.vector_load %arg9[%swap3A_272, %swap3A_273] {strides = array<i32>} : memref<64x256xf32, #tpu.memory_space<vmem>>, vector<1x16xf32>,
      %swap3A_275 = vector.shape_cast %swap3A_274 : vector<1x16xf32> to vector<16xf32>
      %swap3A_276 = vector.shape_cast %add3A_271 : vector<16xf32> to vector<1x16xf32>
      tpu.vector_store %arg9[%swap3A_272, %swap3A_273], %swap3A_276 {strides = array<i32>} : memref<64x256xf32, #tpu.memory_space<vmem>>, vector<1x16xf32>,
      %mul3A_277 = arith.mulf %sub3A_270, %sub3A_270 : vector<16xf32>
      %add3A_278 = arith.addf %add3A_246, %mul3A_277 : vector<16xf32>
      %get3A_279 = arith.index_cast %scan3A_122 : i32 to index
      %get3A_280 = arith.constant 80 : index
      %get3A_281 = tpu.vector_load %arg9[%get3A_279, %get3A_280] {strides = array<i32>} : memref<64x256xf32, #tpu.memory_space<vmem>>, vector<1x16xf32>,
      %get3A_282 = vector.shape_cast %get3A_281 : vector<1x16xf32> to vector<16xf32>
      %bitcast_convert_type3A_283 = tpu.bitcast %get3A_282 : vector<16xf32> -> vector<16xi32>
      %add3A_284 = arith.constant 32767 : i32
      %add3A_285 = vector.broadcast %add3A_284 : i32 to vector<16xi32>
      %add3A_286 = arith.addi %bitcast_convert_type3A_283, %add3A_285 : vector<16xi32>
      %shift_right_arithmetic3A_287 = arith.constant 16 : i32
      %shift_right_arithmetic3A_288 = vector.broadcast %shift_right_arithmetic3A_287 : i32 to vector<16xi32>
      %shift_right_arithmetic3A_289 = arith.shrsi %bitcast_convert_type3A_283, %shift_right_arithmetic3A_288 : vector<16xi32>
      %and3A_290 = arith.constant 1 : i32
      %and3A_291 = vector.broadcast %and3A_290 : i32 to vector<16xi32>
      %and3A_292 = arith.andi %shift_right_arithmetic3A_289, %and3A_291 : vector<16xi32>
      %add3A_293 = arith.addi %add3A_286, %and3A_292 : vector<16xi32>
      %and3A_294 = arith.constant -65536 : i32
      %and3A_295 = vector.broadcast %and3A_294 : i32 to vector<16xi32>
      %and3A_296 = arith.andi %add3A_293, %and3A_295 : vector<16xi32>
      %bitcast_convert_type3A_297 = tpu.bitcast %and3A_296 : vector<16xi32> -> vector<16xf32>
      %get3A_298 = arith.index_cast %scan3A_122 : i32 to index
      %get3A_299 = arith.constant 80 : index
      %get3A_300 = tpu.vector_load %arg11[%get3A_298, %get3A_299] {strides = array<i32>} : memref<64x256xf32, #tpu.memory_space<vmem>>, vector<1x16xf32>,
      %get3A_301 = vector.shape_cast %get3A_300 : vector<1x16xf32> to vector<16xf32>
      %sub3A_302 = arith.subf %bitcast_convert_type3A_297, %get3A_301 : vector<16xf32>
      %add3A_303 = arith.addf %get3A_301, %sub3A_302 : vector<16xf32>
      %swap3A_304 = arith.index_cast %scan3A_122 : i32 to index
      %swap3A_305 = arith.constant 80 : index
      %swap3A_306 = tpu.vector_load %arg9[%swap3A_304, %swap3A_305] {strides = array<i32>} : memref<64x256xf32, #tpu.memory_space<vmem>>, vector<1x16xf32>,
      %swap3A_307 = vector.shape_cast %swap3A_306 : vector<1x16xf32> to vector<16xf32>
      %swap3A_308 = vector.shape_cast %add3A_303 : vector<16xf32> to vector<1x16xf32>
      tpu.vector_store %arg9[%swap3A_304, %swap3A_305], %swap3A_308 {strides = array<i32>} : memref<64x256xf32, #tpu.memory_space<vmem>>, vector<1x16xf32>,
      %mul3A_309 = arith.mulf %sub3A_302, %sub3A_302 : vector<16xf32>
      %add3A_310 = arith.addf %add3A_278, %mul3A_309 : vector<16xf32>
      %get3A_311 = arith.index_cast %scan3A_122 : i32 to index
      %get3A_312 = arith.constant 96 : index
      %get3A_313 = tpu.vector_load %arg9[%get3A_311, %get3A_312] {strides = array<i32>} : memref<64x256xf32, #tpu.memory_space<vmem>>, vector<1x16xf32>,
      %get3A_314 = vector.shape_cast %get3A_313 : vector<1x16xf32> to vector<16xf32>
      %bitcast_convert_type3A_315 = tpu.bitcast %get3A_314 : vector<16xf32> -> vector<16xi32>
      %add3A_316 = arith.constant 32767 : i32
      %add3A_317 = vector.broadcast %add3A_316 : i32 to vector<16xi32>
      %add3A_318 = arith.addi %bitcast_convert_type3A_315, %add3A_317 : vector<16xi32>
      %shift_right_arithmetic3A_319 = arith.constant 16 : i32
      %shift_right_arithmetic3A_320 = vector.broadcast %shift_right_arithmetic3A_319 : i32 to vector<16xi32>
      %shift_right_arithmetic3A_321 = arith.shrsi %bitcast_convert_type3A_315, %shift_right_arithmetic3A_320 : vector<16xi32>
      %and3A_322 = arith.constant 1 : i32
      %and3A_323 = vector.broadcast %and3A_322 : i32 to vector<16xi32>
      %and3A_324 = arith.andi %shift_right_arithmetic3A_321, %and3A_323 : vector<16xi32>
      %add3A_325 = arith.addi %add3A_318, %and3A_324 : vector<16xi32>
      %and3A_326 = arith.constant -65536 : i32
      %and3A_327 = vector.broadcast %and3A_326 : i32 to vector<16xi32>
      %and3A_328 = arith.andi %add3A_325, %and3A_327 : vector<16xi32>
      %bitcast_convert_type3A_329 = tpu.bitcast %and3A_328 : vector<16xi32> -> vector<16xf32>
      %get3A_330 = arith.index_cast %scan3A_122 : i32 to index
      %get3A_331 = arith.constant 96 : index
      %get3A_332 = tpu.vector_load %arg11[%get3A_330, %get3A_331] {strides = array<i32>} : memref<64x256xf32, #tpu.memory_space<vmem>>, vector<1x16xf32>,
      %get3A_333 = vector.shape_cast %get3A_332 : vector<1x16xf32> to vector<16xf32>
      %sub3A_334 = arith.subf %bitcast_convert_type3A_329, %get3A_333 : vector<16xf32>
      %add3A_335 = arith.addf %get3A_333, %sub3A_334 : vector<16xf32>
      %swap3A_336 = arith.index_cast %scan3A_122 : i32 to index
      %swap3A_337 = arith.constant 96 : index
      %swap3A_338 = tpu.vector_load %arg9[%swap3A_336, %swap3A_337] {strides = array<i32>} : memref<64x256xf32, #tpu.memory_space<vmem>>, vector<1x16xf32>,
      %swap3A_339 = vector.shape_cast %swap3A_338 : vector<1x16xf32> to vector<16xf32>
      %swap3A_340 = vector.shape_cast %add3A_335 : vector<16xf32> to vector<1x16xf32>
      tpu.vector_store %arg9[%swap3A_336, %swap3A_337], %swap3A_340 {strides = array<i32>} : memref<64x256xf32, #tpu.memory_space<vmem>>, vector<1x16xf32>,
      %mul3A_341 = arith.mulf %sub3A_334, %sub3A_334 : vector<16xf32>
      %add3A_342 = arith.addf %add3A_310, %mul3A_341 : vector<16xf32>
      %get3A_343 = arith.index_cast %scan3A_122 : i32 to index
      %get3A_344 = arith.constant 112 : index
      %get3A_345 = tpu.vector_load %arg9[%get3A_343, %get3A_344] {strides = array<i32>} : memref<64x256xf32, #tpu.memory_space<vmem>>, vector<1x16xf32>,
      %get3A_346 = vector.shape_cast %get3A_345 : vector<1x16xf32> to vector<16xf32>
      %bitcast_convert_type3A_347 = tpu.bitcast %get3A_346 : vector<16xf32> -> vector<16xi32>
      %add3A_348 = arith.constant 32767 : i32
      %add3A_349 = vector.broadcast %add3A_348 : i32 to vector<16xi32>
      %add3A_350 = arith.addi %bitcast_convert_type3A_347, %add3A_349 : vector<16xi32>
      %shift_right_arithmetic3A_351 = arith.constant 16 : i32
      %shift_right_arithmetic3A_352 = vector.broadcast %shift_right_arithmetic3A_351 : i32 to vector<16xi32>
      %shift_right_arithmetic3A_353 = arith.shrsi %bitcast_convert_type3A_347, %shift_right_arithmetic3A_352 : vector<16xi32>
      %and3A_354 = arith.constant 1 : i32
      %and3A_355 = vector.broadcast %and3A_354 : i32 to vector<16xi32>
      %and3A_356 = arith.andi %shift_right_arithmetic3A_353, %and3A_355 : vector<16xi32>
      %add3A_357 = arith.addi %add3A_350, %and3A_356 : vector<16xi32>
      %and3A_358 = arith.constant -65536 : i32
      %and3A_359 = vector.broadcast %and3A_358 : i32 to vector<16xi32>
      %and3A_360 = arith.andi %add3A_357, %and3A_359 : vector<16xi32>
      %bitcast_convert_type3A_361 = tpu.bitcast %and3A_360 : vector<16xi32> -> vector<16xf32>
      %get3A_362 = arith.index_cast %scan3A_122 : i32 to index
      %get3A_363 = arith.constant 112 : index
      %get3A_364 = tpu.vector_load %arg11[%get3A_362, %get3A_363] {strides = array<i32>} : memref<64x256xf32, #tpu.memory_space<vmem>>, vector<1x16xf32>,
      %get3A_365 = vector.shape_cast %get3A_364 : vector<1x16xf32> to vector<16xf32>
      %sub3A_366 = arith.subf %bitcast_convert_type3A_361, %get3A_365 : vector<16xf32>
      %add3A_367 = arith.addf %get3A_365, %sub3A_366 : vector<16xf32>
      %swap3A_368 = arith.index_cast %scan3A_122 : i32 to index
      %swap3A_369 = arith.constant 112 : index
      %swap3A_370 = tpu.vector_load %arg9[%swap3A_368, %swap3A_369] {strides = array<i32>} : memref<64x256xf32, #tpu.memory_space<vmem>>, vector<1x16xf32>,
      %swap3A_371 = vector.shape_cast %swap3A_370 : vector<1x16xf32> to vector<16xf32>
      %swap3A_372 = vector.shape_cast %add3A_367 : vector<16xf32> to vector<1x16xf32>
      tpu.vector_store %arg9[%swap3A_368, %swap3A_369], %swap3A_372 {strides = array<i32>} : memref<64x256xf32, #tpu.memory_space<vmem>>, vector<1x16xf32>,
      %mul3A_373 = arith.mulf %sub3A_366, %sub3A_366 : vector<16xf32>
      %add3A_374 = arith.addf %add3A_342, %mul3A_373 : vector<16xf32>
      %get3A_375 = arith.index_cast %scan3A_122 : i32 to index
      %get3A_376 = arith.constant 128 : index
      %get3A_377 = tpu.vector_load %arg9[%get3A_375, %get3A_376] {strides = array<i32>} : memref<64x256xf32, #tpu.memory_space<vmem>>, vector<1x16xf32>,
      %get3A_378 = vector.shape_cast %get3A_377 : vector<1x16xf32> to vector<16xf32>
      %bitcast_convert_type3A_379 = tpu.bitcast %get3A_378 : vector<16xf32> -> vector<16xi32>
      %add3A_380 = arith.constant 32767 : i32
      %add3A_381 = vector.broadcast %add3A_380 : i32 to vector<16xi32>
      %add3A_382 = arith.addi %bitcast_convert_type3A_379, %add3A_381 : vector<16xi32>
      %shift_right_arithmetic3A_383 = arith.constant 16 : i32
      %shift_right_arithmetic3A_384 = vector.broadcast %shift_right_arithmetic3A_383 : i32 to vector<16xi32>
      %shift_right_arithmetic3A_385 = arith.shrsi %bitcast_convert_type3A_379, %shift_right_arithmetic3A_384 : vector<16xi32>
      %and3A_386 = arith.constant 1 : i32
      %and3A_387 = vector.broadcast %and3A_386 : i32 to vector<16xi32>
      %and3A_388 = arith.andi %shift_right_arithmetic3A_385, %and3A_387 : vector<16xi32>
      %add3A_389 = arith.addi %add3A_382, %and3A_388 : vector<16xi32>
      %and3A_390 = arith.constant -65536 : i32
      %and3A_391 = vector.broadcast %and3A_390 : i32 to vector<16xi32>
      %and3A_392 = arith.andi %add3A_389, %and3A_391 : vector<16xi32>
      %bitcast_convert_type3A_393 = tpu.bitcast %and3A_392 : vector<16xi32> -> vector<16xf32>
      %get3A_394 = arith.index_cast %scan3A_122 : i32 to index
      %get3A_395 = arith.constant 128 : index
      %get3A_396 = tpu.vector_load %arg11[%get3A_394, %get3A_395] {strides = array<i32>} : memref<64x256xf32, #tpu.memory_space<vmem>>, vector<1x16xf32>,
      %get3A_397 = vector.shape_cast %get3A_396 : vector<1x16xf32> to vector<16xf32>
      %sub3A_398 = arith.subf %bitcast_convert_type3A_393, %get3A_397 : vector<16xf32>
      %add3A_399 = arith.addf %get3A_397, %sub3A_398 : vector<16xf32>
      %swap3A_400 = arith.index_cast %scan3A_122 : i32 to index
      %swap3A_401 = arith.constant 128 : index
      %swap3A_402 = tpu.vector_load %arg9[%swap3A_400, %swap3A_401] {strides = array<i32>} : memref<64x256xf32, #tpu.memory_space<vmem>>, vector<1x16xf32>,
      %swap3A_403 = vector.shape_cast %swap3A_402 : vector<1x16xf32> to vector<16xf32>
      %swap3A_404 = vector.shape_cast %add3A_399 : vector<16xf32> to vector<1x16xf32>
      tpu.vector_store %arg9[%swap3A_400, %swap3A_401], %swap3A_404 {strides = array<i32>} : memref<64x256xf32, #tpu.memory_space<vmem>>, vector<1x16xf32>,
      %mul3A_405 = arith.mulf %sub3A_398, %sub3A_398 : vector<16xf32>
      %add3A_406 = arith.addf %add3A_374, %mul3A_405 : vector<16xf32>
      %get3A_407 = arith.index_cast %scan3A_122 : i32 to index
      %get3A_408 = arith.constant 144 : index
      %get3A_409 = tpu.vector_load %arg9[%get3A_407, %get3A_408] {strides = array<i32>} : memref<64x256xf32, #tpu.memory_space<vmem>>, vector<1x16xf32>,
      %get3A_410 = vector.shape_cast %get3A_409 : vector<1x16xf32> to vector<16xf32>
      %bitcast_convert_type3A_411 = tpu.bitcast %get3A_410 : vector<16xf32> -> vector<16xi32>
      %add3A_412 = arith.constant 32767 : i32
      %add3A_413 = vector.broadcast %add3A_412 : i32 to vector<16xi32>
      %add3A_414 = arith.addi %bitcast_convert_type3A_411, %add3A_413 : vector<16xi32>
      %shift_right_arithmetic3A_415 = arith.constant 16 : i32
      %shift_right_arithmetic3A_416 = vector.broadcast %shift_right_arithmetic3A_415 : i32 to vector<16xi32>
      %shift_right_arithmetic3A_417 = arith.shrsi %bitcast_convert_type3A_411, %shift_right_arithmetic3A_416 : vector<16xi32>
      %and3A_418 = arith.constant 1 : i32
      %and3A_419 = vector.broadcast %and3A_418 : i32 to vector<16xi32>
      %and3A_420 = arith.andi %shift_right_arithmetic3A_417, %and3A_419 : vector<16xi32>
      %add3A_421 = arith.addi %add3A_414, %and3A_420 : vector<16xi32>
      %and3A_422 = arith.constant -65536 : i32
      %and3A_423 = vector.broadcast %and3A_422 : i32 to vector<16xi32>
      %and3A_424 = arith.andi %add3A_421, %and3A_423 : vector<16xi32>
      %bitcast_convert_type3A_425 = tpu.bitcast %and3A_424 : vector<16xi32> -> vector<16xf32>
      %get3A_426 = arith.index_cast %scan3A_122 : i32 to index
      %get3A_427 = arith.constant 144 : index
      %get3A_428 = tpu.vector_load %arg11[%get3A_426, %get3A_427] {strides = array<i32>} : memref<64x256xf32, #tpu.memory_space<vmem>>, vector<1x16xf32>,
      %get3A_429 = vector.shape_cast %get3A_428 : vector<1x16xf32> to vector<16xf32>
      %sub3A_430 = arith.subf %bitcast_convert_type3A_425, %get3A_429 : vector<16xf32>
      %add3A_431 = arith.addf %get3A_429, %sub3A_430 : vector<16xf32>
      %swap3A_432 = arith.index_cast %scan3A_122 : i32 to index
      %swap3A_433 = arith.constant 144 : index
      %swap3A_434 = tpu.vector_load %arg9[%swap3A_432, %swap3A_433] {strides = array<i32>} : memref<64x256xf32, #tpu.memory_space<vmem>>, vector<1x16xf32>,
      %swap3A_435 = vector.shape_cast %swap3A_434 : vector<1x16xf32> to vector<16xf32>
      %swap3A_436 = vector.shape_cast %add3A_431 : vector<16xf32> to vector<1x16xf32>
      tpu.vector_store %arg9[%swap3A_432, %swap3A_433], %swap3A_436 {strides = array<i32>} : memref<64x256xf32, #tpu.memory_space<vmem>>, vector<1x16xf32>,
      %mul3A_437 = arith.mulf %sub3A_430, %sub3A_430 : vector<16xf32>
      %add3A_438 = arith.addf %add3A_406, %mul3A_437 : vector<16xf32>
      %get3A_439 = arith.index_cast %scan3A_122 : i32 to index
      %get3A_440 = arith.constant 160 : index
      %get3A_441 = tpu.vector_load %arg9[%get3A_439, %get3A_440] {strides = array<i32>} : memref<64x256xf32, #tpu.memory_space<vmem>>, vector<1x16xf32>,
      %get3A_442 = vector.shape_cast %get3A_441 : vector<1x16xf32> to vector<16xf32>
      %bitcast_convert_type3A_443 = tpu.bitcast %get3A_442 : vector<16xf32> -> vector<16xi32>
      %add3A_444 = arith.constant 32767 : i32
      %add3A_445 = vector.broadcast %add3A_444 : i32 to vector<16xi32>
      %add3A_446 = arith.addi %bitcast_convert_type3A_443, %add3A_445 : vector<16xi32>
      %shift_right_arithmetic3A_447 = arith.constant 16 : i32
      %shift_right_arithmetic3A_448 = vector.broadcast %shift_right_arithmetic3A_447 : i32 to vector<16xi32>
      %shift_right_arithmetic3A_449 = arith.shrsi %bitcast_convert_type3A_443, %shift_right_arithmetic3A_448 : vector<16xi32>
      %and3A_450 = arith.constant 1 : i32
      %and3A_451 = vector.broadcast %and3A_450 : i32 to vector<16xi32>
      %and3A_452 = arith.andi %shift_right_arithmetic3A_449, %and3A_451 : vector<16xi32>
      %add3A_453 = arith.addi %add3A_446, %and3A_452 : vector<16xi32>
      %and3A_454 = arith.constant -65536 : i32
      %and3A_455 = vector.broadcast %and3A_454 : i32 to vector<16xi32>
      %and3A_456 = arith.andi %add3A_453, %and3A_455 : vector<16xi32>
      %bitcast_convert_type3A_457 = tpu.bitcast %and3A_456 : vector<16xi32> -> vector<16xf32>
      %get3A_458 = arith.index_cast %scan3A_122 : i32 to index
      %get3A_459 = arith.constant 160 : index
      %get3A_460 = tpu.vector_load %arg11[%get3A_458, %get3A_459] {strides = array<i32>} : memref<64x256xf32, #tpu.memory_space<vmem>>, vector<1x16xf32>,
      %get3A_461 = vector.shape_cast %get3A_460 : vector<1x16xf32> to vector<16xf32>
      %sub3A_462 = arith.subf %bitcast_convert_type3A_457, %get3A_461 : vector<16xf32>
      %add3A_463 = arith.addf %get3A_461, %sub3A_462 : vector<16xf32>
      %swap3A_464 = arith.index_cast %scan3A_122 : i32 to index
      %swap3A_465 = arith.constant 160 : index
      %swap3A_466 = tpu.vector_load %arg9[%swap3A_464, %swap3A_465] {strides = array<i32>} : memref<64x256xf32, #tpu.memory_space<vmem>>, vector<1x16xf32>,
      %swap3A_467 = vector.shape_cast %swap3A_466 : vector<1x16xf32> to vector<16xf32>
      %swap3A_468 = vector.shape_cast %add3A_463 : vector<16xf32> to vector<1x16xf32>
      tpu.vector_store %arg9[%swap3A_464, %swap3A_465], %swap3A_468 {strides = array<i32>} : memref<64x256xf32, #tpu.memory_space<vmem>>, vector<1x16xf32>,
      %mul3A_469 = arith.mulf %sub3A_462, %sub3A_462 : vector<16xf32>
      %add3A_470 = arith.addf %add3A_438, %mul3A_469 : vector<16xf32>
      %get3A_471 = arith.index_cast %scan3A_122 : i32 to index
      %get3A_472 = arith.constant 176 : index
      %get3A_473 = tpu.vector_load %arg9[%get3A_471, %get3A_472] {strides = array<i32>} : memref<64x256xf32, #tpu.memory_space<vmem>>, vector<1x16xf32>,
      %get3A_474 = vector.shape_cast %get3A_473 : vector<1x16xf32> to vector<16xf32>
      %bitcast_convert_type3A_475 = tpu.bitcast %get3A_474 : vector<16xf32> -> vector<16xi32>
      %add3A_476 = arith.constant 32767 : i32
      %add3A_477 = vector.broadcast %add3A_476 : i32 to vector<16xi32>
      %add3A_478 = arith.addi %bitcast_convert_type3A_475, %add3A_477 : vector<16xi32>
      %shift_right_arithmetic3A_479 = arith.constant 16 : i32
      %shift_right_arithmetic3A_480 = vector.broadcast %shift_right_arithmetic3A_479 : i32 to vector<16xi32>
      %shift_right_arithmetic3A_481 = arith.shrsi %bitcast_convert_type3A_475, %shift_right_arithmetic3A_480 : vector<16xi32>
      %and3A_482 = arith.constant 1 : i32
      %and3A_483 = vector.broadcast %and3A_482 : i32 to vector<16xi32>
      %and3A_484 = arith.andi %shift_right_arithmetic3A_481, %and3A_483 : vector<16xi32>
      %add3A_485 = arith.addi %add3A_478, %and3A_484 : vector<16xi32>
      %and3A_486 = arith.constant -65536 : i32
      %and3A_487 = vector.broadcast %and3A_486 : i32 to vector<16xi32>
      %and3A_488 = arith.andi %add3A_485, %and3A_487 : vector<16xi32>
      %bitcast_convert_type3A_489 = tpu.bitcast %and3A_488 : vector<16xi32> -> vector<16xf32>
      %get3A_490 = arith.index_cast %scan3A_122 : i32 to index
      %get3A_491 = arith.constant 176 : index
      %get3A_492 = tpu.vector_load %arg11[%get3A_490, %get3A_491] {strides = array<i32>} : memref<64x256xf32, #tpu.memory_space<vmem>>, vector<1x16xf32>,
      %get3A_493 = vector.shape_cast %get3A_492 : vector<1x16xf32> to vector<16xf32>
      %sub3A_494 = arith.subf %bitcast_convert_type3A_489, %get3A_493 : vector<16xf32>
      %add3A_495 = arith.addf %get3A_493, %sub3A_494 : vector<16xf32>
      %swap3A_496 = arith.index_cast %scan3A_122 : i32 to index
      %swap3A_497 = arith.constant 176 : index
      %swap3A_498 = tpu.vector_load %arg9[%swap3A_496, %swap3A_497] {strides = array<i32>} : memref<64x256xf32, #tpu.memory_space<vmem>>, vector<1x16xf32>,
      %swap3A_499 = vector.shape_cast %swap3A_498 : vector<1x16xf32> to vector<16xf32>
      %swap3A_500 = vector.shape_cast %add3A_495 : vector<16xf32> to vector<1x16xf32>
      tpu.vector_store %arg9[%swap3A_496, %swap3A_497], %swap3A_500 {strides = array<i32>} : memref<64x256xf32, #tpu.memory_space<vmem>>, vector<1x16xf32>,
      %mul3A_501 = arith.mulf %sub3A_494, %sub3A_494 : vector<16xf32>
      %add3A_502 = arith.addf %add3A_470, %mul3A_501 : vector<16xf32>
      %get3A_503 = arith.index_cast %scan3A_122 : i32 to index
      %get3A_504 = arith.constant 192 : index
      %get3A_505 = tpu.vector_load %arg9[%get3A_503, %get3A_504] {strides = array<i32>} : memref<64x256xf32, #tpu.memory_space<vmem>>, vector<1x16xf32>,
      %get3A_506 = vector.shape_cast %get3A_505 : vector<1x16xf32> to vector<16xf32>
      %bitcast_convert_type3A_507 = tpu.bitcast %get3A_506 : vector<16xf32> -> vector<16xi32>
      %add3A_508 = arith.constant 32767 : i32
      %add3A_509 = vector.broadcast %add3A_508 : i32 to vector<16xi32>
      %add3A_510 = arith.addi %bitcast_convert_type3A_507, %add3A_509 : vector<16xi32>
      %shift_right_arithmetic3A_511 = arith.constant 16 : i32
      %shift_right_arithmetic3A_512 = vector.broadcast %shift_right_arithmetic3A_511 : i32 to vector<16xi32>
      %shift_right_arithmetic3A_513 = arith.shrsi %bitcast_convert_type3A_507, %shift_right_arithmetic3A_512 : vector<16xi32>
      %and3A_514 = arith.constant 1 : i32
      %and3A_515 = vector.broadcast %and3A_514 : i32 to vector<16xi32>
      %and3A_516 = arith.andi %shift_right_arithmetic3A_513, %and3A_515 : vector<16xi32>
      %add3A_517 = arith.addi %add3A_510, %and3A_516 : vector<16xi32>
      %and3A_518 = arith.constant -65536 : i32
      %and3A_519 = vector.broadcast %and3A_518 : i32 to vector<16xi32>
      %and3A_520 = arith.andi %add3A_517, %and3A_519 : vector<16xi32>
      %bitcast_convert_type3A_521 = tpu.bitcast %and3A_520 : vector<16xi32> -> vector<16xf32>
      %get3A_522 = arith.index_cast %scan3A_122 : i32 to index
      %get3A_523 = arith.constant 192 : index
      %get3A_524 = tpu.vector_load %arg11[%get3A_522, %get3A_523] {strides = array<i32>} : memref<64x256xf32, #tpu.memory_space<vmem>>, vector<1x16xf32>,
      %get3A_525 = vector.shape_cast %get3A_524 : vector<1x16xf32> to vector<16xf32>
      %sub3A_526 = arith.subf %bitcast_convert_type3A_521, %get3A_525 : vector<16xf32>
      %add3A_527 = arith.addf %get3A_525, %sub3A_526 : vector<16xf32>
      %swap3A_528 = arith.index_cast %scan3A_122 : i32 to index
      %swap3A_529 = arith.constant 192 : index
      %swap3A_530 = tpu.vector_load %arg9[%swap3A_528, %swap3A_529] {strides = array<i32>} : memref<64x256xf32, #tpu.memory_space<vmem>>, vector<1x16xf32>,
      %swap3A_531 = vector.shape_cast %swap3A_530 : vector<1x16xf32> to vector<16xf32>
      %swap3A_532 = vector.shape_cast %add3A_527 : vector<16xf32> to vector<1x16xf32>
      tpu.vector_store %arg9[%swap3A_528, %swap3A_529], %swap3A_532 {strides = array<i32>} : memref<64x256xf32, #tpu.memory_space<vmem>>, vector<1x16xf32>,
      %mul3A_533 = arith.mulf %sub3A_526, %sub3A_526 : vector<16xf32>
      %add3A_534 = arith.addf %add3A_502, %mul3A_533 : vector<16xf32>
      %get3A_535 = arith.index_cast %scan3A_122 : i32 to index
      %get3A_536 = arith.constant 208 : index
      %get3A_537 = tpu.vector_load %arg9[%get3A_535, %get3A_536] {strides = array<i32>} : memref<64x256xf32, #tpu.memory_space<vmem>>, vector<1x16xf32>,
      %get3A_538 = vector.shape_cast %get3A_537 : vector<1x16xf32> to vector<16xf32>
      %bitcast_convert_type3A_539 = tpu.bitcast %get3A_538 : vector<16xf32> -> vector<16xi32>
      %add3A_540 = arith.constant 32767 : i32
      %add3A_541 = vector.broadcast %add3A_540 : i32 to vector<16xi32>
      %add3A_542 = arith.addi %bitcast_convert_type3A_539, %add3A_541 : vector<16xi32>
      %shift_right_arithmetic3A_543 = arith.constant 16 : i32
      %shift_right_arithmetic3A_544 = vector.broadcast %shift_right_arithmetic3A_543 : i32 to vector<16xi32>
      %shift_right_arithmetic3A_545 = arith.shrsi %bitcast_convert_type3A_539, %shift_right_arithmetic3A_544 : vector<16xi32>
      %and3A_546 = arith.constant 1 : i32
      %and3A_547 = vector.broadcast %and3A_546 : i32 to vector<16xi32>
      %and3A_548 = arith.andi %shift_right_arithmetic3A_545, %and3A_547 : vector<16xi32>
      %add3A_549 = arith.addi %add3A_542, %and3A_548 : vector<16xi32>
      %and3A_550 = arith.constant -65536 : i32
      %and3A_551 = vector.broadcast %and3A_550 : i32 to vector<16xi32>
      %and3A_552 = arith.andi %add3A_549, %and3A_551 : vector<16xi32>
      %bitcast_convert_type3A_553 = tpu.bitcast %and3A_552 : vector<16xi32> -> vector<16xf32>
      %get3A_554 = arith.index_cast %scan3A_122 : i32 to index
      %get3A_555 = arith.constant 208 : index
      %get3A_556 = tpu.vector_load %arg11[%get3A_554, %get3A_555] {strides = array<i32>} : memref<64x256xf32, #tpu.memory_space<vmem>>, vector<1x16xf32>,
      %get3A_557 = vector.shape_cast %get3A_556 : vector<1x16xf32> to vector<16xf32>
      %sub3A_558 = arith.subf %bitcast_convert_type3A_553, %get3A_557 : vector<16xf32>
      %add3A_559 = arith.addf %get3A_557, %sub3A_558 : vector<16xf32>
      %swap3A_560 = arith.index_cast %scan3A_122 : i32 to index
      %swap3A_561 = arith.constant 208 : index
      %swap3A_562 = tpu.vector_load %arg9[%swap3A_560, %swap3A_561] {strides = array<i32>} : memref<64x256xf32, #tpu.memory_space<vmem>>, vector<1x16xf32>,
      %swap3A_563 = vector.shape_cast %swap3A_562 : vector<1x16xf32> to vector<16xf32>
      %swap3A_564 = vector.shape_cast %add3A_559 : vector<16xf32> to vector<1x16xf32>
      tpu.vector_store %arg9[%swap3A_560, %swap3A_561], %swap3A_564 {strides = array<i32>} : memref<64x256xf32, #tpu.memory_space<vmem>>, vector<1x16xf32>,
      %mul3A_565 = arith.mulf %sub3A_558, %sub3A_558 : vector<16xf32>
      %add3A_566 = arith.addf %add3A_534, %mul3A_565 : vector<16xf32>
      %get3A_567 = arith.index_cast %scan3A_122 : i32 to index
      %get3A_568 = arith.constant 224 : index
      %get3A_569 = tpu.vector_load %arg9[%get3A_567, %get3A_568] {strides = array<i32>} : memref<64x256xf32, #tpu.memory_space<vmem>>, vector<1x16xf32>,
      %get3A_570 = vector.shape_cast %get3A_569 : vector<1x16xf32> to vector<16xf32>
      %bitcast_convert_type3A_571 = tpu.bitcast %get3A_570 : vector<16xf32> -> vector<16xi32>
      %add3A_572 = arith.constant 32767 : i32
      %add3A_573 = vector.broadcast %add3A_572 : i32 to vector<16xi32>
      %add3A_574 = arith.addi %bitcast_convert_type3A_571, %add3A_573 : vector<16xi32>
      %shift_right_arithmetic3A_575 = arith.constant 16 : i32
      %shift_right_arithmetic3A_576 = vector.broadcast %shift_right_arithmetic3A_575 : i32 to vector<16xi32>
      %shift_right_arithmetic3A_577 = arith.shrsi %bitcast_convert_type3A_571, %shift_right_arithmetic3A_576 : vector<16xi32>
      %and3A_578 = arith.constant 1 : i32
      %and3A_579 = vector.broadcast %and3A_578 : i32 to vector<16xi32>
      %and3A_580 = arith.andi %shift_right_arithmetic3A_577, %and3A_579 : vector<16xi32>
      %add3A_581 = arith.addi %add3A_574, %and3A_580 : vector<16xi32>
      %and3A_582 = arith.constant -65536 : i32
      %and3A_583 = vector.broadcast %and3A_582 : i32 to vector<16xi32>
      %and3A_584 = arith.andi %add3A_581, %and3A_583 : vector<16xi32>
      %bitcast_convert_type3A_585 = tpu.bitcast %and3A_584 : vector<16xi32> -> vector<16xf32>
      %get3A_586 = arith.index_cast %scan3A_122 : i32 to index
      %get3A_587 = arith.constant 224 : index
      %get3A_588 = tpu.vector_load %arg11[%get3A_586, %get3A_587] {strides = array<i32>} : memref<64x256xf32, #tpu.memory_space<vmem>>, vector<1x16xf32>,
      %get3A_589 = vector.shape_cast %get3A_588 : vector<1x16xf32> to vector<16xf32>
      %sub3A_590 = arith.subf %bitcast_convert_type3A_585, %get3A_589 : vector<16xf32>
      %add3A_591 = arith.addf %get3A_589, %sub3A_590 : vector<16xf32>
      %swap3A_592 = arith.index_cast %scan3A_122 : i32 to index
      %swap3A_593 = arith.constant 224 : index
      %swap3A_594 = tpu.vector_load %arg9[%swap3A_592, %swap3A_593] {strides = array<i32>} : memref<64x256xf32, #tpu.memory_space<vmem>>, vector<1x16xf32>,
      %swap3A_595 = vector.shape_cast %swap3A_594 : vector<1x16xf32> to vector<16xf32>
      %swap3A_596 = vector.shape_cast %add3A_591 : vector<16xf32> to vector<1x16xf32>
      tpu.vector_store %arg9[%swap3A_592, %swap3A_593], %swap3A_596 {strides = array<i32>} : memref<64x256xf32, #tpu.memory_space<vmem>>, vector<1x16xf32>,
      %mul3A_597 = arith.mulf %sub3A_590, %sub3A_590 : vector<16xf32>
      %add3A_598 = arith.addf %add3A_566, %mul3A_597 : vector<16xf32>
      %get3A_599 = arith.index_cast %scan3A_122 : i32 to index
      %get3A_600 = arith.constant 240 : index
      %get3A_601 = tpu.vector_load %arg9[%get3A_599, %get3A_600] {strides = array<i32>} : memref<64x256xf32, #tpu.memory_space<vmem>>, vector<1x16xf32>,
      %get3A_602 = vector.shape_cast %get3A_601 : vector<1x16xf32> to vector<16xf32>
      %bitcast_convert_type3A_603 = tpu.bitcast %get3A_602 : vector<16xf32> -> vector<16xi32>
      %add3A_604 = arith.constant 32767 : i32
      %add3A_605 = vector.broadcast %add3A_604 : i32 to vector<16xi32>
      %add3A_606 = arith.addi %bitcast_convert_type3A_603, %add3A_605 : vector<16xi32>
      %shift_right_arithmetic3A_607 = arith.constant 16 : i32
      %shift_right_arithmetic3A_608 = vector.broadcast %shift_right_arithmetic3A_607 : i32 to vector<16xi32>
      %shift_right_arithmetic3A_609 = arith.shrsi %bitcast_convert_type3A_603, %shift_right_arithmetic3A_608 : vector<16xi32>
      %and3A_610 = arith.constant 1 : i32
      %and3A_611 = vector.broadcast %and3A_610 : i32 to vector<16xi32>
      %and3A_612 = arith.andi %shift_right_arithmetic3A_609, %and3A_611 : vector<16xi32>
      %add3A_613 = arith.addi %add3A_606, %and3A_612 : vector<16xi32>
      %and3A_614 = arith.constant -65536 : i32
      %and3A_615 = vector.broadcast %and3A_614 : i32 to vector<16xi32>
      %and3A_616 = arith.andi %add3A_613, %and3A_615 : vector<16xi32>
      %bitcast_convert_type3A_617 = tpu.bitcast %and3A_616 : vector<16xi32> -> vector<16xf32>
      %get3A_618 = arith.index_cast %scan3A_122 : i32 to index
      %get3A_619 = arith.constant 240 : index
      %get3A_620 = tpu.vector_load %arg11[%get3A_618, %get3A_619] {strides = array<i32>} : memref<64x256xf32, #tpu.memory_space<vmem>>, vector<1x16xf32>,
      %get3A_621 = vector.shape_cast %get3A_620 : vector<1x16xf32> to vector<16xf32>
      %sub3A_622 = arith.subf %bitcast_convert_type3A_617, %get3A_621 : vector<16xf32>
      %add3A_623 = arith.addf %get3A_621, %sub3A_622 : vector<16xf32>
      %swap3A_624 = arith.index_cast %scan3A_122 : i32 to index
      %swap3A_625 = arith.constant 240 : index
      %swap3A_626 = tpu.vector_load %arg9[%swap3A_624, %swap3A_625] {strides = array<i32>} : memref<64x256xf32, #tpu.memory_space<vmem>>, vector<1x16xf32>,
      %swap3A_627 = vector.shape_cast %swap3A_626 : vector<1x16xf32> to vector<16xf32>
      %swap3A_628 = vector.shape_cast %add3A_623 : vector<16xf32> to vector<1x16xf32>
      tpu.vector_store %arg9[%swap3A_624, %swap3A_625], %swap3A_628 {strides = array<i32>} : memref<64x256xf32, #tpu.memory_space<vmem>>, vector<1x16xf32>,
      %mul3A_629 = arith.mulf %sub3A_622, %sub3A_622 : vector<16xf32>
      %add3A_630 = arith.addf %add3A_598, %mul3A_629 : vector<16xf32>
      scf.yield %add3A_630 : vector<16xf32>
    }
    %scan3A_67 = arith.constant 64 : i32
    %add3A_68 = arith.constant 64 : i32
    %add3A_69 = arith.addi %mul3A_2, %add3A_68 : i32
    "tpu.region"() ({
      %run_scoped3A = tpu.sem_alloc : memref<!tpu.dma_semaphore, #tpu.memory_space<semaphore_mem>>
      %dma_start3A_122 = arith.constant 0 : i32
      %dma_start3A_123 = tpu.memref_slice %arg5[%add3A_69, %dma_start3A_122] : memref<8192x256xf32, #tpu.memory_space<hbm>> -> memref<64x256xf32, #tpu.memory_space<hbm>>
      %dma_start3A_124 = arith.constant 0 : i32
      %dma_start3A_125 = tpu.memref_slice %arg5[%add3A_69, %dma_start3A_124] : memref<8192x256xf32, #tpu.memory_space<hbm>> -> memref<64x256xf32, #tpu.memory_space<hbm>>
      tpu.enqueue_dma source(%arg9 : memref<64x256xf32, #tpu.memory_space<vmem>>) target(%dma_start3A_125 : memref<64x256xf32, #tpu.memory_space<hbm>>) target_semaphore(%run_scoped3A : memref<!tpu.dma_semaphore, #tpu.memory_space<semaphore_mem>>)
      %dma_wait3A_126 = arith.constant 0 : i32
      %dma_wait3A_127 = tpu.memref_slice %arg5[%add3A_69, %dma_wait3A_126] : memref<8192x256xf32, #tpu.memory_space<hbm>> -> memref<64x256xf32, #tpu.memory_space<hbm>>
      %dma_wait3A_128 = arith.constant 0 : i32
      %dma_wait3A_129 = tpu.memref_slice %arg5[%add3A_69, %dma_wait3A_128] : memref<8192x256xf32, #tpu.memory_space<hbm>> -> memref<64x256xf32, #tpu.memory_space<hbm>>
      tpu.wait_dma2 semaphore(%run_scoped3A : memref<!tpu.dma_semaphore, #tpu.memory_space<semaphore_mem>>) src(%arg9 : memref<64x256xf32, #tpu.memory_space<vmem>>) dst(%dma_wait3A_129 : memref<64x256xf32, #tpu.memory_space<hbm>>)
      tpu.yield
    }) : () -> ()
    %dma_start3A_70 = arith.constant 192 : i32
    %dma_start3A_71 = tpu.memref_slice %arg7[%dma_start3A_70] : memref<256xi32, #tpu.memory_space<vmem>> -> memref<64xi32, #tpu.memory_space<vmem>>
    %dma_start3A_72 = arith.constant 0 : i32
    %dma_start3A_73 = arith.constant 0 : i32
    %dma_start3A_74 = tpu.memref_slice %arg2[%dma_start3A_72, %dma_start3A_73] : memref<8192x256xf32, #tpu.memory_space<hbm>> -> memref<8192x256xf32, #tpu.memory_space<hbm>>
    tpu.enqueue_indirect_dma source(%dma_start3A_74 : memref<8192x256xf32, #tpu.memory_space<hbm>>) target(%arg9 : memref<64x256xf32, #tpu.memory_space<vmem>>) offsets(%dma_start3A_71 : memref<64xi32, #tpu.memory_space<vmem>>) semaphore(%arg14 : memref<!tpu.dma_semaphore, #tpu.memory_space<semaphore_mem>>)
    %add3A_75 = arith.constant 192 : i32
    %add3A_76 = arith.addi %mul3A_2, %add3A_75 : i32
    %dma_start3A_77 = arith.constant 0 : i32
    %dma_start3A_78 = tpu.memref_slice %arg4[%add3A_76, %dma_start3A_77] : memref<8192x256xf32, #tpu.memory_space<hbm>> -> memref<64x256xf32, #tpu.memory_space<hbm>>
    %dma_start3A_79 = arith.constant 0 : i32
    %dma_start3A_80 = tpu.memref_slice %arg4[%add3A_76, %dma_start3A_79] : memref<8192x256xf32, #tpu.memory_space<hbm>> -> memref<64x256xf32, #tpu.memory_space<hbm>>
    tpu.enqueue_dma source(%dma_start3A_80 : memref<64x256xf32, #tpu.memory_space<hbm>>) target(%arg11 : memref<64x256xf32, #tpu.memory_space<vmem>>) target_semaphore(%arg16 : memref<!tpu.dma_semaphore, #tpu.memory_space<semaphore_mem>>)
    %dma_wait3A_81 = arith.constant 128 : i32
    %dma_wait3A_82 = tpu.memref_slice %arg7[%dma_wait3A_81] : memref<256xi32, #tpu.memory_space<vmem>> -> memref<64xi32, #tpu.memory_space<vmem>>
    %dma_wait3A_83 = arith.constant 0 : i32
    %dma_wait3A_84 = arith.constant 0 : i32
    %dma_wait3A_85 = tpu.memref_slice %arg2[%dma_wait3A_83, %dma_wait3A_84] : memref<8192x256xf32, #tpu.memory_space<hbm>> -> memref<8192x256xf32, #tpu.memory_space<hbm>>
    tpu.wait_indirect_dma semaphore(%arg13 : memref<!tpu.dma_semaphore, #tpu.memory_space<semaphore_mem>>) src(%dma_wait3A_85 : memref<8192x256xf32, #tpu.memory_space<hbm>>) dst(%arg8 : memref<64x256xf32, #tpu.memory_space<vmem>>)
    %add3A_86 = arith.constant 128 : i32
    %add3A_87 = arith.addi %mul3A_2, %add3A_86 : i32
    %dma_wait3A_88 = arith.constant 0 : i32
    %dma_wait3A_89 = tpu.memref_slice %arg4[%add3A_87, %dma_wait3A_88] : memref<8192x256xf32, #tpu.memory_space<hbm>> -> memref<64x256xf32, #tpu.memory_space<hbm>>
    %dma_wait3A_90 = arith.constant 0 : i32
    %dma_wait3A_91 = tpu.memref_slice %arg4[%add3A_87, %dma_wait3A_90] : memref<8192x256xf32, #tpu.memory_space<hbm>> -> memref<64x256xf32, #tpu.memory_space<hbm>>
    tpu.wait_dma2 semaphore(%arg15 : memref<!tpu.dma_semaphore, #tpu.memory_space<semaphore_mem>>) src(%dma_wait3A_91 : memref<64x256xf32, #tpu.memory_space<hbm>>) dst(%arg10 : memref<64x256xf32, #tpu.memory_space<vmem>>)
    %scan3A_92 = arith.constant 0 : i32
    %scan3A_93 = arith.constant 64 : i32
    %scan3A_94 = arith.addi %scan3A_92, %scan3A_93 : i32
    %scan3A_95 = arith.constant 1 : i32
    %scan3A_96 = scf.for %scan3A_122 = %scan3A_92 to %scan3A_94 step %scan3A_95 iter_args(%scan3A_123 = %scan3A_66) -> (vector<16xf32>)  : i32 {
      %get3A = arith.index_cast %scan3A_122 : i32 to index
      %get3A_124 = arith.constant 0 : index
      %get3A_125 = tpu.vector_load %arg8[%get3A, %get3A_124] {strides = array<i32>} : memref<64x256xf32, #tpu.memory_space<vmem>>, vector<1x16xf32>,
      %get3A_126 = vector.shape_cast %get3A_125 : vector<1x16xf32> to vector<16xf32>
      %bitcast_convert_type3A = tpu.bitcast %get3A_126 : vector<16xf32> -> vector<16xi32>
      %add3A_127 = arith.constant 32767 : i32
      %add3A_128 = vector.broadcast %add3A_127 : i32 to vector<16xi32>
      %add3A_129 = arith.addi %bitcast_convert_type3A, %add3A_128 : vector<16xi32>
      %shift_right_arithmetic3A = arith.constant 16 : i32
      %shift_right_arithmetic3A_130 = vector.broadcast %shift_right_arithmetic3A : i32 to vector<16xi32>
      %shift_right_arithmetic3A_131 = arith.shrsi %bitcast_convert_type3A, %shift_right_arithmetic3A_130 : vector<16xi32>
      %and3A = arith.constant 1 : i32
      %and3A_132 = vector.broadcast %and3A : i32 to vector<16xi32>
      %and3A_133 = arith.andi %shift_right_arithmetic3A_131, %and3A_132 : vector<16xi32>
      %add3A_134 = arith.addi %add3A_129, %and3A_133 : vector<16xi32>
      %and3A_135 = arith.constant -65536 : i32
      %and3A_136 = vector.broadcast %and3A_135 : i32 to vector<16xi32>
      %and3A_137 = arith.andi %add3A_134, %and3A_136 : vector<16xi32>
      %bitcast_convert_type3A_138 = tpu.bitcast %and3A_137 : vector<16xi32> -> vector<16xf32>
      %get3A_139 = arith.index_cast %scan3A_122 : i32 to index
      %get3A_140 = arith.constant 0 : index
      %get3A_141 = tpu.vector_load %arg10[%get3A_139, %get3A_140] {strides = array<i32>} : memref<64x256xf32, #tpu.memory_space<vmem>>, vector<1x16xf32>,
      %get3A_142 = vector.shape_cast %get3A_141 : vector<1x16xf32> to vector<16xf32>
      %sub3A = arith.subf %bitcast_convert_type3A_138, %get3A_142 : vector<16xf32>
      %add3A_143 = arith.addf %get3A_142, %sub3A : vector<16xf32>
      %swap3A_144 = arith.index_cast %scan3A_122 : i32 to index
      %swap3A_145 = arith.constant 0 : index
      %swap3A_146 = tpu.vector_load %arg8[%swap3A_144, %swap3A_145] {strides = array<i32>} : memref<64x256xf32, #tpu.memory_space<vmem>>, vector<1x16xf32>,
      %swap3A_147 = vector.shape_cast %swap3A_146 : vector<1x16xf32> to vector<16xf32>
      %swap3A_148 = vector.shape_cast %add3A_143 : vector<16xf32> to vector<1x16xf32>
      tpu.vector_store %arg8[%swap3A_144, %swap3A_145], %swap3A_148 {strides = array<i32>} : memref<64x256xf32, #tpu.memory_space<vmem>>, vector<1x16xf32>,
      %mul3A_149 = arith.mulf %sub3A, %sub3A : vector<16xf32>
      %add3A_150 = arith.addf %scan3A_123, %mul3A_149 : vector<16xf32>
      %get3A_151 = arith.index_cast %scan3A_122 : i32 to index
      %get3A_152 = arith.constant 16 : index
      %get3A_153 = tpu.vector_load %arg8[%get3A_151, %get3A_152] {strides = array<i32>} : memref<64x256xf32, #tpu.memory_space<vmem>>, vector<1x16xf32>,
      %get3A_154 = vector.shape_cast %get3A_153 : vector<1x16xf32> to vector<16xf32>
      %bitcast_convert_type3A_155 = tpu.bitcast %get3A_154 : vector<16xf32> -> vector<16xi32>
      %add3A_156 = arith.constant 32767 : i32
      %add3A_157 = vector.broadcast %add3A_156 : i32 to vector<16xi32>
      %add3A_158 = arith.addi %bitcast_convert_type3A_155, %add3A_157 : vector<16xi32>
      %shift_right_arithmetic3A_159 = arith.constant 16 : i32
      %shift_right_arithmetic3A_160 = vector.broadcast %shift_right_arithmetic3A_159 : i32 to vector<16xi32>
      %shift_right_arithmetic3A_161 = arith.shrsi %bitcast_convert_type3A_155, %shift_right_arithmetic3A_160 : vector<16xi32>
      %and3A_162 = arith.constant 1 : i32
      %and3A_163 = vector.broadcast %and3A_162 : i32 to vector<16xi32>
      %and3A_164 = arith.andi %shift_right_arithmetic3A_161, %and3A_163 : vector<16xi32>
      %add3A_165 = arith.addi %add3A_158, %and3A_164 : vector<16xi32>
      %and3A_166 = arith.constant -65536 : i32
      %and3A_167 = vector.broadcast %and3A_166 : i32 to vector<16xi32>
      %and3A_168 = arith.andi %add3A_165, %and3A_167 : vector<16xi32>
      %bitcast_convert_type3A_169 = tpu.bitcast %and3A_168 : vector<16xi32> -> vector<16xf32>
      %get3A_170 = arith.index_cast %scan3A_122 : i32 to index
      %get3A_171 = arith.constant 16 : index
      %get3A_172 = tpu.vector_load %arg10[%get3A_170, %get3A_171] {strides = array<i32>} : memref<64x256xf32, #tpu.memory_space<vmem>>, vector<1x16xf32>,
      %get3A_173 = vector.shape_cast %get3A_172 : vector<1x16xf32> to vector<16xf32>
      %sub3A_174 = arith.subf %bitcast_convert_type3A_169, %get3A_173 : vector<16xf32>
      %add3A_175 = arith.addf %get3A_173, %sub3A_174 : vector<16xf32>
      %swap3A_176 = arith.index_cast %scan3A_122 : i32 to index
      %swap3A_177 = arith.constant 16 : index
      %swap3A_178 = tpu.vector_load %arg8[%swap3A_176, %swap3A_177] {strides = array<i32>} : memref<64x256xf32, #tpu.memory_space<vmem>>, vector<1x16xf32>,
      %swap3A_179 = vector.shape_cast %swap3A_178 : vector<1x16xf32> to vector<16xf32>
      %swap3A_180 = vector.shape_cast %add3A_175 : vector<16xf32> to vector<1x16xf32>
      tpu.vector_store %arg8[%swap3A_176, %swap3A_177], %swap3A_180 {strides = array<i32>} : memref<64x256xf32, #tpu.memory_space<vmem>>, vector<1x16xf32>,
      %mul3A_181 = arith.mulf %sub3A_174, %sub3A_174 : vector<16xf32>
      %add3A_182 = arith.addf %add3A_150, %mul3A_181 : vector<16xf32>
      %get3A_183 = arith.index_cast %scan3A_122 : i32 to index
      %get3A_184 = arith.constant 32 : index
      %get3A_185 = tpu.vector_load %arg8[%get3A_183, %get3A_184] {strides = array<i32>} : memref<64x256xf32, #tpu.memory_space<vmem>>, vector<1x16xf32>,
      %get3A_186 = vector.shape_cast %get3A_185 : vector<1x16xf32> to vector<16xf32>
      %bitcast_convert_type3A_187 = tpu.bitcast %get3A_186 : vector<16xf32> -> vector<16xi32>
      %add3A_188 = arith.constant 32767 : i32
      %add3A_189 = vector.broadcast %add3A_188 : i32 to vector<16xi32>
      %add3A_190 = arith.addi %bitcast_convert_type3A_187, %add3A_189 : vector<16xi32>
      %shift_right_arithmetic3A_191 = arith.constant 16 : i32
      %shift_right_arithmetic3A_192 = vector.broadcast %shift_right_arithmetic3A_191 : i32 to vector<16xi32>
      %shift_right_arithmetic3A_193 = arith.shrsi %bitcast_convert_type3A_187, %shift_right_arithmetic3A_192 : vector<16xi32>
      %and3A_194 = arith.constant 1 : i32
      %and3A_195 = vector.broadcast %and3A_194 : i32 to vector<16xi32>
      %and3A_196 = arith.andi %shift_right_arithmetic3A_193, %and3A_195 : vector<16xi32>
      %add3A_197 = arith.addi %add3A_190, %and3A_196 : vector<16xi32>
      %and3A_198 = arith.constant -65536 : i32
      %and3A_199 = vector.broadcast %and3A_198 : i32 to vector<16xi32>
      %and3A_200 = arith.andi %add3A_197, %and3A_199 : vector<16xi32>
      %bitcast_convert_type3A_201 = tpu.bitcast %and3A_200 : vector<16xi32> -> vector<16xf32>
      %get3A_202 = arith.index_cast %scan3A_122 : i32 to index
      %get3A_203 = arith.constant 32 : index
      %get3A_204 = tpu.vector_load %arg10[%get3A_202, %get3A_203] {strides = array<i32>} : memref<64x256xf32, #tpu.memory_space<vmem>>, vector<1x16xf32>,
      %get3A_205 = vector.shape_cast %get3A_204 : vector<1x16xf32> to vector<16xf32>
      %sub3A_206 = arith.subf %bitcast_convert_type3A_201, %get3A_205 : vector<16xf32>
      %add3A_207 = arith.addf %get3A_205, %sub3A_206 : vector<16xf32>
      %swap3A_208 = arith.index_cast %scan3A_122 : i32 to index
      %swap3A_209 = arith.constant 32 : index
      %swap3A_210 = tpu.vector_load %arg8[%swap3A_208, %swap3A_209] {strides = array<i32>} : memref<64x256xf32, #tpu.memory_space<vmem>>, vector<1x16xf32>,
      %swap3A_211 = vector.shape_cast %swap3A_210 : vector<1x16xf32> to vector<16xf32>
      %swap3A_212 = vector.shape_cast %add3A_207 : vector<16xf32> to vector<1x16xf32>
      tpu.vector_store %arg8[%swap3A_208, %swap3A_209], %swap3A_212 {strides = array<i32>} : memref<64x256xf32, #tpu.memory_space<vmem>>, vector<1x16xf32>,
      %mul3A_213 = arith.mulf %sub3A_206, %sub3A_206 : vector<16xf32>
      %add3A_214 = arith.addf %add3A_182, %mul3A_213 : vector<16xf32>
      %get3A_215 = arith.index_cast %scan3A_122 : i32 to index
      %get3A_216 = arith.constant 48 : index
      %get3A_217 = tpu.vector_load %arg8[%get3A_215, %get3A_216] {strides = array<i32>} : memref<64x256xf32, #tpu.memory_space<vmem>>, vector<1x16xf32>,
      %get3A_218 = vector.shape_cast %get3A_217 : vector<1x16xf32> to vector<16xf32>
      %bitcast_convert_type3A_219 = tpu.bitcast %get3A_218 : vector<16xf32> -> vector<16xi32>
      %add3A_220 = arith.constant 32767 : i32
      %add3A_221 = vector.broadcast %add3A_220 : i32 to vector<16xi32>
      %add3A_222 = arith.addi %bitcast_convert_type3A_219, %add3A_221 : vector<16xi32>
      %shift_right_arithmetic3A_223 = arith.constant 16 : i32
      %shift_right_arithmetic3A_224 = vector.broadcast %shift_right_arithmetic3A_223 : i32 to vector<16xi32>
      %shift_right_arithmetic3A_225 = arith.shrsi %bitcast_convert_type3A_219, %shift_right_arithmetic3A_224 : vector<16xi32>
      %and3A_226 = arith.constant 1 : i32
      %and3A_227 = vector.broadcast %and3A_226 : i32 to vector<16xi32>
      %and3A_228 = arith.andi %shift_right_arithmetic3A_225, %and3A_227 : vector<16xi32>
      %add3A_229 = arith.addi %add3A_222, %and3A_228 : vector<16xi32>
      %and3A_230 = arith.constant -65536 : i32
      %and3A_231 = vector.broadcast %and3A_230 : i32 to vector<16xi32>
      %and3A_232 = arith.andi %add3A_229, %and3A_231 : vector<16xi32>
      %bitcast_convert_type3A_233 = tpu.bitcast %and3A_232 : vector<16xi32> -> vector<16xf32>
      %get3A_234 = arith.index_cast %scan3A_122 : i32 to index
      %get3A_235 = arith.constant 48 : index
      %get3A_236 = tpu.vector_load %arg10[%get3A_234, %get3A_235] {strides = array<i32>} : memref<64x256xf32, #tpu.memory_space<vmem>>, vector<1x16xf32>,
      %get3A_237 = vector.shape_cast %get3A_236 : vector<1x16xf32> to vector<16xf32>
      %sub3A_238 = arith.subf %bitcast_convert_type3A_233, %get3A_237 : vector<16xf32>
      %add3A_239 = arith.addf %get3A_237, %sub3A_238 : vector<16xf32>
      %swap3A_240 = arith.index_cast %scan3A_122 : i32 to index
      %swap3A_241 = arith.constant 48 : index
      %swap3A_242 = tpu.vector_load %arg8[%swap3A_240, %swap3A_241] {strides = array<i32>} : memref<64x256xf32, #tpu.memory_space<vmem>>, vector<1x16xf32>,
      %swap3A_243 = vector.shape_cast %swap3A_242 : vector<1x16xf32> to vector<16xf32>
      %swap3A_244 = vector.shape_cast %add3A_239 : vector<16xf32> to vector<1x16xf32>
      tpu.vector_store %arg8[%swap3A_240, %swap3A_241], %swap3A_244 {strides = array<i32>} : memref<64x256xf32, #tpu.memory_space<vmem>>, vector<1x16xf32>,
      %mul3A_245 = arith.mulf %sub3A_238, %sub3A_238 : vector<16xf32>
      %add3A_246 = arith.addf %add3A_214, %mul3A_245 : vector<16xf32>
      %get3A_247 = arith.index_cast %scan3A_122 : i32 to index
      %get3A_248 = arith.constant 64 : index
      %get3A_249 = tpu.vector_load %arg8[%get3A_247, %get3A_248] {strides = array<i32>} : memref<64x256xf32, #tpu.memory_space<vmem>>, vector<1x16xf32>,
      %get3A_250 = vector.shape_cast %get3A_249 : vector<1x16xf32> to vector<16xf32>
      %bitcast_convert_type3A_251 = tpu.bitcast %get3A_250 : vector<16xf32> -> vector<16xi32>
      %add3A_252 = arith.constant 32767 : i32
      %add3A_253 = vector.broadcast %add3A_252 : i32 to vector<16xi32>
      %add3A_254 = arith.addi %bitcast_convert_type3A_251, %add3A_253 : vector<16xi32>
      %shift_right_arithmetic3A_255 = arith.constant 16 : i32
      %shift_right_arithmetic3A_256 = vector.broadcast %shift_right_arithmetic3A_255 : i32 to vector<16xi32>
      %shift_right_arithmetic3A_257 = arith.shrsi %bitcast_convert_type3A_251, %shift_right_arithmetic3A_256 : vector<16xi32>
      %and3A_258 = arith.constant 1 : i32
      %and3A_259 = vector.broadcast %and3A_258 : i32 to vector<16xi32>
      %and3A_260 = arith.andi %shift_right_arithmetic3A_257, %and3A_259 : vector<16xi32>
      %add3A_261 = arith.addi %add3A_254, %and3A_260 : vector<16xi32>
      %and3A_262 = arith.constant -65536 : i32
      %and3A_263 = vector.broadcast %and3A_262 : i32 to vector<16xi32>
      %and3A_264 = arith.andi %add3A_261, %and3A_263 : vector<16xi32>
      %bitcast_convert_type3A_265 = tpu.bitcast %and3A_264 : vector<16xi32> -> vector<16xf32>
      %get3A_266 = arith.index_cast %scan3A_122 : i32 to index
      %get3A_267 = arith.constant 64 : index
      %get3A_268 = tpu.vector_load %arg10[%get3A_266, %get3A_267] {strides = array<i32>} : memref<64x256xf32, #tpu.memory_space<vmem>>, vector<1x16xf32>,
      %get3A_269 = vector.shape_cast %get3A_268 : vector<1x16xf32> to vector<16xf32>
      %sub3A_270 = arith.subf %bitcast_convert_type3A_265, %get3A_269 : vector<16xf32>
      %add3A_271 = arith.addf %get3A_269, %sub3A_270 : vector<16xf32>
      %swap3A_272 = arith.index_cast %scan3A_122 : i32 to index
      %swap3A_273 = arith.constant 64 : index
      %swap3A_274 = tpu.vector_load %arg8[%swap3A_272, %swap3A_273] {strides = array<i32>} : memref<64x256xf32, #tpu.memory_space<vmem>>, vector<1x16xf32>,
      %swap3A_275 = vector.shape_cast %swap3A_274 : vector<1x16xf32> to vector<16xf32>
      %swap3A_276 = vector.shape_cast %add3A_271 : vector<16xf32> to vector<1x16xf32>
      tpu.vector_store %arg8[%swap3A_272, %swap3A_273], %swap3A_276 {strides = array<i32>} : memref<64x256xf32, #tpu.memory_space<vmem>>, vector<1x16xf32>,
      %mul3A_277 = arith.mulf %sub3A_270, %sub3A_270 : vector<16xf32>
      %add3A_278 = arith.addf %add3A_246, %mul3A_277 : vector<16xf32>
      %get3A_279 = arith.index_cast %scan3A_122 : i32 to index
      %get3A_280 = arith.constant 80 : index
      %get3A_281 = tpu.vector_load %arg8[%get3A_279, %get3A_280] {strides = array<i32>} : memref<64x256xf32, #tpu.memory_space<vmem>>, vector<1x16xf32>,
      %get3A_282 = vector.shape_cast %get3A_281 : vector<1x16xf32> to vector<16xf32>
      %bitcast_convert_type3A_283 = tpu.bitcast %get3A_282 : vector<16xf32> -> vector<16xi32>
      %add3A_284 = arith.constant 32767 : i32
      %add3A_285 = vector.broadcast %add3A_284 : i32 to vector<16xi32>
      %add3A_286 = arith.addi %bitcast_convert_type3A_283, %add3A_285 : vector<16xi32>
      %shift_right_arithmetic3A_287 = arith.constant 16 : i32
      %shift_right_arithmetic3A_288 = vector.broadcast %shift_right_arithmetic3A_287 : i32 to vector<16xi32>
      %shift_right_arithmetic3A_289 = arith.shrsi %bitcast_convert_type3A_283, %shift_right_arithmetic3A_288 : vector<16xi32>
      %and3A_290 = arith.constant 1 : i32
      %and3A_291 = vector.broadcast %and3A_290 : i32 to vector<16xi32>
      %and3A_292 = arith.andi %shift_right_arithmetic3A_289, %and3A_291 : vector<16xi32>
      %add3A_293 = arith.addi %add3A_286, %and3A_292 : vector<16xi32>
      %and3A_294 = arith.constant -65536 : i32
      %and3A_295 = vector.broadcast %and3A_294 : i32 to vector<16xi32>
      %and3A_296 = arith.andi %add3A_293, %and3A_295 : vector<16xi32>
      %bitcast_convert_type3A_297 = tpu.bitcast %and3A_296 : vector<16xi32> -> vector<16xf32>
      %get3A_298 = arith.index_cast %scan3A_122 : i32 to index
      %get3A_299 = arith.constant 80 : index
      %get3A_300 = tpu.vector_load %arg10[%get3A_298, %get3A_299] {strides = array<i32>} : memref<64x256xf32, #tpu.memory_space<vmem>>, vector<1x16xf32>,
      %get3A_301 = vector.shape_cast %get3A_300 : vector<1x16xf32> to vector<16xf32>
      %sub3A_302 = arith.subf %bitcast_convert_type3A_297, %get3A_301 : vector<16xf32>
      %add3A_303 = arith.addf %get3A_301, %sub3A_302 : vector<16xf32>
      %swap3A_304 = arith.index_cast %scan3A_122 : i32 to index
      %swap3A_305 = arith.constant 80 : index
      %swap3A_306 = tpu.vector_load %arg8[%swap3A_304, %swap3A_305] {strides = array<i32>} : memref<64x256xf32, #tpu.memory_space<vmem>>, vector<1x16xf32>,
      %swap3A_307 = vector.shape_cast %swap3A_306 : vector<1x16xf32> to vector<16xf32>
      %swap3A_308 = vector.shape_cast %add3A_303 : vector<16xf32> to vector<1x16xf32>
      tpu.vector_store %arg8[%swap3A_304, %swap3A_305], %swap3A_308 {strides = array<i32>} : memref<64x256xf32, #tpu.memory_space<vmem>>, vector<1x16xf32>,
      %mul3A_309 = arith.mulf %sub3A_302, %sub3A_302 : vector<16xf32>
      %add3A_310 = arith.addf %add3A_278, %mul3A_309 : vector<16xf32>
      %get3A_311 = arith.index_cast %scan3A_122 : i32 to index
      %get3A_312 = arith.constant 96 : index
      %get3A_313 = tpu.vector_load %arg8[%get3A_311, %get3A_312] {strides = array<i32>} : memref<64x256xf32, #tpu.memory_space<vmem>>, vector<1x16xf32>,
      %get3A_314 = vector.shape_cast %get3A_313 : vector<1x16xf32> to vector<16xf32>
      %bitcast_convert_type3A_315 = tpu.bitcast %get3A_314 : vector<16xf32> -> vector<16xi32>
      %add3A_316 = arith.constant 32767 : i32
      %add3A_317 = vector.broadcast %add3A_316 : i32 to vector<16xi32>
      %add3A_318 = arith.addi %bitcast_convert_type3A_315, %add3A_317 : vector<16xi32>
      %shift_right_arithmetic3A_319 = arith.constant 16 : i32
      %shift_right_arithmetic3A_320 = vector.broadcast %shift_right_arithmetic3A_319 : i32 to vector<16xi32>
      %shift_right_arithmetic3A_321 = arith.shrsi %bitcast_convert_type3A_315, %shift_right_arithmetic3A_320 : vector<16xi32>
      %and3A_322 = arith.constant 1 : i32
      %and3A_323 = vector.broadcast %and3A_322 : i32 to vector<16xi32>
      %and3A_324 = arith.andi %shift_right_arithmetic3A_321, %and3A_323 : vector<16xi32>
      %add3A_325 = arith.addi %add3A_318, %and3A_324 : vector<16xi32>
      %and3A_326 = arith.constant -65536 : i32
      %and3A_327 = vector.broadcast %and3A_326 : i32 to vector<16xi32>
      %and3A_328 = arith.andi %add3A_325, %and3A_327 : vector<16xi32>
      %bitcast_convert_type3A_329 = tpu.bitcast %and3A_328 : vector<16xi32> -> vector<16xf32>
      %get3A_330 = arith.index_cast %scan3A_122 : i32 to index
      %get3A_331 = arith.constant 96 : index
      %get3A_332 = tpu.vector_load %arg10[%get3A_330, %get3A_331] {strides = array<i32>} : memref<64x256xf32, #tpu.memory_space<vmem>>, vector<1x16xf32>,
      %get3A_333 = vector.shape_cast %get3A_332 : vector<1x16xf32> to vector<16xf32>
      %sub3A_334 = arith.subf %bitcast_convert_type3A_329, %get3A_333 : vector<16xf32>
      %add3A_335 = arith.addf %get3A_333, %sub3A_334 : vector<16xf32>
      %swap3A_336 = arith.index_cast %scan3A_122 : i32 to index
      %swap3A_337 = arith.constant 96 : index
      %swap3A_338 = tpu.vector_load %arg8[%swap3A_336, %swap3A_337] {strides = array<i32>} : memref<64x256xf32, #tpu.memory_space<vmem>>, vector<1x16xf32>,
      %swap3A_339 = vector.shape_cast %swap3A_338 : vector<1x16xf32> to vector<16xf32>
      %swap3A_340 = vector.shape_cast %add3A_335 : vector<16xf32> to vector<1x16xf32>
      tpu.vector_store %arg8[%swap3A_336, %swap3A_337], %swap3A_340 {strides = array<i32>} : memref<64x256xf32, #tpu.memory_space<vmem>>, vector<1x16xf32>,
      %mul3A_341 = arith.mulf %sub3A_334, %sub3A_334 : vector<16xf32>
      %add3A_342 = arith.addf %add3A_310, %mul3A_341 : vector<16xf32>
      %get3A_343 = arith.index_cast %scan3A_122 : i32 to index
      %get3A_344 = arith.constant 112 : index
      %get3A_345 = tpu.vector_load %arg8[%get3A_343, %get3A_344] {strides = array<i32>} : memref<64x256xf32, #tpu.memory_space<vmem>>, vector<1x16xf32>,
      %get3A_346 = vector.shape_cast %get3A_345 : vector<1x16xf32> to vector<16xf32>
      %bitcast_convert_type3A_347 = tpu.bitcast %get3A_346 : vector<16xf32> -> vector<16xi32>
      %add3A_348 = arith.constant 32767 : i32
      %add3A_349 = vector.broadcast %add3A_348 : i32 to vector<16xi32>
      %add3A_350 = arith.addi %bitcast_convert_type3A_347, %add3A_349 : vector<16xi32>
      %shift_right_arithmetic3A_351 = arith.constant 16 : i32
      %shift_right_arithmetic3A_352 = vector.broadcast %shift_right_arithmetic3A_351 : i32 to vector<16xi32>
      %shift_right_arithmetic3A_353 = arith.shrsi %bitcast_convert_type3A_347, %shift_right_arithmetic3A_352 : vector<16xi32>
      %and3A_354 = arith.constant 1 : i32
      %and3A_355 = vector.broadcast %and3A_354 : i32 to vector<16xi32>
      %and3A_356 = arith.andi %shift_right_arithmetic3A_353, %and3A_355 : vector<16xi32>
      %add3A_357 = arith.addi %add3A_350, %and3A_356 : vector<16xi32>
      %and3A_358 = arith.constant -65536 : i32
      %and3A_359 = vector.broadcast %and3A_358 : i32 to vector<16xi32>
      %and3A_360 = arith.andi %add3A_357, %and3A_359 : vector<16xi32>
      %bitcast_convert_type3A_361 = tpu.bitcast %and3A_360 : vector<16xi32> -> vector<16xf32>
      %get3A_362 = arith.index_cast %scan3A_122 : i32 to index
      %get3A_363 = arith.constant 112 : index
      %get3A_364 = tpu.vector_load %arg10[%get3A_362, %get3A_363] {strides = array<i32>} : memref<64x256xf32, #tpu.memory_space<vmem>>, vector<1x16xf32>,
      %get3A_365 = vector.shape_cast %get3A_364 : vector<1x16xf32> to vector<16xf32>
      %sub3A_366 = arith.subf %bitcast_convert_type3A_361, %get3A_365 : vector<16xf32>
      %add3A_367 = arith.addf %get3A_365, %sub3A_366 : vector<16xf32>
      %swap3A_368 = arith.index_cast %scan3A_122 : i32 to index
      %swap3A_369 = arith.constant 112 : index
      %swap3A_370 = tpu.vector_load %arg8[%swap3A_368, %swap3A_369] {strides = array<i32>} : memref<64x256xf32, #tpu.memory_space<vmem>>, vector<1x16xf32>,
      %swap3A_371 = vector.shape_cast %swap3A_370 : vector<1x16xf32> to vector<16xf32>
      %swap3A_372 = vector.shape_cast %add3A_367 : vector<16xf32> to vector<1x16xf32>
      tpu.vector_store %arg8[%swap3A_368, %swap3A_369], %swap3A_372 {strides = array<i32>} : memref<64x256xf32, #tpu.memory_space<vmem>>, vector<1x16xf32>,
      %mul3A_373 = arith.mulf %sub3A_366, %sub3A_366 : vector<16xf32>
      %add3A_374 = arith.addf %add3A_342, %mul3A_373 : vector<16xf32>
      %get3A_375 = arith.index_cast %scan3A_122 : i32 to index
      %get3A_376 = arith.constant 128 : index
      %get3A_377 = tpu.vector_load %arg8[%get3A_375, %get3A_376] {strides = array<i32>} : memref<64x256xf32, #tpu.memory_space<vmem>>, vector<1x16xf32>,
      %get3A_378 = vector.shape_cast %get3A_377 : vector<1x16xf32> to vector<16xf32>
      %bitcast_convert_type3A_379 = tpu.bitcast %get3A_378 : vector<16xf32> -> vector<16xi32>
      %add3A_380 = arith.constant 32767 : i32
      %add3A_381 = vector.broadcast %add3A_380 : i32 to vector<16xi32>
      %add3A_382 = arith.addi %bitcast_convert_type3A_379, %add3A_381 : vector<16xi32>
      %shift_right_arithmetic3A_383 = arith.constant 16 : i32
      %shift_right_arithmetic3A_384 = vector.broadcast %shift_right_arithmetic3A_383 : i32 to vector<16xi32>
      %shift_right_arithmetic3A_385 = arith.shrsi %bitcast_convert_type3A_379, %shift_right_arithmetic3A_384 : vector<16xi32>
      %and3A_386 = arith.constant 1 : i32
      %and3A_387 = vector.broadcast %and3A_386 : i32 to vector<16xi32>
      %and3A_388 = arith.andi %shift_right_arithmetic3A_385, %and3A_387 : vector<16xi32>
      %add3A_389 = arith.addi %add3A_382, %and3A_388 : vector<16xi32>
      %and3A_390 = arith.constant -65536 : i32
      %and3A_391 = vector.broadcast %and3A_390 : i32 to vector<16xi32>
      %and3A_392 = arith.andi %add3A_389, %and3A_391 : vector<16xi32>
      %bitcast_convert_type3A_393 = tpu.bitcast %and3A_392 : vector<16xi32> -> vector<16xf32>
      %get3A_394 = arith.index_cast %scan3A_122 : i32 to index
      %get3A_395 = arith.constant 128 : index
      %get3A_396 = tpu.vector_load %arg10[%get3A_394, %get3A_395] {strides = array<i32>} : memref<64x256xf32, #tpu.memory_space<vmem>>, vector<1x16xf32>,
      %get3A_397 = vector.shape_cast %get3A_396 : vector<1x16xf32> to vector<16xf32>
      %sub3A_398 = arith.subf %bitcast_convert_type3A_393, %get3A_397 : vector<16xf32>
      %add3A_399 = arith.addf %get3A_397, %sub3A_398 : vector<16xf32>
      %swap3A_400 = arith.index_cast %scan3A_122 : i32 to index
      %swap3A_401 = arith.constant 128 : index
      %swap3A_402 = tpu.vector_load %arg8[%swap3A_400, %swap3A_401] {strides = array<i32>} : memref<64x256xf32, #tpu.memory_space<vmem>>, vector<1x16xf32>,
      %swap3A_403 = vector.shape_cast %swap3A_402 : vector<1x16xf32> to vector<16xf32>
      %swap3A_404 = vector.shape_cast %add3A_399 : vector<16xf32> to vector<1x16xf32>
      tpu.vector_store %arg8[%swap3A_400, %swap3A_401], %swap3A_404 {strides = array<i32>} : memref<64x256xf32, #tpu.memory_space<vmem>>, vector<1x16xf32>,
      %mul3A_405 = arith.mulf %sub3A_398, %sub3A_398 : vector<16xf32>
      %add3A_406 = arith.addf %add3A_374, %mul3A_405 : vector<16xf32>
      %get3A_407 = arith.index_cast %scan3A_122 : i32 to index
      %get3A_408 = arith.constant 144 : index
      %get3A_409 = tpu.vector_load %arg8[%get3A_407, %get3A_408] {strides = array<i32>} : memref<64x256xf32, #tpu.memory_space<vmem>>, vector<1x16xf32>,
      %get3A_410 = vector.shape_cast %get3A_409 : vector<1x16xf32> to vector<16xf32>
      %bitcast_convert_type3A_411 = tpu.bitcast %get3A_410 : vector<16xf32> -> vector<16xi32>
      %add3A_412 = arith.constant 32767 : i32
      %add3A_413 = vector.broadcast %add3A_412 : i32 to vector<16xi32>
      %add3A_414 = arith.addi %bitcast_convert_type3A_411, %add3A_413 : vector<16xi32>
      %shift_right_arithmetic3A_415 = arith.constant 16 : i32
      %shift_right_arithmetic3A_416 = vector.broadcast %shift_right_arithmetic3A_415 : i32 to vector<16xi32>
      %shift_right_arithmetic3A_417 = arith.shrsi %bitcast_convert_type3A_411, %shift_right_arithmetic3A_416 : vector<16xi32>
      %and3A_418 = arith.constant 1 : i32
      %and3A_419 = vector.broadcast %and3A_418 : i32 to vector<16xi32>
      %and3A_420 = arith.andi %shift_right_arithmetic3A_417, %and3A_419 : vector<16xi32>
      %add3A_421 = arith.addi %add3A_414, %and3A_420 : vector<16xi32>
      %and3A_422 = arith.constant -65536 : i32
      %and3A_423 = vector.broadcast %and3A_422 : i32 to vector<16xi32>
      %and3A_424 = arith.andi %add3A_421, %and3A_423 : vector<16xi32>
      %bitcast_convert_type3A_425 = tpu.bitcast %and3A_424 : vector<16xi32> -> vector<16xf32>
      %get3A_426 = arith.index_cast %scan3A_122 : i32 to index
      %get3A_427 = arith.constant 144 : index
      %get3A_428 = tpu.vector_load %arg10[%get3A_426, %get3A_427] {strides = array<i32>} : memref<64x256xf32, #tpu.memory_space<vmem>>, vector<1x16xf32>,
      %get3A_429 = vector.shape_cast %get3A_428 : vector<1x16xf32> to vector<16xf32>
      %sub3A_430 = arith.subf %bitcast_convert_type3A_425, %get3A_429 : vector<16xf32>
      %add3A_431 = arith.addf %get3A_429, %sub3A_430 : vector<16xf32>
      %swap3A_432 = arith.index_cast %scan3A_122 : i32 to index
      %swap3A_433 = arith.constant 144 : index
      %swap3A_434 = tpu.vector_load %arg8[%swap3A_432, %swap3A_433] {strides = array<i32>} : memref<64x256xf32, #tpu.memory_space<vmem>>, vector<1x16xf32>,
      %swap3A_435 = vector.shape_cast %swap3A_434 : vector<1x16xf32> to vector<16xf32>
      %swap3A_436 = vector.shape_cast %add3A_431 : vector<16xf32> to vector<1x16xf32>
      tpu.vector_store %arg8[%swap3A_432, %swap3A_433], %swap3A_436 {strides = array<i32>} : memref<64x256xf32, #tpu.memory_space<vmem>>, vector<1x16xf32>,
      %mul3A_437 = arith.mulf %sub3A_430, %sub3A_430 : vector<16xf32>
      %add3A_438 = arith.addf %add3A_406, %mul3A_437 : vector<16xf32>
      %get3A_439 = arith.index_cast %scan3A_122 : i32 to index
      %get3A_440 = arith.constant 160 : index
      %get3A_441 = tpu.vector_load %arg8[%get3A_439, %get3A_440] {strides = array<i32>} : memref<64x256xf32, #tpu.memory_space<vmem>>, vector<1x16xf32>,
      %get3A_442 = vector.shape_cast %get3A_441 : vector<1x16xf32> to vector<16xf32>
      %bitcast_convert_type3A_443 = tpu.bitcast %get3A_442 : vector<16xf32> -> vector<16xi32>
      %add3A_444 = arith.constant 32767 : i32
      %add3A_445 = vector.broadcast %add3A_444 : i32 to vector<16xi32>
      %add3A_446 = arith.addi %bitcast_convert_type3A_443, %add3A_445 : vector<16xi32>
      %shift_right_arithmetic3A_447 = arith.constant 16 : i32
      %shift_right_arithmetic3A_448 = vector.broadcast %shift_right_arithmetic3A_447 : i32 to vector<16xi32>
      %shift_right_arithmetic3A_449 = arith.shrsi %bitcast_convert_type3A_443, %shift_right_arithmetic3A_448 : vector<16xi32>
      %and3A_450 = arith.constant 1 : i32
      %and3A_451 = vector.broadcast %and3A_450 : i32 to vector<16xi32>
      %and3A_452 = arith.andi %shift_right_arithmetic3A_449, %and3A_451 : vector<16xi32>
      %add3A_453 = arith.addi %add3A_446, %and3A_452 : vector<16xi32>
      %and3A_454 = arith.constant -65536 : i32
      %and3A_455 = vector.broadcast %and3A_454 : i32 to vector<16xi32>
      %and3A_456 = arith.andi %add3A_453, %and3A_455 : vector<16xi32>
      %bitcast_convert_type3A_457 = tpu.bitcast %and3A_456 : vector<16xi32> -> vector<16xf32>
      %get3A_458 = arith.index_cast %scan3A_122 : i32 to index
      %get3A_459 = arith.constant 160 : index
      %get3A_460 = tpu.vector_load %arg10[%get3A_458, %get3A_459] {strides = array<i32>} : memref<64x256xf32, #tpu.memory_space<vmem>>, vector<1x16xf32>,
      %get3A_461 = vector.shape_cast %get3A_460 : vector<1x16xf32> to vector<16xf32>
      %sub3A_462 = arith.subf %bitcast_convert_type3A_457, %get3A_461 : vector<16xf32>
      %add3A_463 = arith.addf %get3A_461, %sub3A_462 : vector<16xf32>
      %swap3A_464 = arith.index_cast %scan3A_122 : i32 to index
      %swap3A_465 = arith.constant 160 : index
      %swap3A_466 = tpu.vector_load %arg8[%swap3A_464, %swap3A_465] {strides = array<i32>} : memref<64x256xf32, #tpu.memory_space<vmem>>, vector<1x16xf32>,
      %swap3A_467 = vector.shape_cast %swap3A_466 : vector<1x16xf32> to vector<16xf32>
      %swap3A_468 = vector.shape_cast %add3A_463 : vector<16xf32> to vector<1x16xf32>
      tpu.vector_store %arg8[%swap3A_464, %swap3A_465], %swap3A_468 {strides = array<i32>} : memref<64x256xf32, #tpu.memory_space<vmem>>, vector<1x16xf32>,
      %mul3A_469 = arith.mulf %sub3A_462, %sub3A_462 : vector<16xf32>
      %add3A_470 = arith.addf %add3A_438, %mul3A_469 : vector<16xf32>
      %get3A_471 = arith.index_cast %scan3A_122 : i32 to index
      %get3A_472 = arith.constant 176 : index
      %get3A_473 = tpu.vector_load %arg8[%get3A_471, %get3A_472] {strides = array<i32>} : memref<64x256xf32, #tpu.memory_space<vmem>>, vector<1x16xf32>,
      %get3A_474 = vector.shape_cast %get3A_473 : vector<1x16xf32> to vector<16xf32>
      %bitcast_convert_type3A_475 = tpu.bitcast %get3A_474 : vector<16xf32> -> vector<16xi32>
      %add3A_476 = arith.constant 32767 : i32
      %add3A_477 = vector.broadcast %add3A_476 : i32 to vector<16xi32>
      %add3A_478 = arith.addi %bitcast_convert_type3A_475, %add3A_477 : vector<16xi32>
      %shift_right_arithmetic3A_479 = arith.constant 16 : i32
      %shift_right_arithmetic3A_480 = vector.broadcast %shift_right_arithmetic3A_479 : i32 to vector<16xi32>
      %shift_right_arithmetic3A_481 = arith.shrsi %bitcast_convert_type3A_475, %shift_right_arithmetic3A_480 : vector<16xi32>
      %and3A_482 = arith.constant 1 : i32
      %and3A_483 = vector.broadcast %and3A_482 : i32 to vector<16xi32>
      %and3A_484 = arith.andi %shift_right_arithmetic3A_481, %and3A_483 : vector<16xi32>
      %add3A_485 = arith.addi %add3A_478, %and3A_484 : vector<16xi32>
      %and3A_486 = arith.constant -65536 : i32
      %and3A_487 = vector.broadcast %and3A_486 : i32 to vector<16xi32>
      %and3A_488 = arith.andi %add3A_485, %and3A_487 : vector<16xi32>
      %bitcast_convert_type3A_489 = tpu.bitcast %and3A_488 : vector<16xi32> -> vector<16xf32>
      %get3A_490 = arith.index_cast %scan3A_122 : i32 to index
      %get3A_491 = arith.constant 176 : index
      %get3A_492 = tpu.vector_load %arg10[%get3A_490, %get3A_491] {strides = array<i32>} : memref<64x256xf32, #tpu.memory_space<vmem>>, vector<1x16xf32>,
      %get3A_493 = vector.shape_cast %get3A_492 : vector<1x16xf32> to vector<16xf32>
      %sub3A_494 = arith.subf %bitcast_convert_type3A_489, %get3A_493 : vector<16xf32>
      %add3A_495 = arith.addf %get3A_493, %sub3A_494 : vector<16xf32>
      %swap3A_496 = arith.index_cast %scan3A_122 : i32 to index
      %swap3A_497 = arith.constant 176 : index
      %swap3A_498 = tpu.vector_load %arg8[%swap3A_496, %swap3A_497] {strides = array<i32>} : memref<64x256xf32, #tpu.memory_space<vmem>>, vector<1x16xf32>,
      %swap3A_499 = vector.shape_cast %swap3A_498 : vector<1x16xf32> to vector<16xf32>
      %swap3A_500 = vector.shape_cast %add3A_495 : vector<16xf32> to vector<1x16xf32>
      tpu.vector_store %arg8[%swap3A_496, %swap3A_497], %swap3A_500 {strides = array<i32>} : memref<64x256xf32, #tpu.memory_space<vmem>>, vector<1x16xf32>,
      %mul3A_501 = arith.mulf %sub3A_494, %sub3A_494 : vector<16xf32>
      %add3A_502 = arith.addf %add3A_470, %mul3A_501 : vector<16xf32>
      %get3A_503 = arith.index_cast %scan3A_122 : i32 to index
      %get3A_504 = arith.constant 192 : index
      %get3A_505 = tpu.vector_load %arg8[%get3A_503, %get3A_504] {strides = array<i32>} : memref<64x256xf32, #tpu.memory_space<vmem>>, vector<1x16xf32>,
      %get3A_506 = vector.shape_cast %get3A_505 : vector<1x16xf32> to vector<16xf32>
      %bitcast_convert_type3A_507 = tpu.bitcast %get3A_506 : vector<16xf32> -> vector<16xi32>
      %add3A_508 = arith.constant 32767 : i32
      %add3A_509 = vector.broadcast %add3A_508 : i32 to vector<16xi32>
      %add3A_510 = arith.addi %bitcast_convert_type3A_507, %add3A_509 : vector<16xi32>
      %shift_right_arithmetic3A_511 = arith.constant 16 : i32
      %shift_right_arithmetic3A_512 = vector.broadcast %shift_right_arithmetic3A_511 : i32 to vector<16xi32>
      %shift_right_arithmetic3A_513 = arith.shrsi %bitcast_convert_type3A_507, %shift_right_arithmetic3A_512 : vector<16xi32>
      %and3A_514 = arith.constant 1 : i32
      %and3A_515 = vector.broadcast %and3A_514 : i32 to vector<16xi32>
      %and3A_516 = arith.andi %shift_right_arithmetic3A_513, %and3A_515 : vector<16xi32>
      %add3A_517 = arith.addi %add3A_510, %and3A_516 : vector<16xi32>
      %and3A_518 = arith.constant -65536 : i32
      %and3A_519 = vector.broadcast %and3A_518 : i32 to vector<16xi32>
      %and3A_520 = arith.andi %add3A_517, %and3A_519 : vector<16xi32>
      %bitcast_convert_type3A_521 = tpu.bitcast %and3A_520 : vector<16xi32> -> vector<16xf32>
      %get3A_522 = arith.index_cast %scan3A_122 : i32 to index
      %get3A_523 = arith.constant 192 : index
      %get3A_524 = tpu.vector_load %arg10[%get3A_522, %get3A_523] {strides = array<i32>} : memref<64x256xf32, #tpu.memory_space<vmem>>, vector<1x16xf32>,
      %get3A_525 = vector.shape_cast %get3A_524 : vector<1x16xf32> to vector<16xf32>
      %sub3A_526 = arith.subf %bitcast_convert_type3A_521, %get3A_525 : vector<16xf32>
      %add3A_527 = arith.addf %get3A_525, %sub3A_526 : vector<16xf32>
      %swap3A_528 = arith.index_cast %scan3A_122 : i32 to index
      %swap3A_529 = arith.constant 192 : index
      %swap3A_530 = tpu.vector_load %arg8[%swap3A_528, %swap3A_529] {strides = array<i32>} : memref<64x256xf32, #tpu.memory_space<vmem>>, vector<1x16xf32>,
      %swap3A_531 = vector.shape_cast %swap3A_530 : vector<1x16xf32> to vector<16xf32>
      %swap3A_532 = vector.shape_cast %add3A_527 : vector<16xf32> to vector<1x16xf32>
      tpu.vector_store %arg8[%swap3A_528, %swap3A_529], %swap3A_532 {strides = array<i32>} : memref<64x256xf32, #tpu.memory_space<vmem>>, vector<1x16xf32>,
      %mul3A_533 = arith.mulf %sub3A_526, %sub3A_526 : vector<16xf32>
      %add3A_534 = arith.addf %add3A_502, %mul3A_533 : vector<16xf32>
      %get3A_535 = arith.index_cast %scan3A_122 : i32 to index
      %get3A_536 = arith.constant 208 : index
      %get3A_537 = tpu.vector_load %arg8[%get3A_535, %get3A_536] {strides = array<i32>} : memref<64x256xf32, #tpu.memory_space<vmem>>, vector<1x16xf32>,
      %get3A_538 = vector.shape_cast %get3A_537 : vector<1x16xf32> to vector<16xf32>
      %bitcast_convert_type3A_539 = tpu.bitcast %get3A_538 : vector<16xf32> -> vector<16xi32>
      %add3A_540 = arith.constant 32767 : i32
      %add3A_541 = vector.broadcast %add3A_540 : i32 to vector<16xi32>
      %add3A_542 = arith.addi %bitcast_convert_type3A_539, %add3A_541 : vector<16xi32>
      %shift_right_arithmetic3A_543 = arith.constant 16 : i32
      %shift_right_arithmetic3A_544 = vector.broadcast %shift_right_arithmetic3A_543 : i32 to vector<16xi32>
      %shift_right_arithmetic3A_545 = arith.shrsi %bitcast_convert_type3A_539, %shift_right_arithmetic3A_544 : vector<16xi32>
      %and3A_546 = arith.constant 1 : i32
      %and3A_547 = vector.broadcast %and3A_546 : i32 to vector<16xi32>
      %and3A_548 = arith.andi %shift_right_arithmetic3A_545, %and3A_547 : vector<16xi32>
      %add3A_549 = arith.addi %add3A_542, %and3A_548 : vector<16xi32>
      %and3A_550 = arith.constant -65536 : i32
      %and3A_551 = vector.broadcast %and3A_550 : i32 to vector<16xi32>
      %and3A_552 = arith.andi %add3A_549, %and3A_551 : vector<16xi32>
      %bitcast_convert_type3A_553 = tpu.bitcast %and3A_552 : vector<16xi32> -> vector<16xf32>
      %get3A_554 = arith.index_cast %scan3A_122 : i32 to index
      %get3A_555 = arith.constant 208 : index
      %get3A_556 = tpu.vector_load %arg10[%get3A_554, %get3A_555] {strides = array<i32>} : memref<64x256xf32, #tpu.memory_space<vmem>>, vector<1x16xf32>,
      %get3A_557 = vector.shape_cast %get3A_556 : vector<1x16xf32> to vector<16xf32>
      %sub3A_558 = arith.subf %bitcast_convert_type3A_553, %get3A_557 : vector<16xf32>
      %add3A_559 = arith.addf %get3A_557, %sub3A_558 : vector<16xf32>
      %swap3A_560 = arith.index_cast %scan3A_122 : i32 to index
      %swap3A_561 = arith.constant 208 : index
      %swap3A_562 = tpu.vector_load %arg8[%swap3A_560, %swap3A_561] {strides = array<i32>} : memref<64x256xf32, #tpu.memory_space<vmem>>, vector<1x16xf32>,
      %swap3A_563 = vector.shape_cast %swap3A_562 : vector<1x16xf32> to vector<16xf32>
      %swap3A_564 = vector.shape_cast %add3A_559 : vector<16xf32> to vector<1x16xf32>
      tpu.vector_store %arg8[%swap3A_560, %swap3A_561], %swap3A_564 {strides = array<i32>} : memref<64x256xf32, #tpu.memory_space<vmem>>, vector<1x16xf32>,
      %mul3A_565 = arith.mulf %sub3A_558, %sub3A_558 : vector<16xf32>
      %add3A_566 = arith.addf %add3A_534, %mul3A_565 : vector<16xf32>
      %get3A_567 = arith.index_cast %scan3A_122 : i32 to index
      %get3A_568 = arith.constant 224 : index
      %get3A_569 = tpu.vector_load %arg8[%get3A_567, %get3A_568] {strides = array<i32>} : memref<64x256xf32, #tpu.memory_space<vmem>>, vector<1x16xf32>,
      %get3A_570 = vector.shape_cast %get3A_569 : vector<1x16xf32> to vector<16xf32>
      %bitcast_convert_type3A_571 = tpu.bitcast %get3A_570 : vector<16xf32> -> vector<16xi32>
      %add3A_572 = arith.constant 32767 : i32
      %add3A_573 = vector.broadcast %add3A_572 : i32 to vector<16xi32>
      %add3A_574 = arith.addi %bitcast_convert_type3A_571, %add3A_573 : vector<16xi32>
      %shift_right_arithmetic3A_575 = arith.constant 16 : i32
      %shift_right_arithmetic3A_576 = vector.broadcast %shift_right_arithmetic3A_575 : i32 to vector<16xi32>
      %shift_right_arithmetic3A_577 = arith.shrsi %bitcast_convert_type3A_571, %shift_right_arithmetic3A_576 : vector<16xi32>
      %and3A_578 = arith.constant 1 : i32
      %and3A_579 = vector.broadcast %and3A_578 : i32 to vector<16xi32>
      %and3A_580 = arith.andi %shift_right_arithmetic3A_577, %and3A_579 : vector<16xi32>
      %add3A_581 = arith.addi %add3A_574, %and3A_580 : vector<16xi32>
      %and3A_582 = arith.constant -65536 : i32
      %and3A_583 = vector.broadcast %and3A_582 : i32 to vector<16xi32>
      %and3A_584 = arith.andi %add3A_581, %and3A_583 : vector<16xi32>
      %bitcast_convert_type3A_585 = tpu.bitcast %and3A_584 : vector<16xi32> -> vector<16xf32>
      %get3A_586 = arith.index_cast %scan3A_122 : i32 to index
      %get3A_587 = arith.constant 224 : index
      %get3A_588 = tpu.vector_load %arg10[%get3A_586, %get3A_587] {strides = array<i32>} : memref<64x256xf32, #tpu.memory_space<vmem>>, vector<1x16xf32>,
      %get3A_589 = vector.shape_cast %get3A_588 : vector<1x16xf32> to vector<16xf32>
      %sub3A_590 = arith.subf %bitcast_convert_type3A_585, %get3A_589 : vector<16xf32>
      %add3A_591 = arith.addf %get3A_589, %sub3A_590 : vector<16xf32>
      %swap3A_592 = arith.index_cast %scan3A_122 : i32 to index
      %swap3A_593 = arith.constant 224 : index
      %swap3A_594 = tpu.vector_load %arg8[%swap3A_592, %swap3A_593] {strides = array<i32>} : memref<64x256xf32, #tpu.memory_space<vmem>>, vector<1x16xf32>,
      %swap3A_595 = vector.shape_cast %swap3A_594 : vector<1x16xf32> to vector<16xf32>
      %swap3A_596 = vector.shape_cast %add3A_591 : vector<16xf32> to vector<1x16xf32>
      tpu.vector_store %arg8[%swap3A_592, %swap3A_593], %swap3A_596 {strides = array<i32>} : memref<64x256xf32, #tpu.memory_space<vmem>>, vector<1x16xf32>,
      %mul3A_597 = arith.mulf %sub3A_590, %sub3A_590 : vector<16xf32>
      %add3A_598 = arith.addf %add3A_566, %mul3A_597 : vector<16xf32>
      %get3A_599 = arith.index_cast %scan3A_122 : i32 to index
      %get3A_600 = arith.constant 240 : index
      %get3A_601 = tpu.vector_load %arg8[%get3A_599, %get3A_600] {strides = array<i32>} : memref<64x256xf32, #tpu.memory_space<vmem>>, vector<1x16xf32>,
      %get3A_602 = vector.shape_cast %get3A_601 : vector<1x16xf32> to vector<16xf32>
      %bitcast_convert_type3A_603 = tpu.bitcast %get3A_602 : vector<16xf32> -> vector<16xi32>
      %add3A_604 = arith.constant 32767 : i32
      %add3A_605 = vector.broadcast %add3A_604 : i32 to vector<16xi32>
      %add3A_606 = arith.addi %bitcast_convert_type3A_603, %add3A_605 : vector<16xi32>
      %shift_right_arithmetic3A_607 = arith.constant 16 : i32
      %shift_right_arithmetic3A_608 = vector.broadcast %shift_right_arithmetic3A_607 : i32 to vector<16xi32>
      %shift_right_arithmetic3A_609 = arith.shrsi %bitcast_convert_type3A_603, %shift_right_arithmetic3A_608 : vector<16xi32>
      %and3A_610 = arith.constant 1 : i32
      %and3A_611 = vector.broadcast %and3A_610 : i32 to vector<16xi32>
      %and3A_612 = arith.andi %shift_right_arithmetic3A_609, %and3A_611 : vector<16xi32>
      %add3A_613 = arith.addi %add3A_606, %and3A_612 : vector<16xi32>
      %and3A_614 = arith.constant -65536 : i32
      %and3A_615 = vector.broadcast %and3A_614 : i32 to vector<16xi32>
      %and3A_616 = arith.andi %add3A_613, %and3A_615 : vector<16xi32>
      %bitcast_convert_type3A_617 = tpu.bitcast %and3A_616 : vector<16xi32> -> vector<16xf32>
      %get3A_618 = arith.index_cast %scan3A_122 : i32 to index
      %get3A_619 = arith.constant 240 : index
      %get3A_620 = tpu.vector_load %arg10[%get3A_618, %get3A_619] {strides = array<i32>} : memref<64x256xf32, #tpu.memory_space<vmem>>, vector<1x16xf32>,
      %get3A_621 = vector.shape_cast %get3A_620 : vector<1x16xf32> to vector<16xf32>
      %sub3A_622 = arith.subf %bitcast_convert_type3A_617, %get3A_621 : vector<16xf32>
      %add3A_623 = arith.addf %get3A_621, %sub3A_622 : vector<16xf32>
      %swap3A_624 = arith.index_cast %scan3A_122 : i32 to index
      %swap3A_625 = arith.constant 240 : index
      %swap3A_626 = tpu.vector_load %arg8[%swap3A_624, %swap3A_625] {strides = array<i32>} : memref<64x256xf32, #tpu.memory_space<vmem>>, vector<1x16xf32>,
      %swap3A_627 = vector.shape_cast %swap3A_626 : vector<1x16xf32> to vector<16xf32>
      %swap3A_628 = vector.shape_cast %add3A_623 : vector<16xf32> to vector<1x16xf32>
      tpu.vector_store %arg8[%swap3A_624, %swap3A_625], %swap3A_628 {strides = array<i32>} : memref<64x256xf32, #tpu.memory_space<vmem>>, vector<1x16xf32>,
      %mul3A_629 = arith.mulf %sub3A_622, %sub3A_622 : vector<16xf32>
      %add3A_630 = arith.addf %add3A_598, %mul3A_629 : vector<16xf32>
      scf.yield %add3A_630 : vector<16xf32>
    }
    %scan3A_97 = arith.constant 64 : i32
    %add3A_98 = arith.constant 128 : i32
    %add3A_99 = arith.addi %mul3A_2, %add3A_98 : i32
    "tpu.region"() ({
      %run_scoped3A = tpu.sem_alloc : memref<!tpu.dma_semaphore, #tpu.memory_space<semaphore_mem>>
      %dma_start3A_122 = arith.constant 0 : i32
      %dma_start3A_123 = tpu.memref_slice %arg5[%add3A_99, %dma_start3A_122] : memref<8192x256xf32, #tpu.memory_space<hbm>> -> memref<64x256xf32, #tpu.memory_space<hbm>>
      %dma_start3A_124 = arith.constant 0 : i32
      %dma_start3A_125 = tpu.memref_slice %arg5[%add3A_99, %dma_start3A_124] : memref<8192x256xf32, #tpu.memory_space<hbm>> -> memref<64x256xf32, #tpu.memory_space<hbm>>
      tpu.enqueue_dma source(%arg8 : memref<64x256xf32, #tpu.memory_space<vmem>>) target(%dma_start3A_125 : memref<64x256xf32, #tpu.memory_space<hbm>>) target_semaphore(%run_scoped3A : memref<!tpu.dma_semaphore, #tpu.memory_space<semaphore_mem>>)
      %dma_wait3A_126 = arith.constant 0 : i32
      %dma_wait3A_127 = tpu.memref_slice %arg5[%add3A_99, %dma_wait3A_126] : memref<8192x256xf32, #tpu.memory_space<hbm>> -> memref<64x256xf32, #tpu.memory_space<hbm>>
      %dma_wait3A_128 = arith.constant 0 : i32
      %dma_wait3A_129 = tpu.memref_slice %arg5[%add3A_99, %dma_wait3A_128] : memref<8192x256xf32, #tpu.memory_space<hbm>> -> memref<64x256xf32, #tpu.memory_space<hbm>>
      tpu.wait_dma2 semaphore(%run_scoped3A : memref<!tpu.dma_semaphore, #tpu.memory_space<semaphore_mem>>) src(%arg8 : memref<64x256xf32, #tpu.memory_space<vmem>>) dst(%dma_wait3A_129 : memref<64x256xf32, #tpu.memory_space<hbm>>)
      tpu.yield
    }) : () -> ()
    %dma_wait3A_100 = arith.constant 192 : i32
    %dma_wait3A_101 = tpu.memref_slice %arg7[%dma_wait3A_100] : memref<256xi32, #tpu.memory_space<vmem>> -> memref<64xi32, #tpu.memory_space<vmem>>
    %dma_wait3A_102 = arith.constant 0 : i32
    %dma_wait3A_103 = arith.constant 0 : i32
    %dma_wait3A_104 = tpu.memref_slice %arg2[%dma_wait3A_102, %dma_wait3A_103] : memref<8192x256xf32, #tpu.memory_space<hbm>> -> memref<8192x256xf32, #tpu.memory_space<hbm>>
    tpu.wait_indirect_dma semaphore(%arg14 : memref<!tpu.dma_semaphore, #tpu.memory_space<semaphore_mem>>) src(%dma_wait3A_104 : memref<8192x256xf32, #tpu.memory_space<hbm>>) dst(%arg9 : memref<64x256xf32, #tpu.memory_space<vmem>>)
    %add3A_105 = arith.constant 192 : i32
    %add3A_106 = arith.addi %mul3A_2, %add3A_105 : i32
    %dma_wait3A_107 = arith.constant 0 : i32
    %dma_wait3A_108 = tpu.memref_slice %arg4[%add3A_106, %dma_wait3A_107] : memref<8192x256xf32, #tpu.memory_space<hbm>> -> memref<64x256xf32, #tpu.memory_space<hbm>>
    %dma_wait3A_109 = arith.constant 0 : i32
    %dma_wait3A_110 = tpu.memref_slice %arg4[%add3A_106, %dma_wait3A_109] : memref<8192x256xf32, #tpu.memory_space<hbm>> -> memref<64x256xf32, #tpu.memory_space<hbm>>
    tpu.wait_dma2 semaphore(%arg16 : memref<!tpu.dma_semaphore, #tpu.memory_space<semaphore_mem>>) src(%dma_wait3A_110 : memref<64x256xf32, #tpu.memory_space<hbm>>) dst(%arg11 : memref<64x256xf32, #tpu.memory_space<vmem>>)
    %scan3A_111 = arith.constant 0 : i32
    %scan3A_112 = arith.constant 64 : i32
    %scan3A_113 = arith.addi %scan3A_111, %scan3A_112 : i32
    %scan3A_114 = arith.constant 1 : i32
    %scan3A_115 = scf.for %scan3A_122 = %scan3A_111 to %scan3A_113 step %scan3A_114 iter_args(%scan3A_123 = %scan3A_96) -> (vector<16xf32>)  : i32 {
      %get3A = arith.index_cast %scan3A_122 : i32 to index
      %get3A_124 = arith.constant 0 : index
      %get3A_125 = tpu.vector_load %arg9[%get3A, %get3A_124] {strides = array<i32>} : memref<64x256xf32, #tpu.memory_space<vmem>>, vector<1x16xf32>,
      %get3A_126 = vector.shape_cast %get3A_125 : vector<1x16xf32> to vector<16xf32>
      %bitcast_convert_type3A = tpu.bitcast %get3A_126 : vector<16xf32> -> vector<16xi32>
      %add3A_127 = arith.constant 32767 : i32
      %add3A_128 = vector.broadcast %add3A_127 : i32 to vector<16xi32>
      %add3A_129 = arith.addi %bitcast_convert_type3A, %add3A_128 : vector<16xi32>
      %shift_right_arithmetic3A = arith.constant 16 : i32
      %shift_right_arithmetic3A_130 = vector.broadcast %shift_right_arithmetic3A : i32 to vector<16xi32>
      %shift_right_arithmetic3A_131 = arith.shrsi %bitcast_convert_type3A, %shift_right_arithmetic3A_130 : vector<16xi32>
      %and3A = arith.constant 1 : i32
      %and3A_132 = vector.broadcast %and3A : i32 to vector<16xi32>
      %and3A_133 = arith.andi %shift_right_arithmetic3A_131, %and3A_132 : vector<16xi32>
      %add3A_134 = arith.addi %add3A_129, %and3A_133 : vector<16xi32>
      %and3A_135 = arith.constant -65536 : i32
      %and3A_136 = vector.broadcast %and3A_135 : i32 to vector<16xi32>
      %and3A_137 = arith.andi %add3A_134, %and3A_136 : vector<16xi32>
      %bitcast_convert_type3A_138 = tpu.bitcast %and3A_137 : vector<16xi32> -> vector<16xf32>
      %get3A_139 = arith.index_cast %scan3A_122 : i32 to index
      %get3A_140 = arith.constant 0 : index
      %get3A_141 = tpu.vector_load %arg11[%get3A_139, %get3A_140] {strides = array<i32>} : memref<64x256xf32, #tpu.memory_space<vmem>>, vector<1x16xf32>,
      %get3A_142 = vector.shape_cast %get3A_141 : vector<1x16xf32> to vector<16xf32>
      %sub3A = arith.subf %bitcast_convert_type3A_138, %get3A_142 : vector<16xf32>
      %add3A_143 = arith.addf %get3A_142, %sub3A : vector<16xf32>
      %swap3A_144 = arith.index_cast %scan3A_122 : i32 to index
      %swap3A_145 = arith.constant 0 : index
      %swap3A_146 = tpu.vector_load %arg9[%swap3A_144, %swap3A_145] {strides = array<i32>} : memref<64x256xf32, #tpu.memory_space<vmem>>, vector<1x16xf32>,
      %swap3A_147 = vector.shape_cast %swap3A_146 : vector<1x16xf32> to vector<16xf32>
      %swap3A_148 = vector.shape_cast %add3A_143 : vector<16xf32> to vector<1x16xf32>
      tpu.vector_store %arg9[%swap3A_144, %swap3A_145], %swap3A_148 {strides = array<i32>} : memref<64x256xf32, #tpu.memory_space<vmem>>, vector<1x16xf32>,
      %mul3A_149 = arith.mulf %sub3A, %sub3A : vector<16xf32>
      %add3A_150 = arith.addf %scan3A_123, %mul3A_149 : vector<16xf32>
      %get3A_151 = arith.index_cast %scan3A_122 : i32 to index
      %get3A_152 = arith.constant 16 : index
      %get3A_153 = tpu.vector_load %arg9[%get3A_151, %get3A_152] {strides = array<i32>} : memref<64x256xf32, #tpu.memory_space<vmem>>, vector<1x16xf32>,
      %get3A_154 = vector.shape_cast %get3A_153 : vector<1x16xf32> to vector<16xf32>
      %bitcast_convert_type3A_155 = tpu.bitcast %get3A_154 : vector<16xf32> -> vector<16xi32>
      %add3A_156 = arith.constant 32767 : i32
      %add3A_157 = vector.broadcast %add3A_156 : i32 to vector<16xi32>
      %add3A_158 = arith.addi %bitcast_convert_type3A_155, %add3A_157 : vector<16xi32>
      %shift_right_arithmetic3A_159 = arith.constant 16 : i32
      %shift_right_arithmetic3A_160 = vector.broadcast %shift_right_arithmetic3A_159 : i32 to vector<16xi32>
      %shift_right_arithmetic3A_161 = arith.shrsi %bitcast_convert_type3A_155, %shift_right_arithmetic3A_160 : vector<16xi32>
      %and3A_162 = arith.constant 1 : i32
      %and3A_163 = vector.broadcast %and3A_162 : i32 to vector<16xi32>
      %and3A_164 = arith.andi %shift_right_arithmetic3A_161, %and3A_163 : vector<16xi32>
      %add3A_165 = arith.addi %add3A_158, %and3A_164 : vector<16xi32>
      %and3A_166 = arith.constant -65536 : i32
      %and3A_167 = vector.broadcast %and3A_166 : i32 to vector<16xi32>
      %and3A_168 = arith.andi %add3A_165, %and3A_167 : vector<16xi32>
      %bitcast_convert_type3A_169 = tpu.bitcast %and3A_168 : vector<16xi32> -> vector<16xf32>
      %get3A_170 = arith.index_cast %scan3A_122 : i32 to index
      %get3A_171 = arith.constant 16 : index
      %get3A_172 = tpu.vector_load %arg11[%get3A_170, %get3A_171] {strides = array<i32>} : memref<64x256xf32, #tpu.memory_space<vmem>>, vector<1x16xf32>,
      %get3A_173 = vector.shape_cast %get3A_172 : vector<1x16xf32> to vector<16xf32>
      %sub3A_174 = arith.subf %bitcast_convert_type3A_169, %get3A_173 : vector<16xf32>
      %add3A_175 = arith.addf %get3A_173, %sub3A_174 : vector<16xf32>
      %swap3A_176 = arith.index_cast %scan3A_122 : i32 to index
      %swap3A_177 = arith.constant 16 : index
      %swap3A_178 = tpu.vector_load %arg9[%swap3A_176, %swap3A_177] {strides = array<i32>} : memref<64x256xf32, #tpu.memory_space<vmem>>, vector<1x16xf32>,
      %swap3A_179 = vector.shape_cast %swap3A_178 : vector<1x16xf32> to vector<16xf32>
      %swap3A_180 = vector.shape_cast %add3A_175 : vector<16xf32> to vector<1x16xf32>
      tpu.vector_store %arg9[%swap3A_176, %swap3A_177], %swap3A_180 {strides = array<i32>} : memref<64x256xf32, #tpu.memory_space<vmem>>, vector<1x16xf32>,
      %mul3A_181 = arith.mulf %sub3A_174, %sub3A_174 : vector<16xf32>
      %add3A_182 = arith.addf %add3A_150, %mul3A_181 : vector<16xf32>
      %get3A_183 = arith.index_cast %scan3A_122 : i32 to index
      %get3A_184 = arith.constant 32 : index
      %get3A_185 = tpu.vector_load %arg9[%get3A_183, %get3A_184] {strides = array<i32>} : memref<64x256xf32, #tpu.memory_space<vmem>>, vector<1x16xf32>,
      %get3A_186 = vector.shape_cast %get3A_185 : vector<1x16xf32> to vector<16xf32>
      %bitcast_convert_type3A_187 = tpu.bitcast %get3A_186 : vector<16xf32> -> vector<16xi32>
      %add3A_188 = arith.constant 32767 : i32
      %add3A_189 = vector.broadcast %add3A_188 : i32 to vector<16xi32>
      %add3A_190 = arith.addi %bitcast_convert_type3A_187, %add3A_189 : vector<16xi32>
      %shift_right_arithmetic3A_191 = arith.constant 16 : i32
      %shift_right_arithmetic3A_192 = vector.broadcast %shift_right_arithmetic3A_191 : i32 to vector<16xi32>
      %shift_right_arithmetic3A_193 = arith.shrsi %bitcast_convert_type3A_187, %shift_right_arithmetic3A_192 : vector<16xi32>
      %and3A_194 = arith.constant 1 : i32
      %and3A_195 = vector.broadcast %and3A_194 : i32 to vector<16xi32>
      %and3A_196 = arith.andi %shift_right_arithmetic3A_193, %and3A_195 : vector<16xi32>
      %add3A_197 = arith.addi %add3A_190, %and3A_196 : vector<16xi32>
      %and3A_198 = arith.constant -65536 : i32
      %and3A_199 = vector.broadcast %and3A_198 : i32 to vector<16xi32>
      %and3A_200 = arith.andi %add3A_197, %and3A_199 : vector<16xi32>
      %bitcast_convert_type3A_201 = tpu.bitcast %and3A_200 : vector<16xi32> -> vector<16xf32>
      %get3A_202 = arith.index_cast %scan3A_122 : i32 to index
      %get3A_203 = arith.constant 32 : index
      %get3A_204 = tpu.vector_load %arg11[%get3A_202, %get3A_203] {strides = array<i32>} : memref<64x256xf32, #tpu.memory_space<vmem>>, vector<1x16xf32>,
      %get3A_205 = vector.shape_cast %get3A_204 : vector<1x16xf32> to vector<16xf32>
      %sub3A_206 = arith.subf %bitcast_convert_type3A_201, %get3A_205 : vector<16xf32>
      %add3A_207 = arith.addf %get3A_205, %sub3A_206 : vector<16xf32>
      %swap3A_208 = arith.index_cast %scan3A_122 : i32 to index
      %swap3A_209 = arith.constant 32 : index
      %swap3A_210 = tpu.vector_load %arg9[%swap3A_208, %swap3A_209] {strides = array<i32>} : memref<64x256xf32, #tpu.memory_space<vmem>>, vector<1x16xf32>,
      %swap3A_211 = vector.shape_cast %swap3A_210 : vector<1x16xf32> to vector<16xf32>
      %swap3A_212 = vector.shape_cast %add3A_207 : vector<16xf32> to vector<1x16xf32>
      tpu.vector_store %arg9[%swap3A_208, %swap3A_209], %swap3A_212 {strides = array<i32>} : memref<64x256xf32, #tpu.memory_space<vmem>>, vector<1x16xf32>,
      %mul3A_213 = arith.mulf %sub3A_206, %sub3A_206 : vector<16xf32>
      %add3A_214 = arith.addf %add3A_182, %mul3A_213 : vector<16xf32>
      %get3A_215 = arith.index_cast %scan3A_122 : i32 to index
      %get3A_216 = arith.constant 48 : index
      %get3A_217 = tpu.vector_load %arg9[%get3A_215, %get3A_216] {strides = array<i32>} : memref<64x256xf32, #tpu.memory_space<vmem>>, vector<1x16xf32>,
      %get3A_218 = vector.shape_cast %get3A_217 : vector<1x16xf32> to vector<16xf32>
      %bitcast_convert_type3A_219 = tpu.bitcast %get3A_218 : vector<16xf32> -> vector<16xi32>
      %add3A_220 = arith.constant 32767 : i32
      %add3A_221 = vector.broadcast %add3A_220 : i32 to vector<16xi32>
      %add3A_222 = arith.addi %bitcast_convert_type3A_219, %add3A_221 : vector<16xi32>
      %shift_right_arithmetic3A_223 = arith.constant 16 : i32
      %shift_right_arithmetic3A_224 = vector.broadcast %shift_right_arithmetic3A_223 : i32 to vector<16xi32>
      %shift_right_arithmetic3A_225 = arith.shrsi %bitcast_convert_type3A_219, %shift_right_arithmetic3A_224 : vector<16xi32>
      %and3A_226 = arith.constant 1 : i32
      %and3A_227 = vector.broadcast %and3A_226 : i32 to vector<16xi32>
      %and3A_228 = arith.andi %shift_right_arithmetic3A_225, %and3A_227 : vector<16xi32>
      %add3A_229 = arith.addi %add3A_222, %and3A_228 : vector<16xi32>
      %and3A_230 = arith.constant -65536 : i32
      %and3A_231 = vector.broadcast %and3A_230 : i32 to vector<16xi32>
      %and3A_232 = arith.andi %add3A_229, %and3A_231 : vector<16xi32>
      %bitcast_convert_type3A_233 = tpu.bitcast %and3A_232 : vector<16xi32> -> vector<16xf32>
      %get3A_234 = arith.index_cast %scan3A_122 : i32 to index
      %get3A_235 = arith.constant 48 : index
      %get3A_236 = tpu.vector_load %arg11[%get3A_234, %get3A_235] {strides = array<i32>} : memref<64x256xf32, #tpu.memory_space<vmem>>, vector<1x16xf32>,
      %get3A_237 = vector.shape_cast %get3A_236 : vector<1x16xf32> to vector<16xf32>
      %sub3A_238 = arith.subf %bitcast_convert_type3A_233, %get3A_237 : vector<16xf32>
      %add3A_239 = arith.addf %get3A_237, %sub3A_238 : vector<16xf32>
      %swap3A_240 = arith.index_cast %scan3A_122 : i32 to index
      %swap3A_241 = arith.constant 48 : index
      %swap3A_242 = tpu.vector_load %arg9[%swap3A_240, %swap3A_241] {strides = array<i32>} : memref<64x256xf32, #tpu.memory_space<vmem>>, vector<1x16xf32>,
      %swap3A_243 = vector.shape_cast %swap3A_242 : vector<1x16xf32> to vector<16xf32>
      %swap3A_244 = vector.shape_cast %add3A_239 : vector<16xf32> to vector<1x16xf32>
      tpu.vector_store %arg9[%swap3A_240, %swap3A_241], %swap3A_244 {strides = array<i32>} : memref<64x256xf32, #tpu.memory_space<vmem>>, vector<1x16xf32>,
      %mul3A_245 = arith.mulf %sub3A_238, %sub3A_238 : vector<16xf32>
      %add3A_246 = arith.addf %add3A_214, %mul3A_245 : vector<16xf32>
      %get3A_247 = arith.index_cast %scan3A_122 : i32 to index
      %get3A_248 = arith.constant 64 : index
      %get3A_249 = tpu.vector_load %arg9[%get3A_247, %get3A_248] {strides = array<i32>} : memref<64x256xf32, #tpu.memory_space<vmem>>, vector<1x16xf32>,
      %get3A_250 = vector.shape_cast %get3A_249 : vector<1x16xf32> to vector<16xf32>
      %bitcast_convert_type3A_251 = tpu.bitcast %get3A_250 : vector<16xf32> -> vector<16xi32>
      %add3A_252 = arith.constant 32767 : i32
      %add3A_253 = vector.broadcast %add3A_252 : i32 to vector<16xi32>
      %add3A_254 = arith.addi %bitcast_convert_type3A_251, %add3A_253 : vector<16xi32>
      %shift_right_arithmetic3A_255 = arith.constant 16 : i32
      %shift_right_arithmetic3A_256 = vector.broadcast %shift_right_arithmetic3A_255 : i32 to vector<16xi32>
      %shift_right_arithmetic3A_257 = arith.shrsi %bitcast_convert_type3A_251, %shift_right_arithmetic3A_256 : vector<16xi32>
      %and3A_258 = arith.constant 1 : i32
      %and3A_259 = vector.broadcast %and3A_258 : i32 to vector<16xi32>
      %and3A_260 = arith.andi %shift_right_arithmetic3A_257, %and3A_259 : vector<16xi32>
      %add3A_261 = arith.addi %add3A_254, %and3A_260 : vector<16xi32>
      %and3A_262 = arith.constant -65536 : i32
      %and3A_263 = vector.broadcast %and3A_262 : i32 to vector<16xi32>
      %and3A_264 = arith.andi %add3A_261, %and3A_263 : vector<16xi32>
      %bitcast_convert_type3A_265 = tpu.bitcast %and3A_264 : vector<16xi32> -> vector<16xf32>
      %get3A_266 = arith.index_cast %scan3A_122 : i32 to index
      %get3A_267 = arith.constant 64 : index
      %get3A_268 = tpu.vector_load %arg11[%get3A_266, %get3A_267] {strides = array<i32>} : memref<64x256xf32, #tpu.memory_space<vmem>>, vector<1x16xf32>,
      %get3A_269 = vector.shape_cast %get3A_268 : vector<1x16xf32> to vector<16xf32>
      %sub3A_270 = arith.subf %bitcast_convert_type3A_265, %get3A_269 : vector<16xf32>
      %add3A_271 = arith.addf %get3A_269, %sub3A_270 : vector<16xf32>
      %swap3A_272 = arith.index_cast %scan3A_122 : i32 to index
      %swap3A_273 = arith.constant 64 : index
      %swap3A_274 = tpu.vector_load %arg9[%swap3A_272, %swap3A_273] {strides = array<i32>} : memref<64x256xf32, #tpu.memory_space<vmem>>, vector<1x16xf32>,
      %swap3A_275 = vector.shape_cast %swap3A_274 : vector<1x16xf32> to vector<16xf32>
      %swap3A_276 = vector.shape_cast %add3A_271 : vector<16xf32> to vector<1x16xf32>
      tpu.vector_store %arg9[%swap3A_272, %swap3A_273], %swap3A_276 {strides = array<i32>} : memref<64x256xf32, #tpu.memory_space<vmem>>, vector<1x16xf32>,
      %mul3A_277 = arith.mulf %sub3A_270, %sub3A_270 : vector<16xf32>
      %add3A_278 = arith.addf %add3A_246, %mul3A_277 : vector<16xf32>
      %get3A_279 = arith.index_cast %scan3A_122 : i32 to index
      %get3A_280 = arith.constant 80 : index
      %get3A_281 = tpu.vector_load %arg9[%get3A_279, %get3A_280] {strides = array<i32>} : memref<64x256xf32, #tpu.memory_space<vmem>>, vector<1x16xf32>,
      %get3A_282 = vector.shape_cast %get3A_281 : vector<1x16xf32> to vector<16xf32>
      %bitcast_convert_type3A_283 = tpu.bitcast %get3A_282 : vector<16xf32> -> vector<16xi32>
      %add3A_284 = arith.constant 32767 : i32
      %add3A_285 = vector.broadcast %add3A_284 : i32 to vector<16xi32>
      %add3A_286 = arith.addi %bitcast_convert_type3A_283, %add3A_285 : vector<16xi32>
      %shift_right_arithmetic3A_287 = arith.constant 16 : i32
      %shift_right_arithmetic3A_288 = vector.broadcast %shift_right_arithmetic3A_287 : i32 to vector<16xi32>
      %shift_right_arithmetic3A_289 = arith.shrsi %bitcast_convert_type3A_283, %shift_right_arithmetic3A_288 : vector<16xi32>
      %and3A_290 = arith.constant 1 : i32
      %and3A_291 = vector.broadcast %and3A_290 : i32 to vector<16xi32>
      %and3A_292 = arith.andi %shift_right_arithmetic3A_289, %and3A_291 : vector<16xi32>
      %add3A_293 = arith.addi %add3A_286, %and3A_292 : vector<16xi32>
      %and3A_294 = arith.constant -65536 : i32
      %and3A_295 = vector.broadcast %and3A_294 : i32 to vector<16xi32>
      %and3A_296 = arith.andi %add3A_293, %and3A_295 : vector<16xi32>
      %bitcast_convert_type3A_297 = tpu.bitcast %and3A_296 : vector<16xi32> -> vector<16xf32>
      %get3A_298 = arith.index_cast %scan3A_122 : i32 to index
      %get3A_299 = arith.constant 80 : index
      %get3A_300 = tpu.vector_load %arg11[%get3A_298, %get3A_299] {strides = array<i32>} : memref<64x256xf32, #tpu.memory_space<vmem>>, vector<1x16xf32>,
      %get3A_301 = vector.shape_cast %get3A_300 : vector<1x16xf32> to vector<16xf32>
      %sub3A_302 = arith.subf %bitcast_convert_type3A_297, %get3A_301 : vector<16xf32>
      %add3A_303 = arith.addf %get3A_301, %sub3A_302 : vector<16xf32>
      %swap3A_304 = arith.index_cast %scan3A_122 : i32 to index
      %swap3A_305 = arith.constant 80 : index
      %swap3A_306 = tpu.vector_load %arg9[%swap3A_304, %swap3A_305] {strides = array<i32>} : memref<64x256xf32, #tpu.memory_space<vmem>>, vector<1x16xf32>,
      %swap3A_307 = vector.shape_cast %swap3A_306 : vector<1x16xf32> to vector<16xf32>
      %swap3A_308 = vector.shape_cast %add3A_303 : vector<16xf32> to vector<1x16xf32>
      tpu.vector_store %arg9[%swap3A_304, %swap3A_305], %swap3A_308 {strides = array<i32>} : memref<64x256xf32, #tpu.memory_space<vmem>>, vector<1x16xf32>,
      %mul3A_309 = arith.mulf %sub3A_302, %sub3A_302 : vector<16xf32>
      %add3A_310 = arith.addf %add3A_278, %mul3A_309 : vector<16xf32>
      %get3A_311 = arith.index_cast %scan3A_122 : i32 to index
      %get3A_312 = arith.constant 96 : index
      %get3A_313 = tpu.vector_load %arg9[%get3A_311, %get3A_312] {strides = array<i32>} : memref<64x256xf32, #tpu.memory_space<vmem>>, vector<1x16xf32>,
      %get3A_314 = vector.shape_cast %get3A_313 : vector<1x16xf32> to vector<16xf32>
      %bitcast_convert_type3A_315 = tpu.bitcast %get3A_314 : vector<16xf32> -> vector<16xi32>
      %add3A_316 = arith.constant 32767 : i32
      %add3A_317 = vector.broadcast %add3A_316 : i32 to vector<16xi32>
      %add3A_318 = arith.addi %bitcast_convert_type3A_315, %add3A_317 : vector<16xi32>
      %shift_right_arithmetic3A_319 = arith.constant 16 : i32
      %shift_right_arithmetic3A_320 = vector.broadcast %shift_right_arithmetic3A_319 : i32 to vector<16xi32>
      %shift_right_arithmetic3A_321 = arith.shrsi %bitcast_convert_type3A_315, %shift_right_arithmetic3A_320 : vector<16xi32>
      %and3A_322 = arith.constant 1 : i32
      %and3A_323 = vector.broadcast %and3A_322 : i32 to vector<16xi32>
      %and3A_324 = arith.andi %shift_right_arithmetic3A_321, %and3A_323 : vector<16xi32>
      %add3A_325 = arith.addi %add3A_318, %and3A_324 : vector<16xi32>
      %and3A_326 = arith.constant -65536 : i32
      %and3A_327 = vector.broadcast %and3A_326 : i32 to vector<16xi32>
      %and3A_328 = arith.andi %add3A_325, %and3A_327 : vector<16xi32>
      %bitcast_convert_type3A_329 = tpu.bitcast %and3A_328 : vector<16xi32> -> vector<16xf32>
      %get3A_330 = arith.index_cast %scan3A_122 : i32 to index
      %get3A_331 = arith.constant 96 : index
      %get3A_332 = tpu.vector_load %arg11[%get3A_330, %get3A_331] {strides = array<i32>} : memref<64x256xf32, #tpu.memory_space<vmem>>, vector<1x16xf32>,
      %get3A_333 = vector.shape_cast %get3A_332 : vector<1x16xf32> to vector<16xf32>
      %sub3A_334 = arith.subf %bitcast_convert_type3A_329, %get3A_333 : vector<16xf32>
      %add3A_335 = arith.addf %get3A_333, %sub3A_334 : vector<16xf32>
      %swap3A_336 = arith.index_cast %scan3A_122 : i32 to index
      %swap3A_337 = arith.constant 96 : index
      %swap3A_338 = tpu.vector_load %arg9[%swap3A_336, %swap3A_337] {strides = array<i32>} : memref<64x256xf32, #tpu.memory_space<vmem>>, vector<1x16xf32>,
      %swap3A_339 = vector.shape_cast %swap3A_338 : vector<1x16xf32> to vector<16xf32>
      %swap3A_340 = vector.shape_cast %add3A_335 : vector<16xf32> to vector<1x16xf32>
      tpu.vector_store %arg9[%swap3A_336, %swap3A_337], %swap3A_340 {strides = array<i32>} : memref<64x256xf32, #tpu.memory_space<vmem>>, vector<1x16xf32>,
      %mul3A_341 = arith.mulf %sub3A_334, %sub3A_334 : vector<16xf32>
      %add3A_342 = arith.addf %add3A_310, %mul3A_341 : vector<16xf32>
      %get3A_343 = arith.index_cast %scan3A_122 : i32 to index
      %get3A_344 = arith.constant 112 : index
      %get3A_345 = tpu.vector_load %arg9[%get3A_343, %get3A_344] {strides = array<i32>} : memref<64x256xf32, #tpu.memory_space<vmem>>, vector<1x16xf32>,
      %get3A_346 = vector.shape_cast %get3A_345 : vector<1x16xf32> to vector<16xf32>
      %bitcast_convert_type3A_347 = tpu.bitcast %get3A_346 : vector<16xf32> -> vector<16xi32>
      %add3A_348 = arith.constant 32767 : i32
      %add3A_349 = vector.broadcast %add3A_348 : i32 to vector<16xi32>
      %add3A_350 = arith.addi %bitcast_convert_type3A_347, %add3A_349 : vector<16xi32>
      %shift_right_arithmetic3A_351 = arith.constant 16 : i32
      %shift_right_arithmetic3A_352 = vector.broadcast %shift_right_arithmetic3A_351 : i32 to vector<16xi32>
      %shift_right_arithmetic3A_353 = arith.shrsi %bitcast_convert_type3A_347, %shift_right_arithmetic3A_352 : vector<16xi32>
      %and3A_354 = arith.constant 1 : i32
      %and3A_355 = vector.broadcast %and3A_354 : i32 to vector<16xi32>
      %and3A_356 = arith.andi %shift_right_arithmetic3A_353, %and3A_355 : vector<16xi32>
      %add3A_357 = arith.addi %add3A_350, %and3A_356 : vector<16xi32>
      %and3A_358 = arith.constant -65536 : i32
      %and3A_359 = vector.broadcast %and3A_358 : i32 to vector<16xi32>
      %and3A_360 = arith.andi %add3A_357, %and3A_359 : vector<16xi32>
      %bitcast_convert_type3A_361 = tpu.bitcast %and3A_360 : vector<16xi32> -> vector<16xf32>
      %get3A_362 = arith.index_cast %scan3A_122 : i32 to index
      %get3A_363 = arith.constant 112 : index
      %get3A_364 = tpu.vector_load %arg11[%get3A_362, %get3A_363] {strides = array<i32>} : memref<64x256xf32, #tpu.memory_space<vmem>>, vector<1x16xf32>,
      %get3A_365 = vector.shape_cast %get3A_364 : vector<1x16xf32> to vector<16xf32>
      %sub3A_366 = arith.subf %bitcast_convert_type3A_361, %get3A_365 : vector<16xf32>
      %add3A_367 = arith.addf %get3A_365, %sub3A_366 : vector<16xf32>
      %swap3A_368 = arith.index_cast %scan3A_122 : i32 to index
      %swap3A_369 = arith.constant 112 : index
      %swap3A_370 = tpu.vector_load %arg9[%swap3A_368, %swap3A_369] {strides = array<i32>} : memref<64x256xf32, #tpu.memory_space<vmem>>, vector<1x16xf32>,
      %swap3A_371 = vector.shape_cast %swap3A_370 : vector<1x16xf32> to vector<16xf32>
      %swap3A_372 = vector.shape_cast %add3A_367 : vector<16xf32> to vector<1x16xf32>
      tpu.vector_store %arg9[%swap3A_368, %swap3A_369], %swap3A_372 {strides = array<i32>} : memref<64x256xf32, #tpu.memory_space<vmem>>, vector<1x16xf32>,
      %mul3A_373 = arith.mulf %sub3A_366, %sub3A_366 : vector<16xf32>
      %add3A_374 = arith.addf %add3A_342, %mul3A_373 : vector<16xf32>
      %get3A_375 = arith.index_cast %scan3A_122 : i32 to index
      %get3A_376 = arith.constant 128 : index
      %get3A_377 = tpu.vector_load %arg9[%get3A_375, %get3A_376] {strides = array<i32>} : memref<64x256xf32, #tpu.memory_space<vmem>>, vector<1x16xf32>,
      %get3A_378 = vector.shape_cast %get3A_377 : vector<1x16xf32> to vector<16xf32>
      %bitcast_convert_type3A_379 = tpu.bitcast %get3A_378 : vector<16xf32> -> vector<16xi32>
      %add3A_380 = arith.constant 32767 : i32
      %add3A_381 = vector.broadcast %add3A_380 : i32 to vector<16xi32>
      %add3A_382 = arith.addi %bitcast_convert_type3A_379, %add3A_381 : vector<16xi32>
      %shift_right_arithmetic3A_383 = arith.constant 16 : i32
      %shift_right_arithmetic3A_384 = vector.broadcast %shift_right_arithmetic3A_383 : i32 to vector<16xi32>
      %shift_right_arithmetic3A_385 = arith.shrsi %bitcast_convert_type3A_379, %shift_right_arithmetic3A_384 : vector<16xi32>
      %and3A_386 = arith.constant 1 : i32
      %and3A_387 = vector.broadcast %and3A_386 : i32 to vector<16xi32>
      %and3A_388 = arith.andi %shift_right_arithmetic3A_385, %and3A_387 : vector<16xi32>
      %add3A_389 = arith.addi %add3A_382, %and3A_388 : vector<16xi32>
      %and3A_390 = arith.constant -65536 : i32
      %and3A_391 = vector.broadcast %and3A_390 : i32 to vector<16xi32>
      %and3A_392 = arith.andi %add3A_389, %and3A_391 : vector<16xi32>
      %bitcast_convert_type3A_393 = tpu.bitcast %and3A_392 : vector<16xi32> -> vector<16xf32>
      %get3A_394 = arith.index_cast %scan3A_122 : i32 to index
      %get3A_395 = arith.constant 128 : index
      %get3A_396 = tpu.vector_load %arg11[%get3A_394, %get3A_395] {strides = array<i32>} : memref<64x256xf32, #tpu.memory_space<vmem>>, vector<1x16xf32>,
      %get3A_397 = vector.shape_cast %get3A_396 : vector<1x16xf32> to vector<16xf32>
      %sub3A_398 = arith.subf %bitcast_convert_type3A_393, %get3A_397 : vector<16xf32>
      %add3A_399 = arith.addf %get3A_397, %sub3A_398 : vector<16xf32>
      %swap3A_400 = arith.index_cast %scan3A_122 : i32 to index
      %swap3A_401 = arith.constant 128 : index
      %swap3A_402 = tpu.vector_load %arg9[%swap3A_400, %swap3A_401] {strides = array<i32>} : memref<64x256xf32, #tpu.memory_space<vmem>>, vector<1x16xf32>,
      %swap3A_403 = vector.shape_cast %swap3A_402 : vector<1x16xf32> to vector<16xf32>
      %swap3A_404 = vector.shape_cast %add3A_399 : vector<16xf32> to vector<1x16xf32>
      tpu.vector_store %arg9[%swap3A_400, %swap3A_401], %swap3A_404 {strides = array<i32>} : memref<64x256xf32, #tpu.memory_space<vmem>>, vector<1x16xf32>,
      %mul3A_405 = arith.mulf %sub3A_398, %sub3A_398 : vector<16xf32>
      %add3A_406 = arith.addf %add3A_374, %mul3A_405 : vector<16xf32>
      %get3A_407 = arith.index_cast %scan3A_122 : i32 to index
      %get3A_408 = arith.constant 144 : index
      %get3A_409 = tpu.vector_load %arg9[%get3A_407, %get3A_408] {strides = array<i32>} : memref<64x256xf32, #tpu.memory_space<vmem>>, vector<1x16xf32>,
      %get3A_410 = vector.shape_cast %get3A_409 : vector<1x16xf32> to vector<16xf32>
      %bitcast_convert_type3A_411 = tpu.bitcast %get3A_410 : vector<16xf32> -> vector<16xi32>
      %add3A_412 = arith.constant 32767 : i32
      %add3A_413 = vector.broadcast %add3A_412 : i32 to vector<16xi32>
      %add3A_414 = arith.addi %bitcast_convert_type3A_411, %add3A_413 : vector<16xi32>
      %shift_right_arithmetic3A_415 = arith.constant 16 : i32
      %shift_right_arithmetic3A_416 = vector.broadcast %shift_right_arithmetic3A_415 : i32 to vector<16xi32>
      %shift_right_arithmetic3A_417 = arith.shrsi %bitcast_convert_type3A_411, %shift_right_arithmetic3A_416 : vector<16xi32>
      %and3A_418 = arith.constant 1 : i32
      %and3A_419 = vector.broadcast %and3A_418 : i32 to vector<16xi32>
      %and3A_420 = arith.andi %shift_right_arithmetic3A_417, %and3A_419 : vector<16xi32>
      %add3A_421 = arith.addi %add3A_414, %and3A_420 : vector<16xi32>
      %and3A_422 = arith.constant -65536 : i32
      %and3A_423 = vector.broadcast %and3A_422 : i32 to vector<16xi32>
      %and3A_424 = arith.andi %add3A_421, %and3A_423 : vector<16xi32>
      %bitcast_convert_type3A_425 = tpu.bitcast %and3A_424 : vector<16xi32> -> vector<16xf32>
      %get3A_426 = arith.index_cast %scan3A_122 : i32 to index
      %get3A_427 = arith.constant 144 : index
      %get3A_428 = tpu.vector_load %arg11[%get3A_426, %get3A_427] {strides = array<i32>} : memref<64x256xf32, #tpu.memory_space<vmem>>, vector<1x16xf32>,
      %get3A_429 = vector.shape_cast %get3A_428 : vector<1x16xf32> to vector<16xf32>
      %sub3A_430 = arith.subf %bitcast_convert_type3A_425, %get3A_429 : vector<16xf32>
      %add3A_431 = arith.addf %get3A_429, %sub3A_430 : vector<16xf32>
      %swap3A_432 = arith.index_cast %scan3A_122 : i32 to index
      %swap3A_433 = arith.constant 144 : index
      %swap3A_434 = tpu.vector_load %arg9[%swap3A_432, %swap3A_433] {strides = array<i32>} : memref<64x256xf32, #tpu.memory_space<vmem>>, vector<1x16xf32>,
      %swap3A_435 = vector.shape_cast %swap3A_434 : vector<1x16xf32> to vector<16xf32>
      %swap3A_436 = vector.shape_cast %add3A_431 : vector<16xf32> to vector<1x16xf32>
      tpu.vector_store %arg9[%swap3A_432, %swap3A_433], %swap3A_436 {strides = array<i32>} : memref<64x256xf32, #tpu.memory_space<vmem>>, vector<1x16xf32>,
      %mul3A_437 = arith.mulf %sub3A_430, %sub3A_430 : vector<16xf32>
      %add3A_438 = arith.addf %add3A_406, %mul3A_437 : vector<16xf32>
      %get3A_439 = arith.index_cast %scan3A_122 : i32 to index
      %get3A_440 = arith.constant 160 : index
      %get3A_441 = tpu.vector_load %arg9[%get3A_439, %get3A_440] {strides = array<i32>} : memref<64x256xf32, #tpu.memory_space<vmem>>, vector<1x16xf32>,
      %get3A_442 = vector.shape_cast %get3A_441 : vector<1x16xf32> to vector<16xf32>
      %bitcast_convert_type3A_443 = tpu.bitcast %get3A_442 : vector<16xf32> -> vector<16xi32>
      %add3A_444 = arith.constant 32767 : i32
      %add3A_445 = vector.broadcast %add3A_444 : i32 to vector<16xi32>
      %add3A_446 = arith.addi %bitcast_convert_type3A_443, %add3A_445 : vector<16xi32>
      %shift_right_arithmetic3A_447 = arith.constant 16 : i32
      %shift_right_arithmetic3A_448 = vector.broadcast %shift_right_arithmetic3A_447 : i32 to vector<16xi32>
      %shift_right_arithmetic3A_449 = arith.shrsi %bitcast_convert_type3A_443, %shift_right_arithmetic3A_448 : vector<16xi32>
      %and3A_450 = arith.constant 1 : i32
      %and3A_451 = vector.broadcast %and3A_450 : i32 to vector<16xi32>
      %and3A_452 = arith.andi %shift_right_arithmetic3A_449, %and3A_451 : vector<16xi32>
      %add3A_453 = arith.addi %add3A_446, %and3A_452 : vector<16xi32>
      %and3A_454 = arith.constant -65536 : i32
      %and3A_455 = vector.broadcast %and3A_454 : i32 to vector<16xi32>
      %and3A_456 = arith.andi %add3A_453, %and3A_455 : vector<16xi32>
      %bitcast_convert_type3A_457 = tpu.bitcast %and3A_456 : vector<16xi32> -> vector<16xf32>
      %get3A_458 = arith.index_cast %scan3A_122 : i32 to index
      %get3A_459 = arith.constant 160 : index
      %get3A_460 = tpu.vector_load %arg11[%get3A_458, %get3A_459] {strides = array<i32>} : memref<64x256xf32, #tpu.memory_space<vmem>>, vector<1x16xf32>,
      %get3A_461 = vector.shape_cast %get3A_460 : vector<1x16xf32> to vector<16xf32>
      %sub3A_462 = arith.subf %bitcast_convert_type3A_457, %get3A_461 : vector<16xf32>
      %add3A_463 = arith.addf %get3A_461, %sub3A_462 : vector<16xf32>
      %swap3A_464 = arith.index_cast %scan3A_122 : i32 to index
      %swap3A_465 = arith.constant 160 : index
      %swap3A_466 = tpu.vector_load %arg9[%swap3A_464, %swap3A_465] {strides = array<i32>} : memref<64x256xf32, #tpu.memory_space<vmem>>, vector<1x16xf32>,
      %swap3A_467 = vector.shape_cast %swap3A_466 : vector<1x16xf32> to vector<16xf32>
      %swap3A_468 = vector.shape_cast %add3A_463 : vector<16xf32> to vector<1x16xf32>
      tpu.vector_store %arg9[%swap3A_464, %swap3A_465], %swap3A_468 {strides = array<i32>} : memref<64x256xf32, #tpu.memory_space<vmem>>, vector<1x16xf32>,
      %mul3A_469 = arith.mulf %sub3A_462, %sub3A_462 : vector<16xf32>
      %add3A_470 = arith.addf %add3A_438, %mul3A_469 : vector<16xf32>
      %get3A_471 = arith.index_cast %scan3A_122 : i32 to index
      %get3A_472 = arith.constant 176 : index
      %get3A_473 = tpu.vector_load %arg9[%get3A_471, %get3A_472] {strides = array<i32>} : memref<64x256xf32, #tpu.memory_space<vmem>>, vector<1x16xf32>,
      %get3A_474 = vector.shape_cast %get3A_473 : vector<1x16xf32> to vector<16xf32>
      %bitcast_convert_type3A_475 = tpu.bitcast %get3A_474 : vector<16xf32> -> vector<16xi32>
      %add3A_476 = arith.constant 32767 : i32
      %add3A_477 = vector.broadcast %add3A_476 : i32 to vector<16xi32>
      %add3A_478 = arith.addi %bitcast_convert_type3A_475, %add3A_477 : vector<16xi32>
      %shift_right_arithmetic3A_479 = arith.constant 16 : i32
      %shift_right_arithmetic3A_480 = vector.broadcast %shift_right_arithmetic3A_479 : i32 to vector<16xi32>
      %shift_right_arithmetic3A_481 = arith.shrsi %bitcast_convert_type3A_475, %shift_right_arithmetic3A_480 : vector<16xi32>
      %and3A_482 = arith.constant 1 : i32
      %and3A_483 = vector.broadcast %and3A_482 : i32 to vector<16xi32>
      %and3A_484 = arith.andi %shift_right_arithmetic3A_481, %and3A_483 : vector<16xi32>
      %add3A_485 = arith.addi %add3A_478, %and3A_484 : vector<16xi32>
      %and3A_486 = arith.constant -65536 : i32
      %and3A_487 = vector.broadcast %and3A_486 : i32 to vector<16xi32>
      %and3A_488 = arith.andi %add3A_485, %and3A_487 : vector<16xi32>
      %bitcast_convert_type3A_489 = tpu.bitcast %and3A_488 : vector<16xi32> -> vector<16xf32>
      %get3A_490 = arith.index_cast %scan3A_122 : i32 to index
      %get3A_491 = arith.constant 176 : index
      %get3A_492 = tpu.vector_load %arg11[%get3A_490, %get3A_491] {strides = array<i32>} : memref<64x256xf32, #tpu.memory_space<vmem>>, vector<1x16xf32>,
      %get3A_493 = vector.shape_cast %get3A_492 : vector<1x16xf32> to vector<16xf32>
      %sub3A_494 = arith.subf %bitcast_convert_type3A_489, %get3A_493 : vector<16xf32>
      %add3A_495 = arith.addf %get3A_493, %sub3A_494 : vector<16xf32>
      %swap3A_496 = arith.index_cast %scan3A_122 : i32 to index
      %swap3A_497 = arith.constant 176 : index
      %swap3A_498 = tpu.vector_load %arg9[%swap3A_496, %swap3A_497] {strides = array<i32>} : memref<64x256xf32, #tpu.memory_space<vmem>>, vector<1x16xf32>,
      %swap3A_499 = vector.shape_cast %swap3A_498 : vector<1x16xf32> to vector<16xf32>
      %swap3A_500 = vector.shape_cast %add3A_495 : vector<16xf32> to vector<1x16xf32>
      tpu.vector_store %arg9[%swap3A_496, %swap3A_497], %swap3A_500 {strides = array<i32>} : memref<64x256xf32, #tpu.memory_space<vmem>>, vector<1x16xf32>,
      %mul3A_501 = arith.mulf %sub3A_494, %sub3A_494 : vector<16xf32>
      %add3A_502 = arith.addf %add3A_470, %mul3A_501 : vector<16xf32>
      %get3A_503 = arith.index_cast %scan3A_122 : i32 to index
      %get3A_504 = arith.constant 192 : index
      %get3A_505 = tpu.vector_load %arg9[%get3A_503, %get3A_504] {strides = array<i32>} : memref<64x256xf32, #tpu.memory_space<vmem>>, vector<1x16xf32>,
      %get3A_506 = vector.shape_cast %get3A_505 : vector<1x16xf32> to vector<16xf32>
      %bitcast_convert_type3A_507 = tpu.bitcast %get3A_506 : vector<16xf32> -> vector<16xi32>
      %add3A_508 = arith.constant 32767 : i32
      %add3A_509 = vector.broadcast %add3A_508 : i32 to vector<16xi32>
      %add3A_510 = arith.addi %bitcast_convert_type3A_507, %add3A_509 : vector<16xi32>
      %shift_right_arithmetic3A_511 = arith.constant 16 : i32
      %shift_right_arithmetic3A_512 = vector.broadcast %shift_right_arithmetic3A_511 : i32 to vector<16xi32>
      %shift_right_arithmetic3A_513 = arith.shrsi %bitcast_convert_type3A_507, %shift_right_arithmetic3A_512 : vector<16xi32>
      %and3A_514 = arith.constant 1 : i32
      %and3A_515 = vector.broadcast %and3A_514 : i32 to vector<16xi32>
      %and3A_516 = arith.andi %shift_right_arithmetic3A_513, %and3A_515 : vector<16xi32>
      %add3A_517 = arith.addi %add3A_510, %and3A_516 : vector<16xi32>
      %and3A_518 = arith.constant -65536 : i32
      %and3A_519 = vector.broadcast %and3A_518 : i32 to vector<16xi32>
      %and3A_520 = arith.andi %add3A_517, %and3A_519 : vector<16xi32>
      %bitcast_convert_type3A_521 = tpu.bitcast %and3A_520 : vector<16xi32> -> vector<16xf32>
      %get3A_522 = arith.index_cast %scan3A_122 : i32 to index
      %get3A_523 = arith.constant 192 : index
      %get3A_524 = tpu.vector_load %arg11[%get3A_522, %get3A_523] {strides = array<i32>} : memref<64x256xf32, #tpu.memory_space<vmem>>, vector<1x16xf32>,
      %get3A_525 = vector.shape_cast %get3A_524 : vector<1x16xf32> to vector<16xf32>
      %sub3A_526 = arith.subf %bitcast_convert_type3A_521, %get3A_525 : vector<16xf32>
      %add3A_527 = arith.addf %get3A_525, %sub3A_526 : vector<16xf32>
      %swap3A_528 = arith.index_cast %scan3A_122 : i32 to index
      %swap3A_529 = arith.constant 192 : index
      %swap3A_530 = tpu.vector_load %arg9[%swap3A_528, %swap3A_529] {strides = array<i32>} : memref<64x256xf32, #tpu.memory_space<vmem>>, vector<1x16xf32>,
      %swap3A_531 = vector.shape_cast %swap3A_530 : vector<1x16xf32> to vector<16xf32>
      %swap3A_532 = vector.shape_cast %add3A_527 : vector<16xf32> to vector<1x16xf32>
      tpu.vector_store %arg9[%swap3A_528, %swap3A_529], %swap3A_532 {strides = array<i32>} : memref<64x256xf32, #tpu.memory_space<vmem>>, vector<1x16xf32>,
      %mul3A_533 = arith.mulf %sub3A_526, %sub3A_526 : vector<16xf32>
      %add3A_534 = arith.addf %add3A_502, %mul3A_533 : vector<16xf32>
      %get3A_535 = arith.index_cast %scan3A_122 : i32 to index
      %get3A_536 = arith.constant 208 : index
      %get3A_537 = tpu.vector_load %arg9[%get3A_535, %get3A_536] {strides = array<i32>} : memref<64x256xf32, #tpu.memory_space<vmem>>, vector<1x16xf32>,
      %get3A_538 = vector.shape_cast %get3A_537 : vector<1x16xf32> to vector<16xf32>
      %bitcast_convert_type3A_539 = tpu.bitcast %get3A_538 : vector<16xf32> -> vector<16xi32>
      %add3A_540 = arith.constant 32767 : i32
      %add3A_541 = vector.broadcast %add3A_540 : i32 to vector<16xi32>
      %add3A_542 = arith.addi %bitcast_convert_type3A_539, %add3A_541 : vector<16xi32>
      %shift_right_arithmetic3A_543 = arith.constant 16 : i32
      %shift_right_arithmetic3A_544 = vector.broadcast %shift_right_arithmetic3A_543 : i32 to vector<16xi32>
      %shift_right_arithmetic3A_545 = arith.shrsi %bitcast_convert_type3A_539, %shift_right_arithmetic3A_544 : vector<16xi32>
      %and3A_546 = arith.constant 1 : i32
      %and3A_547 = vector.broadcast %and3A_546 : i32 to vector<16xi32>
      %and3A_548 = arith.andi %shift_right_arithmetic3A_545, %and3A_547 : vector<16xi32>
      %add3A_549 = arith.addi %add3A_542, %and3A_548 : vector<16xi32>
      %and3A_550 = arith.constant -65536 : i32
      %and3A_551 = vector.broadcast %and3A_550 : i32 to vector<16xi32>
      %and3A_552 = arith.andi %add3A_549, %and3A_551 : vector<16xi32>
      %bitcast_convert_type3A_553 = tpu.bitcast %and3A_552 : vector<16xi32> -> vector<16xf32>
      %get3A_554 = arith.index_cast %scan3A_122 : i32 to index
      %get3A_555 = arith.constant 208 : index
      %get3A_556 = tpu.vector_load %arg11[%get3A_554, %get3A_555] {strides = array<i32>} : memref<64x256xf32, #tpu.memory_space<vmem>>, vector<1x16xf32>,
      %get3A_557 = vector.shape_cast %get3A_556 : vector<1x16xf32> to vector<16xf32>
      %sub3A_558 = arith.subf %bitcast_convert_type3A_553, %get3A_557 : vector<16xf32>
      %add3A_559 = arith.addf %get3A_557, %sub3A_558 : vector<16xf32>
      %swap3A_560 = arith.index_cast %scan3A_122 : i32 to index
      %swap3A_561 = arith.constant 208 : index
      %swap3A_562 = tpu.vector_load %arg9[%swap3A_560, %swap3A_561] {strides = array<i32>} : memref<64x256xf32, #tpu.memory_space<vmem>>, vector<1x16xf32>,
      %swap3A_563 = vector.shape_cast %swap3A_562 : vector<1x16xf32> to vector<16xf32>
      %swap3A_564 = vector.shape_cast %add3A_559 : vector<16xf32> to vector<1x16xf32>
      tpu.vector_store %arg9[%swap3A_560, %swap3A_561], %swap3A_564 {strides = array<i32>} : memref<64x256xf32, #tpu.memory_space<vmem>>, vector<1x16xf32>,
      %mul3A_565 = arith.mulf %sub3A_558, %sub3A_558 : vector<16xf32>
      %add3A_566 = arith.addf %add3A_534, %mul3A_565 : vector<16xf32>
      %get3A_567 = arith.index_cast %scan3A_122 : i32 to index
      %get3A_568 = arith.constant 224 : index
      %get3A_569 = tpu.vector_load %arg9[%get3A_567, %get3A_568] {strides = array<i32>} : memref<64x256xf32, #tpu.memory_space<vmem>>, vector<1x16xf32>,
      %get3A_570 = vector.shape_cast %get3A_569 : vector<1x16xf32> to vector<16xf32>
      %bitcast_convert_type3A_571 = tpu.bitcast %get3A_570 : vector<16xf32> -> vector<16xi32>
      %add3A_572 = arith.constant 32767 : i32
      %add3A_573 = vector.broadcast %add3A_572 : i32 to vector<16xi32>
      %add3A_574 = arith.addi %bitcast_convert_type3A_571, %add3A_573 : vector<16xi32>
      %shift_right_arithmetic3A_575 = arith.constant 16 : i32
      %shift_right_arithmetic3A_576 = vector.broadcast %shift_right_arithmetic3A_575 : i32 to vector<16xi32>
      %shift_right_arithmetic3A_577 = arith.shrsi %bitcast_convert_type3A_571, %shift_right_arithmetic3A_576 : vector<16xi32>
      %and3A_578 = arith.constant 1 : i32
      %and3A_579 = vector.broadcast %and3A_578 : i32 to vector<16xi32>
      %and3A_580 = arith.andi %shift_right_arithmetic3A_577, %and3A_579 : vector<16xi32>
      %add3A_581 = arith.addi %add3A_574, %and3A_580 : vector<16xi32>
      %and3A_582 = arith.constant -65536 : i32
      %and3A_583 = vector.broadcast %and3A_582 : i32 to vector<16xi32>
      %and3A_584 = arith.andi %add3A_581, %and3A_583 : vector<16xi32>
      %bitcast_convert_type3A_585 = tpu.bitcast %and3A_584 : vector<16xi32> -> vector<16xf32>
      %get3A_586 = arith.index_cast %scan3A_122 : i32 to index
      %get3A_587 = arith.constant 224 : index
      %get3A_588 = tpu.vector_load %arg11[%get3A_586, %get3A_587] {strides = array<i32>} : memref<64x256xf32, #tpu.memory_space<vmem>>, vector<1x16xf32>,
      %get3A_589 = vector.shape_cast %get3A_588 : vector<1x16xf32> to vector<16xf32>
      %sub3A_590 = arith.subf %bitcast_convert_type3A_585, %get3A_589 : vector<16xf32>
      %add3A_591 = arith.addf %get3A_589, %sub3A_590 : vector<16xf32>
      %swap3A_592 = arith.index_cast %scan3A_122 : i32 to index
      %swap3A_593 = arith.constant 224 : index
      %swap3A_594 = tpu.vector_load %arg9[%swap3A_592, %swap3A_593] {strides = array<i32>} : memref<64x256xf32, #tpu.memory_space<vmem>>, vector<1x16xf32>,
      %swap3A_595 = vector.shape_cast %swap3A_594 : vector<1x16xf32> to vector<16xf32>
      %swap3A_596 = vector.shape_cast %add3A_591 : vector<16xf32> to vector<1x16xf32>
      tpu.vector_store %arg9[%swap3A_592, %swap3A_593], %swap3A_596 {strides = array<i32>} : memref<64x256xf32, #tpu.memory_space<vmem>>, vector<1x16xf32>,
      %mul3A_597 = arith.mulf %sub3A_590, %sub3A_590 : vector<16xf32>
      %add3A_598 = arith.addf %add3A_566, %mul3A_597 : vector<16xf32>
      %get3A_599 = arith.index_cast %scan3A_122 : i32 to index
      %get3A_600 = arith.constant 240 : index
      %get3A_601 = tpu.vector_load %arg9[%get3A_599, %get3A_600] {strides = array<i32>} : memref<64x256xf32, #tpu.memory_space<vmem>>, vector<1x16xf32>,
      %get3A_602 = vector.shape_cast %get3A_601 : vector<1x16xf32> to vector<16xf32>
      %bitcast_convert_type3A_603 = tpu.bitcast %get3A_602 : vector<16xf32> -> vector<16xi32>
      %add3A_604 = arith.constant 32767 : i32
      %add3A_605 = vector.broadcast %add3A_604 : i32 to vector<16xi32>
      %add3A_606 = arith.addi %bitcast_convert_type3A_603, %add3A_605 : vector<16xi32>
      %shift_right_arithmetic3A_607 = arith.constant 16 : i32
      %shift_right_arithmetic3A_608 = vector.broadcast %shift_right_arithmetic3A_607 : i32 to vector<16xi32>
      %shift_right_arithmetic3A_609 = arith.shrsi %bitcast_convert_type3A_603, %shift_right_arithmetic3A_608 : vector<16xi32>
      %and3A_610 = arith.constant 1 : i32
      %and3A_611 = vector.broadcast %and3A_610 : i32 to vector<16xi32>
      %and3A_612 = arith.andi %shift_right_arithmetic3A_609, %and3A_611 : vector<16xi32>
      %add3A_613 = arith.addi %add3A_606, %and3A_612 : vector<16xi32>
      %and3A_614 = arith.constant -65536 : i32
      %and3A_615 = vector.broadcast %and3A_614 : i32 to vector<16xi32>
      %and3A_616 = arith.andi %add3A_613, %and3A_615 : vector<16xi32>
      %bitcast_convert_type3A_617 = tpu.bitcast %and3A_616 : vector<16xi32> -> vector<16xf32>
      %get3A_618 = arith.index_cast %scan3A_122 : i32 to index
      %get3A_619 = arith.constant 240 : index
      %get3A_620 = tpu.vector_load %arg11[%get3A_618, %get3A_619] {strides = array<i32>} : memref<64x256xf32, #tpu.memory_space<vmem>>, vector<1x16xf32>,
      %get3A_621 = vector.shape_cast %get3A_620 : vector<1x16xf32> to vector<16xf32>
      %sub3A_622 = arith.subf %bitcast_convert_type3A_617, %get3A_621 : vector<16xf32>
      %add3A_623 = arith.addf %get3A_621, %sub3A_622 : vector<16xf32>
      %swap3A_624 = arith.index_cast %scan3A_122 : i32 to index
      %swap3A_625 = arith.constant 240 : index
      %swap3A_626 = tpu.vector_load %arg9[%swap3A_624, %swap3A_625] {strides = array<i32>} : memref<64x256xf32, #tpu.memory_space<vmem>>, vector<1x16xf32>,
      %swap3A_627 = vector.shape_cast %swap3A_626 : vector<1x16xf32> to vector<16xf32>
      %swap3A_628 = vector.shape_cast %add3A_623 : vector<16xf32> to vector<1x16xf32>
      tpu.vector_store %arg9[%swap3A_624, %swap3A_625], %swap3A_628 {strides = array<i32>} : memref<64x256xf32, #tpu.memory_space<vmem>>, vector<1x16xf32>,
      %mul3A_629 = arith.mulf %sub3A_622, %sub3A_622 : vector<16xf32>
      %add3A_630 = arith.addf %add3A_598, %mul3A_629 : vector<16xf32>
      scf.yield %add3A_630 : vector<16xf32>
    }
    %scan3A_116 = arith.constant 64 : i32
    %add3A_117 = arith.constant 192 : i32
    %add3A_118 = arith.addi %mul3A_2, %add3A_117 : i32
    "tpu.region"() ({
      %run_scoped3A = tpu.sem_alloc : memref<!tpu.dma_semaphore, #tpu.memory_space<semaphore_mem>>
      %dma_start3A_122 = arith.constant 0 : i32
      %dma_start3A_123 = tpu.memref_slice %arg5[%add3A_118, %dma_start3A_122] : memref<8192x256xf32, #tpu.memory_space<hbm>> -> memref<64x256xf32, #tpu.memory_space<hbm>>
      %dma_start3A_124 = arith.constant 0 : i32
      %dma_start3A_125 = tpu.memref_slice %arg5[%add3A_118, %dma_start3A_124] : memref<8192x256xf32, #tpu.memory_space<hbm>> -> memref<64x256xf32, #tpu.memory_space<hbm>>
      tpu.enqueue_dma source(%arg9 : memref<64x256xf32, #tpu.memory_space<vmem>>) target(%dma_start3A_125 : memref<64x256xf32, #tpu.memory_space<hbm>>) target_semaphore(%run_scoped3A : memref<!tpu.dma_semaphore, #tpu.memory_space<semaphore_mem>>)
      %dma_wait3A_126 = arith.constant 0 : i32
      %dma_wait3A_127 = tpu.memref_slice %arg5[%add3A_118, %dma_wait3A_126] : memref<8192x256xf32, #tpu.memory_space<hbm>> -> memref<64x256xf32, #tpu.memory_space<hbm>>
      %dma_wait3A_128 = arith.constant 0 : i32
      %dma_wait3A_129 = tpu.memref_slice %arg5[%add3A_118, %dma_wait3A_128] : memref<8192x256xf32, #tpu.memory_space<hbm>> -> memref<64x256xf32, #tpu.memory_space<hbm>>
      tpu.wait_dma2 semaphore(%run_scoped3A : memref<!tpu.dma_semaphore, #tpu.memory_space<semaphore_mem>>) src(%arg9 : memref<64x256xf32, #tpu.memory_space<vmem>>) dst(%dma_wait3A_129 : memref<64x256xf32, #tpu.memory_space<hbm>>)
      tpu.yield
    }) : () -> ()
    %swap3A = arith.constant 0 : index
    %swap3A_119 = tpu.vector_load %arg12[%swap3A] {strides = array<i32>} : memref<16xf32, #tpu.memory_space<vmem>>, vector<16xf32>,
    %swap3A_120 = vector.shape_cast %swap3A_119 : vector<16xf32> to vector<16xf32>
    %swap3A_121 = vector.shape_cast %scan3A_115 : vector<16xf32> to vector<16xf32>
    tpu.vector_store %arg12[%swap3A], %swap3A_121 {strides = array<i32>} : memref<16xf32, #tpu.memory_space<vmem>>, vector<16xf32>,
    "tpu.region"() ({
      %run_scoped3A = tpu.sem_alloc : memref<!tpu.dma_semaphore, #tpu.memory_space<semaphore_mem>>
      %dma_start3A_122 = arith.constant 0 : i32
      %dma_start3A_123 = tpu.memref_slice %arg6[%add3A, %dma_start3A_122] : memref<32x16xf32, #tpu.memory_space<hbm>> -> memref<1x16xf32, #tpu.memory_space<hbm>>
      %dma_start3A_124 = tpu.memref_squeeze %dma_start3A_123 : memref<1x16xf32, #tpu.memory_space<hbm>> -> memref<16xf32, #tpu.memory_space<hbm>>
      %dma_start3A_125 = arith.constant 0 : i32
      %dma_start3A_126 = tpu.memref_slice %arg6[%add3A, %dma_start3A_125] : memref<32x16xf32, #tpu.memory_space<hbm>> -> memref<1x16xf32, #tpu.memory_space<hbm>>
      %dma_start3A_127 = tpu.memref_squeeze %dma_start3A_126 : memref<1x16xf32, #tpu.memory_space<hbm>> -> memref<16xf32, #tpu.memory_space<hbm>>
      tpu.enqueue_dma source(%arg12 : memref<16xf32, #tpu.memory_space<vmem>>) target(%dma_start3A_127 : memref<16xf32, #tpu.memory_space<hbm>>) target_semaphore(%run_scoped3A : memref<!tpu.dma_semaphore, #tpu.memory_space<semaphore_mem>>)
      %dma_wait3A_128 = arith.constant 0 : i32
      %dma_wait3A_129 = tpu.memref_slice %arg6[%add3A, %dma_wait3A_128] : memref<32x16xf32, #tpu.memory_space<hbm>> -> memref<1x16xf32, #tpu.memory_space<hbm>>
      %dma_wait3A_130 = tpu.memref_squeeze %dma_wait3A_129 : memref<1x16xf32, #tpu.memory_space<hbm>> -> memref<16xf32, #tpu.memory_space<hbm>>
      %dma_wait3A_131 = arith.constant 0 : i32
      %dma_wait3A_132 = tpu.memref_slice %arg6[%add3A, %dma_wait3A_131] : memref<32x16xf32, #tpu.memory_space<hbm>> -> memref<1x16xf32, #tpu.memory_space<hbm>>
      %dma_wait3A_133 = tpu.memref_squeeze %dma_wait3A_132 : memref<1x16xf32, #tpu.memory_space<hbm>> -> memref<16xf32, #tpu.memory_space<hbm>>
      tpu.wait_dma2 semaphore(%run_scoped3A : memref<!tpu.dma_semaphore, #tpu.memory_space<semaphore_mem>>) src(%arg12 : memref<16xf32, #tpu.memory_space<vmem>>) dst(%dma_wait3A_133 : memref<16xf32, #tpu.memory_space<hbm>>)
      tpu.yield
    }) : () -> ()
    return
  }
}

module attributes {stable_mosaic.version = 14 : i64} {
  func.func @_tc_body(%arg0: i32, %arg1: memref<256x256xf32, #tpu.memory_space<vmem>>, %arg2: memref<8192x256xf32, #tpu.memory_space<vmem>>, %arg3: memref<256x8192xf32, #tpu.memory_space<vmem>>, %arg4: memref<256x1xi32, #tpu.memory_space<vmem>>, %arg5: memref<1x1xf32, #tpu.memory_space<smem>>, %arg6: memref<1x8192xf32, #tpu.memory_space<vmem>>) attributes {dimension_semantics = [#tpu.dimension_semantics<arbitrary>], iteration_bounds = array<i64: 32>, scalar_prefetch = 0 : i64, scratch_operands = 1 : i64, tpu.core_type = #tpu.core_type<tc>, window_params = [{transform_indices = @transform_0, window_bounds = array<i64: 256, 256>}, {pipeline_mode = #tpu.pipeline_mode<synchronous>, transform_indices = @transform_1, window_bounds = array<i64: 8192, 256>}, {transform_indices = @transform_2, window_bounds = array<i64: 256, 8192>}, {transform_indices = @transform_3, window_bounds = array<i64: 256, 1>}, {transform_indices = @transform_4, window_bounds = array<i64: 1, 1>}]} {
    %get3A = arith.constant 0 : index
    %get3A_0 = arith.constant 0 : index
    %get3A_1 = vector.load %arg1[%get3A, %get3A_0] : memref<256x256xf32, #tpu.memory_space<vmem>>, vector<256x256xf32>
    %get3A_2 = arith.constant 0 : index
    %get3A_3 = arith.constant 0 : index
    %get3A_4 = vector.load %arg2[%get3A_2, %get3A_3] : memref<8192x256xf32, #tpu.memory_space<vmem>>, vector<8192x256xf32>
    %eq3A = arith.constant 0 : i32
    %eq3A_5 = arith.cmpi eq, %arg0, %eq3A : i32
    %convert_element_type3A = arith.extui %eq3A_5 : i1 to i32
    %cond3A = arith.constant 0 : i32
    %cond3A_6 = arith.cmpi ne, %convert_element_type3A, %cond3A : i32
    scf.if %cond3A_6 {
      %broadcast_in_dim3A_51 = arith.constant 0.000000e+00 : f32
      %broadcast_in_dim3A_52 = vector.broadcast %broadcast_in_dim3A_51 : f32 to vector<1x8192xf32>
      %swap3A_53 = arith.constant 0 : index
      %swap3A_54 = arith.constant 0 : index
      %swap3A_55 = vector.load %arg6[%swap3A_53, %swap3A_54] : memref<1x8192xf32, #tpu.memory_space<vmem>>, vector<1x8192xf32>
      tpu.vector_store %arg6[%swap3A_53, %swap3A_54], %broadcast_in_dim3A_52 {strides = array<i32>} : memref<1x8192xf32, #tpu.memory_space<vmem>>, vector<1x8192xf32>,
    } else {
    }
    %mul3A = arith.mulf %get3A_1, %get3A_1 : vector<256x256xf32>
    %reduce_sum3A = arith.constant dense<0.000000e+00> : vector<256xf32>
    %reduce_sum3A_7 = vector.multi_reduction <add>, %mul3A, %reduce_sum3A [1] : vector<256x256xf32> to vector<256xf32>
    %broadcast_in_dim3A = vector.shape_cast %reduce_sum3A_7 : vector<256xf32> to vector<256x1xf32>
    %mul3A_8 = arith.mulf %get3A_4, %get3A_4 : vector<8192x256xf32>
    %reduce_sum3A_9 = arith.constant dense<0.000000e+00> : vector<8192xf32>
    %reduce_sum3A_10 = vector.multi_reduction <add>, %mul3A_8, %reduce_sum3A_9 [1] : vector<8192x256xf32> to vector<8192xf32>
    %add3A = arith.addf %get3A_1, %get3A_1 : vector<256x256xf32>
    %convert_element_type3A_11 = arith.truncf %add3A : vector<256x256xf32> to vector<256x256xbf16>
    %convert_element_type3A_12 = arith.truncf %get3A_4 : vector<8192x256xf32> to vector<8192x256xbf16>
    %dot_general3A = arith.constant dense<0.000000e+00> : vector<256x8192xf32>
    %dot_general3A_13 = tpu.matmul %convert_element_type3A_11, %convert_element_type3A_12, %dot_general3A {dimension_numbers = #tpu.dot_dimension_numbers<[1], [1], [0], [0], [0, 0, 1, 0], [], []>, transpose_lhs_hint = false} : vector<256x256xbf16>, vector<8192x256xbf16>, vector<256x8192xf32> -> vector<256x8192xf32>
    %broadcast_in_dim3A_14 = vector.shape_cast %reduce_sum3A_10 : vector<8192xf32> to vector<1x8192xf32>
    %add3A_15 = vector.broadcast %broadcast_in_dim3A : vector<256x1xf32> to vector<256x8192xf32>
    %add3A_16 = vector.broadcast %broadcast_in_dim3A_14 : vector<1x8192xf32> to vector<256x8192xf32>
    %add3A_17 = arith.addf %add3A_15, %add3A_16 : vector<256x8192xf32>
    %sub3A = arith.subf %add3A_17, %dot_general3A_13 : vector<256x8192xf32>
    %reduce_min3A = arith.constant dense<0x7F800000> : vector<256xf32>
    %reduce_min3A_18 = vector.multi_reduction <minimumf>, %sub3A, %reduce_min3A [1] : vector<256x8192xf32> to vector<256xf32>
    %broadcast_in_dim3A_19 = vector.shape_cast %reduce_min3A_18 : vector<256xf32> to vector<256x1xf32>
    %iota3A = tpu.iota {dimensions = array<i32: 1>} : vector<256x8192xi32>
    %eq3A_20 = vector.broadcast %broadcast_in_dim3A_19 : vector<256x1xf32> to vector<256x8192xf32>
    %eq3A_21 = arith.cmpf oeq, %sub3A, %eq3A_20 : vector<256x8192xf32>
    %jit3A = arith.constant 8192 : i32
    %broadcast_in_dim3A_22 = vector.broadcast %jit3A : i32 to vector<256x8192xi32>
    %select_n3A = arith.select %eq3A_21, %iota3A, %broadcast_in_dim3A_22 : vector<256x8192xi1>, vector<256x8192xi32>
    %reduce_min3A_23 = arith.constant dense<2147483647> : vector<256xi32>
    %reduce_min3A_24 = vector.multi_reduction <minsi>, %select_n3A, %reduce_min3A_23 [1] : vector<256x8192xi32> to vector<256xi32>
    %broadcast_in_dim3A_25 = vector.shape_cast %reduce_min3A_24 : vector<256xi32> to vector<256x1xi32>
    %swap3A = arith.constant 0 : index
    %swap3A_26 = arith.constant 0 : index
    %swap3A_27 = vector.load %arg4[%swap3A, %swap3A_26] : memref<256x1xi32, #tpu.memory_space<vmem>>, vector<256x1xi32>
    tpu.vector_store %arg4[%swap3A, %swap3A_26], %broadcast_in_dim3A_25 {strides = array<i32>} : memref<256x1xi32, #tpu.memory_space<vmem>>, vector<256x1xi32>,
    %broadcast_in_dim3A_28 = vector.shape_cast %reduce_min3A_24 : vector<256xi32> to vector<256x1xi32>
    %eq3A_29 = vector.broadcast %broadcast_in_dim3A_28 : vector<256x1xi32> to vector<256x8192xi32>
    %eq3A_30 = arith.cmpi eq, %iota3A, %eq3A_29 : vector<256x8192xi32>
    %convert_element_type3A_31 = arith.extui %eq3A_30 : vector<256x8192xi1> to vector<256x8192xi32>
    %convert_element_type3A_32 = arith.sitofp %convert_element_type3A_31 : vector<256x8192xi32> to vector<256x8192xf32>
    %swap3A_33 = arith.constant 0 : index
    %swap3A_34 = arith.constant 0 : index
    %swap3A_35 = vector.load %arg3[%swap3A_33, %swap3A_34] : memref<256x8192xf32, #tpu.memory_space<vmem>>, vector<256x8192xf32>
    tpu.vector_store %arg3[%swap3A_33, %swap3A_34], %convert_element_type3A_32 {strides = array<i32>} : memref<256x8192xf32, #tpu.memory_space<vmem>>, vector<256x8192xf32>,
    %get3A_36 = arith.constant 0 : index
    %get3A_37 = arith.constant 0 : index
    %get3A_38 = vector.load %arg6[%get3A_36, %get3A_37] : memref<1x8192xf32, #tpu.memory_space<vmem>>, vector<1x8192xf32>
    %reduce_sum3A_39 = arith.constant dense<0.000000e+00> : vector<8192xf32>
    %reduce_sum3A_40 = vector.multi_reduction <add>, %convert_element_type3A_32, %reduce_sum3A_39 [0] : vector<256x8192xf32> to vector<8192xf32>
    %broadcast_in_dim3A_41 = vector.shape_cast %reduce_sum3A_40 : vector<8192xf32> to vector<1x8192xf32>
    %add3A_42 = arith.addf %get3A_38, %broadcast_in_dim3A_41 : vector<1x8192xf32>
    %swap3A_43 = arith.constant 0 : index
    %swap3A_44 = arith.constant 0 : index
    %swap3A_45 = vector.load %arg6[%swap3A_43, %swap3A_44] : memref<1x8192xf32, #tpu.memory_space<vmem>>, vector<1x8192xf32>
    tpu.vector_store %arg6[%swap3A_43, %swap3A_44], %add3A_42 {strides = array<i32>} : memref<1x8192xf32, #tpu.memory_space<vmem>>, vector<1x8192xf32>,
    %eq3A_46 = arith.constant 31 : i32
    %eq3A_47 = arith.cmpi eq, %arg0, %eq3A_46 : i32
    %convert_element_type3A_48 = arith.extui %eq3A_47 : i1 to i32
    %cond3A_49 = arith.constant 0 : i32
    %cond3A_50 = arith.cmpi ne, %convert_element_type3A_48, %cond3A_49 : i32
    scf.if %cond3A_50 {
      %get3A_51 = arith.constant 0 : index
      %get3A_52 = arith.constant 0 : index
      %get3A_53 = vector.load %arg6[%get3A_51, %get3A_52] : memref<1x8192xf32, #tpu.memory_space<vmem>>, vector<1x8192xf32>
      %mul3A_54 = arith.constant 1.22070313E-4 : f32
      %mul3A_55 = vector.broadcast %mul3A_54 : f32 to vector<1x8192xf32>
      %mul3A_56 = arith.mulf %get3A_53, %mul3A_55 : vector<1x8192xf32>
      %add3A_57 = arith.constant 1.000000e-10 : f32
      %add3A_58 = vector.broadcast %add3A_57 : f32 to vector<1x8192xf32>
      %add3A_59 = arith.addf %mul3A_56, %add3A_58 : vector<1x8192xf32>
      %log3A = math.log %add3A_59 : vector<1x8192xf32>
      %mul3A_60 = arith.mulf %mul3A_56, %log3A : vector<1x8192xf32>
      %reduce_sum3A_61 = vector.shape_cast %mul3A_60 : vector<1x8192xf32> to vector<1x1x8192xf32>
      %reduce_sum3A_62 = arith.constant dense<0.000000e+00> : vector<1xf32>
      %reduce_sum3A_63 = vector.multi_reduction <add>, %reduce_sum3A_61, %reduce_sum3A_62 [1, 2] : vector<1x1x8192xf32> to vector<1xf32>
      %reduce_sum3A_64 = vector.shape_cast %reduce_sum3A_63 : vector<1xf32> to vector<1x1x1xf32>
      %reduce_sum3A_65 = vector.extract %reduce_sum3A_64[0, 0, 0] : f32 from vector<1x1x1xf32>
      %neg3A = arith.constant 0.000000e+00 : f32
      %neg3A_66 = arith.subf %neg3A, %reduce_sum3A_65 : f32
      %exp3A = math.exp %neg3A_66 : f32
      %swap3A_67 = arith.constant 0 : index
      %swap3A_68 = arith.constant 0 : index
      %swap3A_69 = memref.load %arg5[%swap3A_67, %swap3A_68] : memref<1x1xf32, #tpu.memory_space<smem>>
      memref.store %exp3A, %arg5[%swap3A_67, %swap3A_68] : memref<1x1xf32, #tpu.memory_space<smem>>
    } else {
    }
    return
  }
  func.func @transform_0(%arg0: i32) -> (i32, i32) {
    %c0_i32 = arith.constant 0 : i32
    %c0_i32_0 = arith.constant 0 : i32
    return %arg0, %c0_i32 : i32, i32
  }
  func.func @transform_1(%arg0: i32) -> (i32, i32) {
    %c0_i32 = arith.constant 0 : i32
    %c0_i32_0 = arith.constant 0 : i32
    %c0_i32_1 = arith.constant 0 : i32
    return %c0_i32, %c0_i32_0 : i32, i32
  }
  func.func @transform_2(%arg0: i32) -> (i32, i32) {
    %c0_i32 = arith.constant 0 : i32
    %c0_i32_0 = arith.constant 0 : i32
    return %arg0, %c0_i32 : i32, i32
  }
  func.func @transform_3(%arg0: i32) -> (i32, i32) {
    %c0_i32 = arith.constant 0 : i32
    %c0_i32_0 = arith.constant 0 : i32
    return %arg0, %c0_i32 : i32, i32
  }
  func.func @transform_4(%arg0: i32) -> (i32, i32) {
    %c0_i32 = arith.constant 0 : i32
    %c0_i32_0 = arith.constant 0 : i32
    %c0_i32_1 = arith.constant 0 : i32
    return %c0_i32, %c0_i32_0 : i32, i32
  }
}

</mosaic_0001>

<sc_bundles>
// kernel: kernel.4.cloned.1.call-start
scs
__scs_entry_jumppad:
0x0: {  	(pc) =	sbr.rel $0x88, $3  }
0x1: {  	(tag) =	ssettag $0x0;
	lr =	simm.s32 $0x1  }
0x2: {  	[smem:$0x3F9F] =	sst lr;
	_ =	strace $0xD0000000  }
0x3: {  	_ = 	snop  }
0x4: {  	_ = 	snop  }
0x5: {  	_ = 	snop  }
0x6: {  	_ = 	snop  }
0x7: {  	_ = 	snop  }
__scs_overlays_trampoline_lowered:
0x8: {  	[smem:$0x3FAE] =	sst s0  }
0x9: {  	[smem:$0x3FAF] =	sst s1  }
0xa: {  	[smem:$0x3FB0] =	sst s2  }
0xb: {  	[smem:$0x3FB1] =	sst s3  }
0xc: {  	[smem:$0x3FB2] =	sst s4  }
0xd: {  	[smem:$0x3FB3] =	sst s5  }
0xe: {  	[smem:$0x3FB4] =	sst s6  }
0xf: {  	[smem:$0x3FB5] =	sst s7  }
0x10: {  	[smem:$0x3FB6] =	sst s8  }
0x11: {  	[smem:$0x3FB7] =	sst s9;
	s0 =	simm.s32 @!p0 $0x0  }
0x12: {  	s1 =	sld [smem:$0x3F9D];
	s0 =	simm.s32 @p0 $0x1  }
0x13: {  	[smem:$0x3FB8] =	sst s0;
	s0 =	simm.s32 @!p1 $0x0  }
0x14: {  	s2 =	sld [smem:$0x3F9C];
	s0 =	simm.s32 @p1 $0x1  }
0x15: {  	[smem:$0x3FB9] =	sst s0;
	s0 =	simm.s32 @!p2 $0x0  }
0x16: {  	s3 =	sld [smem:$0x3FDB];
	s0 =	simm.s32 @p2 $0x1  }
0x17: {  	s4 =	simm.s32 $0x1BF5;
	[smem:$0x3FBB] =	sst s0  }
0x18: {  	s0 =	sld [smem:$0x3F9E];
	_ =	swait.ge [sflag:s4], $0x0  }
0x19: {  	s7 =	sld [smem:$0x3F9F]  }
0x1a: {  	s8 =	sadd.s32 $0xFFFFE003, lr  }
0x1b: {  	s9 =	sadd.s32 $0xFFFFFEF7, lr;
	s5 =	simm.s32 $0xFFFFFFFF;
	p2 =	slt.u32 s8, $0xFFFFF086  }
0x1c: {  	p1 =	slt.u32 s9, $0xF7A;
	s5 =	simm.s32 @!p2 $0x0  }
0x1d: {  	s5 =	simm.s32 @p1 $0x1;
	p0 =	seq.s32 s7, s2  }
0x1e: {  	s7 =	smul.u32 @!p0 $0xF7A, s2;
	p2 =	seq.s32 @!p0 s5, $0x0  }
0x1f: {  	s9 =	smul.u32 $0xF7A, s1;
	s8 =	simm.s32 @!p0 $0x1BF5;
	p2 =	por !p2, p0  }
0x20: {  	[sflag:s8] =	ssyncset.s32 @!p0 $0xFFFFF086;
	s6 =	sadd.s32 @!p0 s3, s7;
	s7 =	simm.s32 @!p0 $0x108  }
0x21: {  	s3 =	sadd.s32 s3, s9;
	s6 =	sadd.s32 @!p0 $0x88, s6;
	s7 =	simm.s32 @p2 $0x1082  }
0x22: {  	[simem:s7], [sflag:s8] =	dma.local @!p0 [hbm:s6], $0xF7A  }
0x23: {  	s9 =	sor.u32 $0xD0000000, s2;
	s6 =	simm.s32 $0x108;
	_ =	swait.ge @!p0 [sflag:s8], $0x0  }
0x24: {  	s3 =	sadd.s32 $0x88, s3;
	s6 =	simm.s32 @!p1 $0x1082;
	[sflag:s4] =	ssyncset.s32 $0xFFFFF086  }
0x25: {  	[simem:s6], [sflag:s4] =	dma.local [hbm:s3], $0xF7A  }
0x26: {  	[smem:$0x3F9F] =	sst s1;
	(tag) =	ssettag s2;
	_ =	strace s9  }
0x27: {  	s1 =	sld [smem:$0x3FAF]  }
0x28: {  	s2 =	sld [smem:$0x3FB0]  }
0x29: {  	s4 =	sld [smem:$0x3FB2]  }
0x2a: {  	p0 =	seq.s32 s5, $0x0;
	s5 =	sld [smem:$0x3FB3]  }
0x2b: {  	s6 =	sld [smem:$0x3FB4]  }
0x2c: {  	s7 =	sld [smem:$0x3FB5]  }
0x2d: {  	s3 =	simm.s32 $0x108;
	s8 =	sld [smem:$0x3FB6]  }
0x2e: {  	s3 =	simm.s32 @!p0 $0x1082;
	s9 =	sld [smem:$0x3FB7]  }
0x2f: {  	lr =	sadd.s32 s0, s3;
	s0 =	sld [smem:$0x3FAE]  }
0x30: {  	s3 =	sld [smem:$0x3FB1]  }
0x31: {  	[smem:$0x3FBA] =	sst s10  }
0x32: {  	s10 =	sld [smem:$0x3FB8];
	_ =	sdelay $0x3  }
0x33: {  	p0 =	seq.s32 s10, $0x1;
	s10 =	sld [smem:$0x3FBA];
	_ =	sdelay $0x3  }
0x34: {  	[smem:$0x3FBA] =	sst s10  }
0x35: {  	s10 =	sld [smem:$0x3FB9];
	_ =	sdelay $0x3  }
0x36: {  	p1 =	seq.s32 s10, $0x1;
	s10 =	sld [smem:$0x3FBA];
	_ =	sdelay $0x3  }
0x37: {  	[smem:$0x3FBA] =	sst s10  }
0x38: {  	s10 =	sld [smem:$0x3FBB]  }
0x39: {  	_ = 	snop;
	(pc) =	sbr.ind lr, $3  }
0x3a: {  	_ = 	snop  }
0x3b: {  	_ = 	snop  }
0x3c: {  	p2 =	seq.s32 s10, $0x1;
	s10 =	sld [smem:$0x3FBA]  }
0x3d: {  	_ =	shalt  }
0x3e: {  	_ =	shalt  }
0x3f: {  	_ =	shalt  }
0x40: {  	_ =	shalt  }
0x41: {  	_ =	shalt  }
0x42: {  	_ =	shalt  }
0x43: {  	_ =	shalt  }
0x44: {  	_ =	shalt  }
0x45: {  	_ =	shalt  }
0x46: {  	_ =	shalt  }
0x47: {  	_ =	shalt  }
0x48: {  	_ =	shalt  }
0x49: {  	_ =	shalt  }
0x4a: {  	_ =	shalt  }
0x4b: {  	_ =	shalt  }
0x4c: {  	_ =	shalt  }
0x4d: {  	_ =	shalt  }
0x4e: {  	_ =	shalt  }
0x4f: {  	_ =	shalt  }
0x50: {  	_ =	shalt  }
0x51: {  	_ =	shalt  }
0x52: {  	_ =	shalt  }
0x53: {  	_ =	shalt  }
0x54: {  	_ =	shalt  }
0x55: {  	_ =	shalt  }
0x56: {  	_ =	shalt  }
0x57: {  	_ =	shalt  }
0x58: {  	_ =	shalt  }
0x59: {  	_ =	shalt  }
0x5a: {  	_ =	shalt  }
0x5b: {  	_ =	shalt  }
0x5c: {  	_ =	shalt  }
0x5d: {  	_ =	shalt  }
0x5e: {  	_ =	shalt  }
0x5f: {  	_ =	shalt  }
0x60: {  	_ =	shalt  }
0x61: {  	_ =	shalt  }
0x62: {  	_ =	shalt  }
0x63: {  	_ =	shalt  }
0x64: {  	_ =	shalt  }
0x65: {  	_ =	shalt  }
0x66: {  	_ =	shalt  }
0x67: {  	_ =	shalt  }
0x68: {  	_ =	shalt  }
0x69: {  	_ =	shalt  }
0x6a: {  	_ =	shalt  }
0x6b: {  	_ =	shalt  }
0x6c: {  	_ =	shalt  }
0x6d: {  	_ =	shalt  }
0x6e: {  	_ =	shalt  }
0x6f: {  	_ =	shalt  }
0x70: {  	_ =	shalt  }
0x71: {  	_ =	shalt  }
0x72: {  	_ =	shalt  }
0x73: {  	_ =	shalt  }
0x74: {  	_ =	shalt  }
0x75: {  	_ =	shalt  }
0x76: {  	_ =	shalt  }
0x77: {  	_ =	shalt  }
0x78: {  	_ =	shalt  }
0x79: {  	_ =	shalt  }
0x7a: {  	_ =	shalt  }
0x7b: {  	_ =	shalt  }
0x7c: {  	_ =	shalt  }
0x7d: {  	_ =	shalt  }
0x7e: {  	_ =	shalt  }
0x7f: {  	_ =	shalt  }
0x80: {  	_ =	shalt  }
0x81: {  	_ =	shalt  }
0x82: {  	_ =	shalt  }
0x83: {  	_ =	shalt  }
0x84: {  	_ =	shalt  }
0x85: {  	_ =	shalt  }
0x86: {  	_ =	shalt  }
0x87: {  	_ =	shalt  }
.Lfunc_end0:
.L_simem_size_0:
called_computation_lowered:
.L_overlay_start_0:
0x88: {  	s2 =	sld [smem:$0x3FD9]  }
0x89: {  	s3 =	sld [smem:$0x3FFE];
	_ =	sdelay $0x1  }
0x8a: {  	s1 =	srdreg.scid  }
0x8b: {  	s0 =	sand.u32 $0x1, s1  }
0x8c: {  	s14 =	sshll.u32 s0, $0xA;
	s2 =	sadd.s32 s3, s2  }
0x8d: {  	s2 =	sadd.s32 s2, s14  }
0x8e: {  	[smem:$0x3FC6] =	sst s2  }
0x8f: {  	_ = 	snop  }
0x90: {  	s2 =	sld [smem:$0x3FD0];
	_ =	sdelay $0x1  }
0x91: {  	s15 =	sld [smem:$0x3FC9]  }
0x92: {  	s5 =	simm.s32 $0xA;
	s6 =	simm.s32 $0x10;
	s4 =	sld [smem:$0x3FC8]  }
0x93: {  	[smem:s6], [sflag:s5] =	dma.local [hbm:s2], $0x1  }
0x94: {  	_ =	swait.eq [sflag:s5], $0x1  }
0x95: {  	[sflag:s5] =	ssyncset.done $0x0  }
0x96: {  	[sflag:s5] =	ssyncadd.s32 $0xFFFFFFFF  }
0x97: {  	s16 =	sld [smem:$0x10];
	(tm) =	ssettm $0x1  }
0x98: {  	s17 =	sld [smem:$0x3FFB];
	_ =	sdelay $0x3  }
0x99: {  	_ =	strace s17  }
0x9a: {  	s5 =	sld [smem:$0x3FFC];
	_ =	sdelay $0x3  }
0x9b: {  	_ =	strace s5  }
0x9c: {  	s5 =	sld [smem:$0x3FFD];
	_ =	sdelay $0x3  }
0x9d: {  	_ =	strace s5  }
0x9e: {  	_ =	strace $0x8FFFFFFF  }
0x9f: {  	s18 =	sld [smem:$0x3FDB];
	_ =	sdelay $0x1  }
0xa0: {  	s19 =	simm.s32 $_scs_section_size  }
0xa1: {  	s7 =	simm.s32 $_size__tile_overlayer_lowered;
	s8 =	simm.s32 $_tile_overlayer_lowered  }
0xa2: {  	s22 =	simm.s32 $0x1BFF;
	s21 =	sshll.u32 s8, $0x1;
	s5 =	sadd.s32 s19, s18  }
0xa3: {  	s9 =	simm.s32 $0x0;
	s20 =	sshll.u32 s7, $0x1;
	s7 =	sadd.s32 s21, s5  }
0xa4: {  	[timem:s9], [sflag:s22] =	dma.local [hbm:s7], s20  }
0xa5: {  	_ =	swait.ge [sflag:s22], s20  }
0xa6: {  	s6 =	ssub.s32 $0x0, s20;
	[sflag:s22] =	ssyncset.done $0x0  }
0xa7: {  	[sflag:s22] =	ssyncadd.s32 s6;
	_ =	sdelay $0x1  }
0xa8: {  	s23 =	simm.s32 $0x1B8B  }
0xa9: {  	_ =	swait.ge [sflag:s23], $0x1  }
0xaa: {  	[sflag:s23] =	ssyncset.done $0x0  }
0xab: {  	s25 =	simm.s32 $0x1B8E;
	s24 =	sld [smem:$0x3FFE];
	[sflag:s23] =	ssyncadd.s32 $0xFFFFFFFF  }
0xac: {  	s26 =	simm.s32 $execute0_lowered;
	[smem:$0x3FD2] =	sst s25  }
0xad: {  	s7 =	sshll.u32 s26, $0x1;
	_ =	strace $0x80000046;
	[dreg:$0x1] =	wrdreg $0xFFFFFFFF  }
0xae: {  	s28 =	simm.s32 $_size_execute0_lowered;
	s5 =	sadd.s32 s5, s7;
	[dreg:$0x0] =	wrdreg $0x0  }
0xaf: {  	s7 =	sshll.u32 s28, $0x1;
	[dreg:$0x2] =	wrdreg s5  }
0xb0: {  	[dreg:$0x3] =	wrdreg s7  }
0xb1: {  	[dreg:$0x4] =	wrdreg $0xC0  }
0xb2: {  	_ =	task [dreg:s9], $0x5FFFF  }
0xb3: {  	[dreg:$0x1] =	wrdreg $0xFFFFFFFF  }
0xb4: {  	[dreg:$0x0] =	wrdreg $0x60  }
0xb5: {  	[dreg:$0x2] =	wrdreg s4  }
0xb6: {  	[dreg:$0x3] =	wrdreg s24  }
0xb7: {  	[dreg:$0x4] =	wrdreg s15  }
0xb8: {  	[dreg:$0x5] =	wrdreg s16  }
0xb9: {  	[dreg:$0x6] =	wrdreg $0x9  }
0xba: {  	_ =	task.clear_ibuf [dreg:s9], $0x7FFFF;
	_ =	strace $0x90000046  }
0xbb: {  	s29 =	simm.s32 $0x9;
	_ =	strace $0x80000048  }
0xbc: {  	_ =	swait.ge [sflag:s29], $0x1  }
0xbd: {  	[sflag:s29] =	ssyncadd.s32 $0xFFFFFFFF  }
0xbe: {  	_ =	strace $0x90000048  }
0xbf: {  	_ =	sfence  }
0xc0: {  	s30 =	sld [smem:$0x0];
	_ =	sdelay $0x2  }
0xc1: {  	s31 =	sshll.u32 s1, $0xD;
	s1 =	sshrl.u32 s1, $0x2  }
0xc2: {  	s3 =	sand.u32 $0x4000, s31;
	s1 =	sadd.s32 s1, s30  }
0xc3: {  	s0 =	sor.u32 s3, s0;
	s1 =	sshll.u32 s1, $0x11  }
0xc4: {  	s0 =	sor.u32 s1, s0  }
0xc5: {  	s0 =	sadd.s32 $0x8F2B, s0  }
0xc6: {  	[sflag:s0] =	ssyncadd.remote.s32 $0x1  }
0xc7: {  	_ =	sfence.sel $0xFFFF  }
0xc8: {  	[dreg:$0x0] =	wrdreg $0xFFFFFFFF;
	(pc) =	sbr.abs _section_cstart, $3  }
0xc9: {  	[dreg:$0x1] =	wrdreg $0xFFFFFFFF  }
0xca: {  	_ =	task.clear_ibuf [dreg:s9], $0x2FFFF;
	_ =	strace $0x9FFFFFFF  }
0xcb: {  	(tm) =	ssettm $0x7FFFFFFF  }
tec
execute0_lowered:
.L_overlay_start_1:
0x0: {  	(tag) =	ssettag $0x1  }
0x1: {  	s1 =	rddreg [dreg:$0x0]  }
0x2: {  	s0 =	rddreg [dreg:$0x1]  }
0x3: {  	s2 =	rddreg [dreg:$0x2]  }
0x4: {  	s12 =	rddreg [dreg:$0x3]  }
0x5: {  	s4 =	srdreg.scid;
	s5 =	stileid.u32;
	s3 =	simm.s32 $0x0  }
0x6: {  	s15 =	simm.s32 $0x5;
	s16 =	simm.s32 $0x100;
	s25 =	simm.s32 $0x4100  }
0x7: {  	s31 =	simm.s32 $0x6900;
	s17 =	simm.s32 $0xC100;
	s18 =	simm.s32 $0x1  }
0x8: {  	s19 =	simm.s32 $0x3;
	s20 =	simm.s32 $0x2;
	s21 =	simm.s32 $0x4  }
0x9: {  	s4 =	sand.u32 $0x1, s4;
	s5 =	sshll.u32 s5, $0x1;
	[smem:$0x7FF] =	sst s3  }
0xa: {  	s22 =	simm.s32 $0x0;
	s5 =	sor.u32 s4, s5;
	_ =	strace $0x80000047  }
0xb: {  	s4 =	ssub.s32 $0x2, s4;
	s6 =	sshll.u32 s5, $0x5;
	s7 =	sshll.u32 s5, $0x4  }
0xc: {  	s8 =	sshrl.u32 s4, $0x1;
	s10 =	sshll.u32 s5, $0xD;
	s6 =	sadd.s32 s6, s0  }
0xd: {  	s0 =	sadd.s32 s7, s0;
	s14 =	ssub.s32 s4, s8;
	s5 =	sadd.s32 s2, s10  }
0xe: {  	s9 =	sor.u32 $0x800, s10;
	s7 =	sadd.s32 s12, s10;
	s11 =	sor.u32 $0x1000, s10  }
0xf: {  	s13 =	sor.u32 $0x1800, s10;
	s4 =	sadd.s32 $0x400, s6;
	s6 =	sadd.s32 s2, s9  }
0x10: {  	v2 =	vlaneseq.u32;
	s8 =	sadd.s32 s2, s11;
	s9 =	sadd.s32 s12, s9;
	s10 =	sadd.s32 s2, s13  }
0x11: {  	vm0 =	vmmov $0xffff;
	v1 =	vshrl.u32 v2, $0x3;
	s11 =	sadd.s32 s12, s11;
	s12 =	sadd.s32 s12, s13;
	s13 =	sadd.s32 $0x800, s0  }
0x12: {  	v0 =	vand.u32 $0x7, v2;
	v2 =	vor.u32 $0x8, v2;
	v1 =	vmul.u32 $0x8, v1;
	s14 =	smax.u32 s14, $0x1;
	s0 =	simm.s32 $0x7100;
	s2 =	simm.s32 $0x7900  }
.LBB2_1:
0x13: {  	[tilespmem:s3], [sflag:$0x5] =	stream.linear.gather [hbm4b:s4+s3], $0x100, $0x38;
	[tilespmem:$0x10180] =	vst v63  }
0x14: {  	_ =	swait.ge [sflag:s15], $0x100  }
0x15: {  	[sflag:s15] =	ssyncset.done $0x0  }
0x16: {  	[sflag:s15] =	ssyncadd.s32 $0xFFFFFF00  }
0x17: {  	v3 =	vld [tilespmem:$0x0];
	_ =	sdelay $0x4  }
0x18: {  	v4 =	vshll.u32 v3, $0x1  }
0x19: {  	v3 =	vand.u32 $0x7, v3;
	v4 =	vand.u32 $0xFFFFFFF0, v4  }
0x1a: {  	v3 =	vor.u32 v3, v4  }
0x1b: {  	v4 =	vperm.xlane v3, v0;
	_ =	sdelay $0x1  }
0x1c: {  	v3 =	vperm.xlane v3, v2;
	v4 =	vadd.s32 v1, v4;
	_ =	sdelay $0x1  }
0x1d: {  	v3 =	vadd.s32 v1, v3;
	_ =	sdelay $0x2  }
0x1e: {  	[tilespmem:s16], [sflag:$0x1] =	stream.indirect_vreg.gather [hbm4b:s1+s3], $0x80, v4, vm0, $0xb8;
	[tilespmem:$0x10180] =	vst v63  }
0x1f: {  	s23 =	simm.s32 $0x900  }
0x20: {  	[tilespmem:s23], [sflag:$0x1] =	stream.indirect_vreg.gather [hbm4b:s1+s3], $0x80, v3, vm0, $0xb8;
	[tilespmem:$0x10180] =	vst v63  }
0x21: {  	v3 =	vld [tilespmem:$0x10];
	_ =	sdelay $0x4  }
0x22: {  	v4 =	vshll.u32 v3, $0x1  }
0x23: {  	v3 =	vand.u32 $0x7, v3;
	v4 =	vand.u32 $0xFFFFFFF0, v4  }
0x24: {  	v3 =	vor.u32 v3, v4  }
0x25: {  	v4 =	vperm.xlane v3, v0;
	_ =	sdelay $0x1  }
0x26: {  	v3 =	vperm.xlane v3, v2;
	v4 =	vadd.s32 v1, v4;
	_ =	sdelay $0x1  }
0x27: {  	v3 =	vadd.s32 v1, v3;
	_ =	sdelay $0x1  }
0x28: {  	s29 =	simm.s32 $0x1100  }
0x29: {  	[tilespmem:s29], [sflag:$0x1] =	stream.indirect_vreg.gather [hbm4b:s1+s3], $0x80, v4, vm0, $0xb8;
	[tilespmem:$0x10180] =	vst v63  }
0x2a: {  	s30 =	simm.s32 $0x1900  }
0x2b: {  	[tilespmem:s30], [sflag:$0x1] =	stream.indirect_vreg.gather [hbm4b:s1+s3], $0x80, v3, vm0, $0xb8;
	[tilespmem:$0x10180] =	vst v63  }
0x2c: {  	v3 =	vld [tilespmem:$0x20];
	_ =	sdelay $0x4  }
0x2d: {  	v4 =	vshll.u32 v3, $0x1  }
0x2e: {  	v3 =	vand.u32 $0x7, v3;
	v4 =	vand.u32 $0xFFFFFFF0, v4  }
0x2f: {  	v3 =	vor.u32 v3, v4  }
0x30: {  	v4 =	vperm.xlane v3, v0;
	_ =	sdelay $0x1  }
0x31: {  	v3 =	vperm.xlane v3, v2;
	v4 =	vadd.s32 v1, v4;
	_ =	sdelay $0x1  }
0x32: {  	v3 =	vadd.s32 v1, v3;
	_ =	sdelay $0x1  }
0x33: {  	s24 =	simm.s32 $0x2100  }
0x34: {  	[tilespmem:s24], [sflag:$0x1] =	stream.indirect_vreg.gather [hbm4b:s1+s3], $0x80, v4, vm0, $0xb8;
	[tilespmem:$0x10180] =	vst v63  }
0x35: {  	s26 =	simm.s32 $0x2900  }
0x36: {  	[tilespmem:s26], [sflag:$0x1] =	stream.indirect_vreg.gather [hbm4b:s1+s3], $0x80, v3, vm0, $0xb8;
	[tilespmem:$0x10180] =	vst v63  }
0x37: {  	v3 =	vld [tilespmem:$0x30];
	_ =	sdelay $0x4  }
0x38: {  	v4 =	vshll.u32 v3, $0x1  }
0x39: {  	v3 =	vand.u32 $0x7, v3;
	v4 =	vand.u32 $0xFFFFFFF0, v4  }
0x3a: {  	v3 =	vor.u32 v3, v4  }
0x3b: {  	v4 =	vperm.xlane v3, v0;
	_ =	sdelay $0x1  }
0x3c: {  	v3 =	vperm.xlane v3, v2;
	v4 =	vadd.s32 v1, v4;
	_ =	sdelay $0x1  }
0x3d: {  	v3 =	vadd.s32 v1, v3;
	_ =	sdelay $0x1  }
0x3e: {  	s28 =	simm.s32 $0x3100  }
0x3f: {  	[tilespmem:s28], [sflag:$0x1] =	stream.indirect_vreg.gather [hbm4b:s1+s3], $0x80, v4, vm0, $0xb8;
	[tilespmem:$0x10180] =	vst v63  }
0x40: {  	s29 =	simm.s32 $0x3900  }
0x41: {  	[tilespmem:s29], [sflag:$0x1] =	stream.indirect_vreg.gather [hbm4b:s1+s3], $0x80, v3, vm0, $0xb8;
	[tilespmem:$0x10180] =	vst v63  }
0x42: {  	s30 =	simm.s32 $0x8100  }
0x43: {  	[tilespmem:s30], [sflag:$0x3] =	stream.linear.gather [hbm4b:s5+s3], $0x4000, $0x38;
	[tilespmem:$0x10180] =	vst v63  }
0x44: {  	v3 =	vld [tilespmem:$0x40];
	_ =	sdelay $0x4  }
0x45: {  	v4 =	vshll.u32 v3, $0x1  }
0x46: {  	v3 =	vand.u32 $0x7, v3;
	v4 =	vand.u32 $0xFFFFFFF0, v4  }
0x47: {  	v3 =	vor.u32 v3, v4  }
0x48: {  	v4 =	vperm.xlane v3, v0;
	_ =	sdelay $0x1  }
0x49: {  	v3 =	vperm.xlane v3, v2;
	v4 =	vadd.s32 v1, v4;
	_ =	sdelay $0x1  }
0x4a: {  	v3 =	vadd.s32 v1, v3;
	_ =	sdelay $0x2  }
0x4b: {  	[tilespmem:s25], [sflag:$0x2] =	stream.indirect_vreg.gather [hbm4b:s1+s3], $0x80, v4, vm0, $0xb8;
	[tilespmem:$0x10180] =	vst v63  }
0x4c: {  	s24 =	simm.s32 $0x4900  }
0x4d: {  	[tilespmem:s24], [sflag:$0x2] =	stream.indirect_vreg.gather [hbm4b:s1+s3], $0x80, v3, vm0, $0xb8;
	[tilespmem:$0x10180] =	vst v63  }
0x4e: {  	v3 =	vld [tilespmem:$0x50];
	_ =	sdelay $0x4  }
0x4f: {  	v4 =	vshll.u32 v3, $0x1  }
0x50: {  	v3 =	vand.u32 $0x7, v3;
	v4 =	vand.u32 $0xFFFFFFF0, v4  }
0x51: {  	v3 =	vor.u32 v3, v4  }
0x52: {  	v4 =	vperm.xlane v3, v0;
	_ =	sdelay $0x1  }
0x53: {  	v3 =	vperm.xlane v3, v2;
	v4 =	vadd.s32 v1, v4;
	_ =	sdelay $0x1  }
0x54: {  	v3 =	vadd.s32 v1, v3;
	_ =	sdelay $0x1  }
0x55: {  	s26 =	simm.s32 $0x5100  }
0x56: {  	[tilespmem:s26], [sflag:$0x2] =	stream.indirect_vreg.gather [hbm4b:s1+s3], $0x80, v4, vm0, $0xb8;
	[tilespmem:$0x10180] =	vst v63  }
0x57: {  	s28 =	simm.s32 $0x5900  }
0x58: {  	[tilespmem:s28], [sflag:$0x2] =	stream.indirect_vreg.gather [hbm4b:s1+s3], $0x80, v3, vm0, $0xb8;
	[tilespmem:$0x10180] =	vst v63  }
0x59: {  	v3 =	vld [tilespmem:$0x60];
	_ =	sdelay $0x4  }
0x5a: {  	v4 =	vshll.u32 v3, $0x1  }
0x5b: {  	v3 =	vand.u32 $0x7, v3;
	v4 =	vand.u32 $0xFFFFFFF0, v4  }
0x5c: {  	v3 =	vor.u32 v3, v4  }
0x5d: {  	v4 =	vperm.xlane v3, v0;
	_ =	sdelay $0x1  }
0x5e: {  	v3 =	vperm.xlane v3, v2;
	v4 =	vadd.s32 v1, v4;
	_ =	sdelay $0x1  }
0x5f: {  	v3 =	vadd.s32 v1, v3;
	_ =	sdelay $0x1  }
0x60: {  	s29 =	simm.s32 $0x6100  }
0x61: {  	[tilespmem:s29], [sflag:$0x2] =	stream.indirect_vreg.gather [hbm4b:s1+s3], $0x80, v4, vm0, $0xb8;
	[tilespmem:$0x10180] =	vst v63  }
0x62: {  	_ = 	snop  }
0x63: {  	[tilespmem:s31], [sflag:$0x2] =	stream.indirect_vreg.gather [hbm4b:s1+s3], $0x80, v3, vm0, $0xb8;
	[tilespmem:$0x10180] =	vst v63  }
0x64: {  	v3 =	vld [tilespmem:$0x70];
	_ =	sdelay $0x4  }
0x65: {  	v4 =	vshll.u32 v3, $0x1  }
0x66: {  	v3 =	vand.u32 $0x7, v3;
	v4 =	vand.u32 $0xFFFFFFF0, v4  }
0x67: {  	v3 =	vor.u32 v3, v4  }
0x68: {  	v4 =	vperm.xlane v3, v0;
	_ =	sdelay $0x1  }
0x69: {  	v3 =	vperm.xlane v3, v2;
	v4 =	vadd.s32 v1, v4;
	_ =	sdelay $0x1  }
0x6a: {  	v3 =	vadd.s32 v1, v3;
	_ =	sdelay $0x2  }
0x6b: {  	[tilespmem:s0], [sflag:$0x2] =	stream.indirect_vreg.gather [hbm4b:s1+s3], $0x80, v4, vm0, $0xb8;
	[tilespmem:$0x10180] =	vst v63  }
0x6c: {  	_ = 	snop  }
0x6d: {  	[tilespmem:s2], [sflag:$0x2] =	stream.indirect_vreg.gather [hbm4b:s1+s3], $0x80, v3, vm0, $0xb8;
	[tilespmem:$0x10180] =	vst v63  }
0x6e: {  	_ = 	snop  }
0x6f: {  	[tilespmem:s17], [sflag:$0x4] =	stream.linear.gather [hbm4b:s6+s3], $0x4000, $0x38;
	[tilespmem:$0x10180] =	vst v63  }
0x70: {  	_ =	swait.ge [sflag:s18], $0x4000  }
0x71: {  	[sflag:s18] =	ssyncset.done $0x0  }
0x72: {  	[sflag:s18] =	ssyncadd.s32 $0xFFFFC000  }
0x73: {  	_ =	swait.ge [sflag:s19], $0x4000  }
0x74: {  	s30 =	sand.u32 $0x3800, s3;
	s24 =	sand.u32 $0x380, s3;
	[sflag:s19] =	ssyncset.done $0x0  }
0x75: {  	s23 =	sor.u32 s24, s30;
	[sflag:s19] =	ssyncadd.s32 $0xFFFFC000  }
0x76: {  	v4 =	vld [tilespmem:s23+$0x570]  }
0x77: {  	v7 =	vld [tilespmem:s23+$0x560]  }
0x78: {  	v11 =	vld [tilespmem:s23+$0x140]  }
0x79: {  	v6 =	vld [tilespmem:s23+$0x170]  }
0x7a: {  	v12 =	vld [tilespmem:s23+$0x110]  }
0x7b: {  	v20 =	vld [tilespmem:s23+$0x500];
	_ =	sdelay $0x2  }
0x7c: {  	v8 =	vld [tilespmem:s23+$0x540];
	v10 =	vshrl.u32 v4, $0x10  }
0x7d: {  	v13 =	vshrl.u32 v7, $0x10;
	v21 =	vshrl.u32 v11, $0x10;
	v27 =	vshrl.u32 v6, $0x10  }
0x7e: {  	v5 =	vld [tilespmem:s23+$0x150];
	v25 =	vshrl.u32 v12, $0x10;
	v31 =	vshrl.u32 v20, $0x10;
	v10 =	vand.u32 $0x1, v10  }
0x7f: {  	v3 =	vld [tilespmem:s23+$0x160];
	v15 =	vand.u32 $0x1, v13;
	v13 =	vimm.f32 $0.0e+00;
	v21 =	vand.u32 $0x1, v21  }
0x80: {  	v9 =	vld [tilespmem:s23+$0x120];
	v25 =	vand.u32 $0x1, v25;
	v31 =	vand.u32 $0x1, v31;
	v4 =	vadd.s32 v10, v4  }
0x81: {  	v7 =	vadd.s32 v15, v7;
	v15 =	vshrl.u32 v8, $0x10;
	v11 =	vadd.s32 v21, v11  }
0x82: {  	v10 =	vld [tilespmem:s23+$0x100];
	v20 =	vadd.s32 v31, v20;
	v4 =	vadd.s32 $0x7FFF, v4;
	v19 =	vadd.s32 $0x7FFF, v7  }
0x83: {  	v7 =	vshrl.u32 v5, $0x10;
	v11 =	vadd.s32 $0x7FFF, v11;
	v20 =	vadd.s32 $0x7FFF, v20  }
0x84: {  	v17 =	vld [tilespmem:s23+$0x8160];
	v18 =	vand.u32 $0xFFFF0000, v4;
	v4 =	vshrl.u32 v3, $0x10;
	v22 =	vand.u32 $0x1, v7  }
0x85: {  	v16 =	vld [tilespmem:s23+$0x130];
	v7 =	vshrl.u32 v9, $0x10;
	v11 =	vand.u32 $0xFFFF0000, v11;
	v4 =	vand.u32 $0x1, v4  }
0x86: {  	v19 =	vand.u32 $0xFFFF0000, v19;
	v26 =	vand.u32 $0x1, v7;
	v3 =	vadd.s32 v4, v3  }
0x87: {  	v14 =	vld [tilespmem:s23+$0x550];
	v5 =	vadd.s32 v22, v5;
	v3 =	vadd.s32 $0x7FFF, v3;
	v30 =	vshrl.u32 v10, $0x10  }
0x88: {  	v28 =	vld [tilespmem:s23+$0x510];
	v4 =	vand.u32 $0x1, v15;
	v3 =	vand.u32 $0xFFFF0000, v3;
	v30 =	vand.u32 $0x1, v30  }
0x89: {  	v4 =	vadd.s32 v4, v8;
	v3 =	vsub.f32 v3, v17;
	v10 =	vadd.s32 v30, v10  }
0x8a: {  	v22 =	vshrl.u32 v16, $0x10;
	v4 =	vadd.s32 $0x7FFF, v4;
	v32 =	vadd.s32 $0x7FFF, v10  }
0x8b: {  	v10 =	vand.u32 $0xFFFF0000, v4;
	v4 =	vadd.s32 v25, v12;
	v12 =	vld [tilespmem:s23+$0x520];
	v17 =	vadd.f32 v3, v17  }
0x8c: {  	v63 =	vld [tilespmem:s23+$0x530];
	v9 =	vadd.s32 v26, v9;
	v22 =	vand.u32 $0x1, v22;
	v5 =	vadd.s32 $0x7FFF, v5  }
0x8d: {  	v21 =	vld [tilespmem:s23+$0x8510];
	v8 =	vshrl.u32 v14, $0x10;
	v16 =	vadd.s32 v22, v16;
	[tilespmem:s23+$0x160] =	vst v17;
	v17 =	vshrl.u32 v28, $0x10  }
0x8e: {  	v15 =	vld [tilespmem:s23+$0x8110];
	v5 =	vand.u32 $0xFFFF0000, v5;
	v30 =	vand.u32 $0x1, v8;
	v17 =	vand.u32 $0x1, v17  }
0x8f: {  	v8 =	vld [tilespmem:s23+$0x8100];
	v14 =	vadd.s32 v30, v14;
	v4 =	vadd.s32 $0x7FFF, v4;
	v17 =	vadd.s32 v17, v28  }
0x90: {  	v25 =	vand.u32 $0xFFFF0000, v32;
	v26 =	vshrl.u32 v12, $0x10;
	v28 =	vld [tilespmem:s23+$0x8520];
	v17 =	vadd.s32 $0x7FFF, v17  }
0x91: {  	v23 =	vld [tilespmem:s23+$0x8140];
	v3 =	vmul.f32 v3, v3;
	v22 =	vand.u32 $0x1, v26;
	v17 =	vand.u32 $0xFFFF0000, v17  }
0x92: {  	v24 =	vld [tilespmem:s23+$0x8150];
	v4 =	vand.u32 $0xFFFF0000, v4;
	v12 =	vadd.s32 v22, v12;
	v33 =	vsub.f32 v17, v21  }
0x93: {  	v34 =	vadd.s32 $0x7FFF, v14;
	v30 =	vsub.f32 v4, v15;
	v22 =	vadd.s32 $0x7FFF, v12  }
0x94: {  	v29 =	vld [tilespmem:s23+$0x8570];
	v17 =	vsub.f32 v25, v8;
	v14 =	vand.u32 $0xFFFF0000, v22;
	v21 =	vadd.f32 v33, v21  }
0x95: {  	v15 =	vadd.f32 v30, v15;
	v25 =	vsub.f32 v14, v28;
	v14 =	vshrl.u32 v63, $0x10  }
0x96: {  	v31 =	vld [tilespmem:s23+$0x8530];
	v12 =	vmul.f32 v17, v17;
	[tilespmem:s23+$0x510] =	vst v21;
	v21 =	vsub.f32 v11, v23;
	v11 =	vand.u32 $0x1, v14  }
0x97: {  	v26 =	vld [tilespmem:s23+$0x8120];
	v28 =	vadd.f32 v25, v28;
	v14 =	vsub.f32 v5, v24;
	v5 =	vmul.f32 v33, v33  }
0x98: {  	v4 =	vmul.f32 v25, v25;
	v25 =	vadd.s32 $0x7FFF, v9;
	v32 =	vadd.s32 v11, v63  }
0x99: {  	v7 =	vld [tilespmem:s23+$0x8500];
	[tilespmem:s23+$0x110] =	vst v15;
	v11 =	vsub.f32 v18, v29;
	v23 =	vadd.f32 v21, v23;
	v18 =	vadd.s32 $0x7FFF, v32  }
0x9a: {  	v22 =	vld [tilespmem:s23+$0x8560];
	[tilespmem:s23+$0x520] =	vst v28;
	v9 =	vmul.f32 v21, v21;
	v28 =	vadd.f32 v14, v24;
	v24 =	vand.u32 $0xFFFF0000, v18  }
0x9b: {  	v21 =	vand.u32 $0xFFFF0000, v25;
	v29 =	vadd.f32 v11, v29;
	[tilespmem:s23+$0x140] =	vst v23;
	v23 =	vld [tilespmem:s23+$0x8540];
	v15 =	vsub.f32 v24, v31  }
0x9c: {  	v25 =	vand.u32 $0xFFFF0000, v20;
	v18 =	vmul.f32 v30, v30;
	v20 =	vsub.f32 v21, v26;
	v21 =	vld [tilespmem:s23+$0x8550]  }
0x9d: {  	s24 =	simm.s32 $0x80;
	s26 =	simm.s32 $0x100;
	v30 =	vand.u32 $0x1, v27;
	v27 =	vand.u32 $0xFFFF0000, v34;
	v24 =	vld [tilespmem:s23+$0x8170];
	[tilespmem:s23+$0x570] =	vst v29;
	v29 =	vadd.f32 v15, v31  }
.LBB2_2:
0x9e: {  	s29 =	smov.u32 s26  }
0x9f: {  	s28 =	sand.u32 $0x3800, s26;
	s30 =	sand.u32 $0x380, s24;
	v12 =	vadd.f32 v12, v13;
	v6 =	vadd.s32 v30, v6;
	v13 =	vsub.f32 v19, v22;
	s29 =	sadd.s32 $0x100, s26  }
0xa0: {  	p0 =	sne.s32 s26, $0x3F00;
	s28 =	sor.u32 s30, s28;
	v19 =	vadd.f32 v20, v26;
	v6 =	vadd.s32 $0x7FFF, v6;
	v10 =	vsub.f32 v10, v23;
	v26 =	vld [tilespmem:s23+$0x8130];
	[tilespmem:s23+$0x150] =	vst v28  }
0xa1: {  	v12 =	vadd.f32 v18, v12;
	v6 =	vand.u32 $0xFFFF0000, v6;
	v18 =	vadd.f32 v13, v22;
	v28 =	vld [tilespmem:s28+$0x160];
	[tilespmem:s23+$0x530] =	vst v29  }
0xa2: {  	v8 =	vadd.f32 v17, v8;
	v16 =	vadd.s32 $0x7FFF, v16;
	v17 =	vmul.f32 v20, v20;
	v22 =	vld [tilespmem:s28+$0x570];
	[tilespmem:s23+$0x120] =	vst v19  }
0xa3: {  	v14 =	vmul.f32 v14, v14;
	v6 =	vsub.f32 v6, v24;
	v19 =	vsub.f32 v27, v21;
	v29 =	vld [tilespmem:s28+$0x150];
	[tilespmem:s23+$0x560] =	vst v18  }
0xa4: {  	v20 =	vadd.f32 v10, v23;
	v27 =	vld [tilespmem:s28+$0x560];
	[tilespmem:s23+$0x100] =	vst v8;
	v8 =	vand.u32 $0xFFFF0000, v16;
	v16 =	vsub.f32 v25, v7  }
0xa5: {  	v24 =	vadd.f32 v6, v24;
	v18 =	vmul.f32 v13, v13;
	v23 =	vld [tilespmem:s28+$0x120];
	v8 =	vsub.f32 v8, v26  }
0xa6: {  	v12 =	vadd.f32 v17, v12;
	v13 =	vmul.f32 v11, v11;
	v25 =	vld [tilespmem:s28+$0x140];
	[tilespmem:s23+$0x540] =	vst v20;
	v20 =	vmul.f32 v10, v10  }
0xa7: {  	v17 =	vmul.f32 v6, v6;
	v21 =	vadd.f32 v19, v21;
	v10 =	vld [tilespmem:s28+$0x540];
	v11 =	vshrl.u32 v22, $0x10;
	[tilespmem:s23+$0x170] =	vst v24  }
0xa8: {  	v24 =	vadd.f32 v8, v26;
	v26 =	vmul.f32 v15, v15;
	v6 =	vld [tilespmem:s28+$0x170];
	v11 =	vand.u32 $0x1, v11  }
0xa9: {  	v8 =	vmul.f32 v8, v8;
	v30 =	vld [tilespmem:s28+$0x110];
	v15 =	vshrl.u32 v27, $0x10;
	v11 =	vadd.s32 v11, v22;
	[tilespmem:s23+$0x550] =	vst v21  }
0xaa: {  	v7 =	vadd.f32 v16, v7;
	v22 =	vld [tilespmem:s28+$0x550];
	v15 =	vand.u32 $0x1, v15;
	v21 =	vadd.s32 $0x7FFF, v11;
	[tilespmem:s23+$0x130] =	vst v24  }
0xab: {  	v8 =	vadd.f32 v8, v12;
	v11 =	vmul.f32 v19, v19;
	v24 =	vld [tilespmem:s28+$0x130];
	v15 =	vadd.s32 v15, v27  }
0xac: {  	v16 =	vmul.f32 v16, v16;
	v12 =	vld [tilespmem:s28+$0x100];
	v27 =	vshrl.u32 v10, $0x10;
	v19 =	vadd.s32 $0x7FFF, v15;
	[tilespmem:s23+$0x500] =	vst v7;
	s23 =	smov.u32 s28  }
0xad: {  	v8 =	vadd.f32 v9, v8;
	v7 =	vshrl.u32 v29, $0x10;
	v15 =	vand.u32 $0xFFFF0000, v21;
	v31 =	vld [tilespmem:s23+$0x500]  }
0xae: {  	v9 =	vshrl.u32 v25, $0x10;
	v33 =	vand.u32 $0x1, v7;
	v21 =	vshrl.u32 v6, $0x10;
	v32 =	vld [tilespmem:s23+$0x8140]  }
0xaf: {  	v9 =	vand.u32 $0x1, v9;
	v7 =	vand.u32 $0x1, v27;
	v14 =	vadd.f32 v14, v8;
	v34 =	vld [tilespmem:s23+$0x8150]  }
0xb0: {  	v8 =	vshrl.u32 v23, $0x10;
	v7 =	vadd.s32 v7, v10;
	v10 =	vshrl.u32 v22, $0x10;
	v27 =	vld [tilespmem:s23+$0x8110]  }
0xb1: {  	v35 =	vshrl.u32 v30, $0x10;
	v36 =	vand.u32 $0x1, v8;
	v8 =	vadd.s32 $0x7FFF, v7;
	v37 =	vld [tilespmem:s23+$0x8570]  }
0xb2: {  	v39 =	vshrl.u32 v28, $0x10;
	v38 =	vshrl.u32 v12, $0x10;
	v40 =	vshrl.u32 v31, $0x10;
	v7 =	vld [tilespmem:s23+$0x8500]  }
0xb3: {  	v35 =	vand.u32 $0x1, v35;
	v38 =	vand.u32 $0x1, v38;
	v41 =	vld [tilespmem:s23+$0x8160];
	v40 =	vand.u32 $0x1, v40  }
0xb4: {  	v12 =	vadd.s32 v38, v12;
	v38 =	vand.u32 $0x1, v39;
	v39 =	vand.u32 $0x1, v10  }
0xb5: {  	v10 =	vand.u32 $0xFFFF0000, v8;
	v12 =	vadd.s32 $0x7FFF, v12;
	v28 =	vadd.s32 v38, v28  }
0xb6: {  	v3 =	vadd.f32 v3, v14;
	v30 =	vadd.s32 v35, v30;
	v28 =	vadd.s32 $0x7FFF, v28;
	v8 =	vld [tilespmem:s23+$0x8100]  }
0xb7: {  	v14 =	vadd.s32 $0x7FFF, v30;
	v30 =	vshrl.u32 v24, $0x10;
	v28 =	vand.u32 $0xFFFF0000, v28;
	v35 =	vld [tilespmem:s23+$0x510]  }
0xb8: {  	v9 =	vadd.s32 v9, v25;
	v25 =	vadd.s32 v33, v29;
	v28 =	vsub.f32 v28, v41  }
0xb9: {  	v9 =	vadd.s32 $0x7FFF, v9;
	v33 =	vadd.f32 v17, v3;
	v12 =	vand.u32 $0xFFFF0000, v12;
	v29 =	vld [tilespmem:s23+$0x520]  }
0xba: {  	v23 =	vadd.s32 v36, v23;
	v36 =	vadd.f32 v28, v41;
	v3 =	vmul.f32 v28, v28  }
0xbb: {  	v28 =	vadd.f32 v16, v33;
	v17 =	vsub.f32 v12, v8;
	v12 =	vand.u32 $0x1, v30  }
0xbc: {  	v30 =	vand.u32 $0xFFFF0000, v14;
	v16 =	vadd.s32 v12, v24;
	[tilespmem:s23+$0x160] =	vst v36;
	v14 =	vshrl.u32 v35, $0x10;
	v24 =	vld [tilespmem:s23+$0x8510]  }
0xbd: {  	v5 =	vadd.f32 v5, v28;
	v12 =	vmul.f32 v17, v17;
	v14 =	vand.u32 $0x1, v14;
	v33 =	vld [tilespmem:s23+$0x530]  }
0xbe: {  	v22 =	vadd.s32 v39, v22;
	v14 =	vadd.s32 v14, v35;
	v28 =	vshrl.u32 v29, $0x10  }
0xbf: {  	v4 =	vadd.f32 v4, v5;
	v14 =	vadd.s32 $0x7FFF, v14;
	v28 =	vand.u32 $0x1, v28  }
0xc0: {  	v5 =	vand.u32 $0xFFFF0000, v14;
	v14 =	vadd.s32 v28, v29;
	v28 =	vld [tilespmem:s23+$0x8520];
	v29 =	vadd.s32 $0x7FFF, v22  }
0xc1: {  	v22 =	vadd.s32 $0x7FFF, v25;
	v4 =	vadd.f32 v26, v4;
	v5 =	vsub.f32 v5, v24  }
0xc2: {  	v25 =	vadd.s32 v40, v31;
	v26 =	vadd.s32 $0x7FFF, v14;
	v14 =	vshrl.u32 v33, $0x10  }
0xc3: {  	v9 =	vand.u32 $0xFFFF0000, v9;
	v22 =	vand.u32 $0xFFFF0000, v22;
	v31 =	vand.u32 $0x1, v14  }
0xc4: {  	v14 =	vsub.f32 v22, v34;
	v22 =	vadd.f32 v5, v24;
	v24 =	vand.u32 $0xFFFF0000, v26  }
0xc5: {  	v20 =	vadd.f32 v20, v4;
	v5 =	vmul.f32 v5, v5;
	v24 =	vsub.f32 v24, v28  }
0xc6: {  	v9 =	vsub.f32 v9, v32;
	v30 =	vsub.f32 v30, v27;
	[tilespmem:s23+$0x510] =	vst v22;
	v22 =	vadd.s32 v31, v33  }
0xc7: {  	v20 =	vadd.f32 v11, v20;
	v28 =	vadd.f32 v24, v28;
	v4 =	vmul.f32 v24, v24;
	v31 =	vld [tilespmem:s23+$0x8530]  }
0xc8: {  	v23 =	vadd.s32 $0x7FFF, v23;
	v24 =	vadd.f32 v9, v32;
	v32 =	vadd.s32 $0x7FFF, v22;
	v22 =	vld [tilespmem:s23+$0x8560]  }
0xc9: {  	v27 =	vadd.f32 v30, v27;
	v11 =	vsub.f32 v15, v37;
	v9 =	vmul.f32 v9, v9;
	v26 =	vld [tilespmem:s23+$0x8120];
	[tilespmem:s23+$0x520] =	vst v28  }
.Ltmp0:
0xca: {  	v33 =	vand.u32 $0xFFFF0000, v23;
	v15 =	vand.u32 $0xFFFF0000, v32;
	v28 =	vadd.f32 v14, v34;
	(pc) =	sbr.rel @p0 .LBB2_2-.Ltmp0, $4  }
0xcb: {  	v20 =	vadd.f32 v18, v20;
	v32 =	vadd.f32 v11, v37;
	[tilespmem:s23+$0x140] =	vst v24;
	v24 =	vadd.s32 $0x7FFF, v25;
	v23 =	vld [tilespmem:s23+$0x8540]  }
0xcc: {  	v18 =	vmul.f32 v30, v30;
	[tilespmem:s23+$0x110] =	vst v27;
	v25 =	vand.u32 $0xFFFF0000, v24;
	v15 =	vsub.f32 v15, v31  }
0xcd: {  	v30 =	vand.u32 $0x1, v21;
	v13 =	vadd.f32 v13, v20;
	v27 =	vand.u32 $0xFFFF0000, v29;
	v24 =	vld [tilespmem:s23+$0x8170];
	[tilespmem:s23+$0x570] =	vst v32  }
0xce: {  	s24 =	sadd.s32 $0x80, s24;
	s26 =	smov.u32 s29;
	v19 =	vand.u32 $0xFFFF0000, v19;
	v20 =	vsub.f32 v33, v26;
	v29 =	vadd.f32 v15, v31;
	v21 =	vld [tilespmem:s23+$0x8550]  }
0xcf: {  	_ = 	snop  }
0xd0: {  	v6 =	vadd.s32 v30, v6;
	v19 =	vsub.f32 v19, v22;
	v30 =	vld [tilespmem:s23+$0x8130]  }
0xd1: {  	[tilespmem:s23+$0x150] =	vst v28;
	v8 =	vadd.f32 v17, v8;
	v26 =	vadd.f32 v20, v26;
	v6 =	vadd.s32 $0x7FFF, v6  }
0xd2: {  	v10 =	vsub.f32 v10, v23;
	[tilespmem:s23+$0x530] =	vst v29;
	v6 =	vand.u32 $0xFFFF0000, v6;
	v22 =	vadd.f32 v19, v22  }
0xd3: {  	v16 =	vadd.s32 $0x7FFF, v16;
	[tilespmem:s23+$0x100] =	vst v8;
	v6 =	vsub.f32 v6, v24;
	v17 =	vsub.f32 v27, v21  }
0xd4: {  	v16 =	vand.u32 $0xFFFF0000, v16;
	[tilespmem:s23+$0x560] =	vst v22;
	v22 =	vadd.f32 v10, v23;
	v23 =	vsub.f32 v25, v7  }
0xd5: {  	[tilespmem:s23+$0x120] =	vst v26;
	v8 =	vsub.f32 v16, v30;
	v16 =	vadd.f32 v6, v24  }
0xd6: {  	[tilespmem:s23+$0x540] =	vst v22;
	v21 =	vadd.f32 v17, v21  }
0xd7: {  	v7 =	vadd.f32 v23, v7;
	[tilespmem:s23+$0x170] =	vst v16  }
0xd8: {  	v16 =	vadd.f32 v8, v30;
	[tilespmem:s23+$0x550] =	vst v21  }
0xd9: {  	[tilespmem:s23+$0x500] =	vst v7  }
0xda: {  	[tilespmem:s23+$0x130] =	vst v16;
	s23 =	simm.s32 $0x0  }
0xdb: {  	[hbm4b:s7+s23] =	stream.linear.scatter [tilespmem:s16], [sflag:$0x5], $0x4000, $0x38;
	[tilespmem:$0x10180] =	vst v63  }
0xdc: {  	_ =	swait.ge [sflag:s15], $0x4000  }
0xdd: {  	[sflag:s15] =	ssyncset.done $0x0  }
0xde: {  	[sflag:s15] =	ssyncadd.s32 $0xFFFFC000  }
0xdf: {  	v7 =	vld [tilespmem:$0x80];
	_ =	sdelay $0x4  }
0xe0: {  	v16 =	vshll.u32 v7, $0x1  }
0xe1: {  	v7 =	vand.u32 $0x7, v7;
	v16 =	vand.u32 $0xFFFFFFF0, v16  }
0xe2: {  	v7 =	vor.u32 v7, v16  }
0xe3: {  	v16 =	vperm.xlane v7, v0;
	_ =	sdelay $0x1  }
0xe4: {  	v7 =	vperm.xlane v7, v2;
	v16 =	vadd.s32 v1, v16;
	_ =	sdelay $0x1  }
0xe5: {  	v7 =	vadd.s32 v1, v7;
	_ =	sdelay $0x2  }
0xe6: {  	[tilespmem:s16], [sflag:$0x1] =	stream.indirect_vreg.gather [hbm4b:s1+s23], $0x80, v16, vm0, $0xb8;
	[tilespmem:$0x10180] =	vst v63  }
0xe7: {  	s24 =	simm.s32 $0x900  }
0xe8: {  	[tilespmem:s24], [sflag:$0x1] =	stream.indirect_vreg.gather [hbm4b:s1+s23], $0x80, v7, vm0, $0xb8;
	[tilespmem:$0x10180] =	vst v63  }
0xe9: {  	v7 =	vld [tilespmem:$0x90];
	_ =	sdelay $0x4  }
0xea: {  	v16 =	vshll.u32 v7, $0x1  }
0xeb: {  	v7 =	vand.u32 $0x7, v7;
	v16 =	vand.u32 $0xFFFFFFF0, v16  }
0xec: {  	v7 =	vor.u32 v7, v16  }
0xed: {  	v16 =	vperm.xlane v7, v0;
	_ =	sdelay $0x1  }
0xee: {  	v7 =	vperm.xlane v7, v2;
	v16 =	vadd.s32 v1, v16;
	_ =	sdelay $0x1  }
0xef: {  	v7 =	vadd.s32 v1, v7;
	_ =	sdelay $0x1  }
0xf0: {  	s28 =	simm.s32 $0x1100  }
0xf1: {  	[tilespmem:s28], [sflag:$0x1] =	stream.indirect_vreg.gather [hbm4b:s1+s23], $0x80, v16, vm0, $0xb8;
	[tilespmem:$0x10180] =	vst v63  }
0xf2: {  	s30 =	simm.s32 $0x1900  }
0xf3: {  	[tilespmem:s30], [sflag:$0x1] =	stream.indirect_vreg.gather [hbm4b:s1+s23], $0x80, v7, vm0, $0xb8;
	[tilespmem:$0x10180] =	vst v63  }
0xf4: {  	v7 =	vld [tilespmem:$0xA0];
	_ =	sdelay $0x4  }
0xf5: {  	v16 =	vshll.u32 v7, $0x1  }
0xf6: {  	v7 =	vand.u32 $0x7, v7;
	v16 =	vand.u32 $0xFFFFFFF0, v16  }
0xf7: {  	v7 =	vor.u32 v7, v16  }
0xf8: {  	v16 =	vperm.xlane v7, v0;
	_ =	sdelay $0x1  }
0xf9: {  	v7 =	vperm.xlane v7, v2;
	v16 =	vadd.s32 v1, v16;
	_ =	sdelay $0x1  }
0xfa: {  	v7 =	vadd.s32 v1, v7;
	_ =	sdelay $0x1  }
0xfb: {  	s26 =	simm.s32 $0x2100  }
0xfc: {  	[tilespmem:s26], [sflag:$0x1] =	stream.indirect_vreg.gather [hbm4b:s1+s23], $0x80, v16, vm0, $0xb8;
	[tilespmem:$0x10180] =	vst v63  }
0xfd: {  	s28 =	simm.s32 $0x2900  }
0xfe: {  	[tilespmem:s28], [sflag:$0x1] =	stream.indirect_vreg.gather [hbm4b:s1+s23], $0x80, v7, vm0, $0xb8;
	[tilespmem:$0x10180] =	vst v63  }
0xff: {  	v7 =	vld [tilespmem:$0xB0];
	_ =	sdelay $0x4  }
0x100: {  	v12 =	vadd.f32 v12, v13;
	v13 =	vshll.u32 v7, $0x1  }
0x101: {  	v7 =	vand.u32 $0x7, v7;
	v13 =	vand.u32 $0xFFFFFFF0, v13  }
0x102: {  	v12 =	vadd.f32 v18, v12;
	v16 =	vmul.f32 v20, v20;
	v7 =	vor.u32 v7, v13  }
0x103: {  	v13 =	vperm.xlane v7, v0  }
0x104: {  	v8 =	vmul.f32 v8, v8;
	v12 =	vadd.f32 v16, v12  }
0x105: {  	v7 =	vperm.xlane v7, v2;
	v13 =	vadd.s32 v1, v13  }
0x106: {  	v8 =	vadd.f32 v8, v12  }
0x107: {  	v7 =	vadd.s32 v1, v7  }
0x108: {  	v12 =	vmul.f32 v14, v14;
	v8 =	vadd.f32 v9, v8  }
0x109: {  	s30 =	simm.s32 $0x3100  }
0x10a: {  	v8 =	vadd.f32 v12, v8;
	[tilespmem:s30], [sflag:$0x1] =	stream.indirect_vreg.gather [hbm4b:s1+s23], $0x80, v13, vm0, $0xb8;
	[tilespmem:$0x10180] =	vst v63  }
0x10b: {  	s26 =	simm.s32 $0x3900  }
0x10c: {  	v6 =	vmul.f32 v6, v6;
	v3 =	vadd.f32 v3, v8;
	[tilespmem:s26], [sflag:$0x1] =	stream.indirect_vreg.gather [hbm4b:s1+s23], $0x80, v7, vm0, $0xb8;
	[tilespmem:$0x10180] =	vst v63  }
0x10d: {  	s28 =	simm.s32 $0x8100  }
0x10e: {  	v3 =	vadd.f32 v6, v3;
	v7 =	vmul.f32 v23, v23;
	[tilespmem:s28], [sflag:$0x3] =	stream.linear.gather [hbm4b:s8+s23], $0x4000, $0x38;
	[tilespmem:$0x10180] =	vst v63  }
0x10f: {  	_ =	swait.ge [sflag:s20], $0x4000  }
0x110: {  	v3 =	vadd.f32 v7, v3;
	[sflag:s20] =	ssyncset.done $0x0  }
0x111: {  	[sflag:s20] =	ssyncadd.s32 $0xFFFFC000  }
0x112: {  	v3 =	vadd.f32 v5, v3;
	_ =	swait.ge [sflag:s21], $0x4000  }
0x113: {  	s30 =	sand.u32 $0x3800, s23;
	s23 =	sand.u32 $0x380, s23;
	[sflag:s21] =	ssyncset.done $0x0  }
0x114: {  	s23 =	sor.u32 s23, s30;
	v5 =	vmul.f32 v15, v15;
	v3 =	vadd.f32 v4, v3;
	[sflag:s21] =	ssyncadd.s32 $0xFFFFC000  }
0x115: {  	v7 =	vld [tilespmem:s23+$0x4570]  }
0x116: {  	v6 =	vmul.f32 v10, v10;
	v3 =	vadd.f32 v5, v3;
	v8 =	vld [tilespmem:s23+$0x4560]  }
0x117: {  	v14 =	vld [tilespmem:s23+$0x4140]  }
0x118: {  	v9 =	vmul.f32 v17, v17;
	v21 =	vld [tilespmem:s23+$0x4500];
	v3 =	vadd.f32 v6, v3  }
0x119: {  	v6 =	vld [tilespmem:s23+$0x4170]  }
0x11a: {  	v10 =	vmul.f32 v19, v19;
	v3 =	vadd.f32 v9, v3  }
0x11b: {  	v4 =	vld [tilespmem:s23+$0x4160]  }
0x11c: {  	v11 =	vmul.f32 v11, v11;
	v9 =	vld [tilespmem:s23+$0x4540];
	v3 =	vadd.f32 v10, v3;
	v10 =	vshrl.u32 v7, $0x10  }
0x11d: {  	v5 =	vld [tilespmem:s23+$0x4150];
	v13 =	vshrl.u32 v8, $0x10;
	v17 =	vshrl.u32 v14, $0x10;
	v31 =	vshrl.u32 v21, $0x10  }
0x11e: {  	v12 =	vld [tilespmem:s23+$0x4120];
	v10 =	vand.u32 $0x1, v10;
	v16 =	vand.u32 $0x1, v13;
	v27 =	vshrl.u32 v6, $0x10  }
0x11f: {  	v17 =	vand.u32 $0x1, v17;
	v31 =	vand.u32 $0x1, v31;
	v13 =	vadd.f32 v11, v3  }
0x120: {  	v15 =	vld [tilespmem:s23+$0x4110];
	v3 =	vadd.s32 v10, v7;
	v7 =	vadd.s32 v16, v8;
	v14 =	vadd.s32 v17, v14  }
0x121: {  	v8 =	vld [tilespmem:s23+$0x4100];
	v3 =	vadd.s32 $0x7FFF, v3;
	v10 =	vshrl.u32 v9, $0x10;
	v19 =	vadd.s32 $0x7FFF, v7  }
0x122: {  	v7 =	vshrl.u32 v5, $0x10;
	v14 =	vadd.s32 $0x7FFF, v14;
	v20 =	vand.u32 $0xFFFF0000, v3  }
0x123: {  	v16 =	vld [tilespmem:s23+$0xC160];
	v3 =	vshrl.u32 v4, $0x10;
	v22 =	vand.u32 $0x1, v7;
	v7 =	vshrl.u32 v12, $0x10  }
0x124: {  	v14 =	vand.u32 $0xFFFF0000, v14;
	v19 =	vand.u32 $0xFFFF0000, v19;
	v3 =	vand.u32 $0x1, v3  }
0x125: {  	v18 =	vld [tilespmem:s23+$0x4550];
	v26 =	vand.u32 $0x1, v7;
	v3 =	vadd.s32 v3, v4;
	v4 =	vand.u32 $0x1, v10  }
0x126: {  	v11 =	vld [tilespmem:s23+$0x4130];
	v10 =	vshrl.u32 v15, $0x10;
	v3 =	vadd.s32 $0x7FFF, v3;
	v30 =	vshrl.u32 v8, $0x10  }
0x127: {  	v28 =	vld [tilespmem:s23+$0x4510];
	v4 =	vadd.s32 v4, v9;
	v3 =	vand.u32 $0xFFFF0000, v3;
	v30 =	vand.u32 $0x1, v30  }
0x128: {  	v32 =	vand.u32 $0x1, v10;
	v3 =	vsub.f32 v3, v16;
	v10 =	vadd.s32 v30, v8  }
0x129: {  	v5 =	vadd.s32 v22, v5;
	v4 =	vadd.s32 $0x7FFF, v4;
	v30 =	vadd.s32 $0x7FFF, v10  }
0x12a: {  	v10 =	vand.u32 $0xFFFF0000, v4;
	v4 =	vadd.s32 v32, v15;
	v15 =	vld [tilespmem:s23+$0x4520];
	v16 =	vadd.f32 v3, v16  }
0x12b: {  	v5 =	vadd.s32 $0x7FFF, v5;
	v9 =	vshrl.u32 v18, $0x10;
	v17 =	vshrl.u32 v11, $0x10  }
0x12c: {  	v62 =	vld [tilespmem:s23+$0xC510];
	v5 =	vand.u32 $0xFFFF0000, v5;
	v9 =	vand.u32 $0x1, v9;
	[tilespmem:s23+$0x4160] =	vst v16;
	v16 =	vshrl.u32 v28, $0x10  }
0x12d: {  	v25 =	vld [tilespmem:s23+$0xC110];
	v9 =	vadd.s32 v9, v18;
	v4 =	vadd.s32 $0x7FFF, v4;
	v16 =	vand.u32 $0x1, v16  }
0x12e: {  	v8 =	vld [tilespmem:s23+$0xC100];
	v22 =	vand.u32 $0xFFFF0000, v30;
	v16 =	vadd.s32 v16, v28;
	v28 =	vadd.s32 v26, v12  }
0x12f: {  	v23 =	vld [tilespmem:s23+$0xC140];
	v12 =	vadd.s32 $0x7FFF, v16;
	v16 =	vand.u32 $0x1, v17;
	v17 =	vshrl.u32 v15, $0x10  }
0x130: {  	v4 =	vand.u32 $0xFFFF0000, v4;
	v26 =	vld [tilespmem:s23+$0xC520];
	v12 =	vand.u32 $0xFFFF0000, v12;
	v30 =	vand.u32 $0x1, v17  }
0x131: {  	v16 =	vadd.s32 v16, v11;
	v11 =	vld [tilespmem:s23+$0x4530];
	v33 =	vsub.f32 v12, v62;
	v12 =	vadd.s32 v30, v15  }
0x132: {  	v63 =	vadd.s32 $0x7FFF, v9;
	v30 =	vsub.f32 v4, v25;
	v15 =	vadd.s32 $0x7FFF, v12  }
0x133: {  	v24 =	vld [tilespmem:s23+$0xC150];
	v17 =	vsub.f32 v22, v8;
	v18 =	vadd.f32 v33, v62;
	v9 =	vand.u32 $0xFFFF0000, v15  }
0x134: {  	v29 =	vld [tilespmem:s23+$0xC570];
	v15 =	vadd.s32 v31, v21;
	v21 =	vsub.f32 v14, v23;
	v25 =	vadd.f32 v30, v25  }
0x135: {  	v3 =	vmul.f32 v3, v3;
	v12 =	vmul.f32 v17, v17;
	v9 =	vsub.f32 v9, v26;
	[tilespmem:s23+$0x4510] =	vst v18  }
0x136: {  	v31 =	vld [tilespmem:s23+$0xC530];
	v18 =	vshrl.u32 v11, $0x10;
	v23 =	vadd.f32 v21, v23;
	[tilespmem:s23+$0x4110] =	vst v25;
	v25 =	vadd.s32 $0x7FFF, v15  }
0x137: {  	v14 =	vand.u32 $0x1, v18;
	v18 =	vadd.f32 v9, v26;
	v4 =	vmul.f32 v9, v9  }
0x138: {  	v26 =	vld [tilespmem:s23+$0xC120];
	v9 =	vmul.f32 v21, v21;
	v25 =	vand.u32 $0xFFFF0000, v25;
	v34 =	vadd.s32 v14, v11  }
0x139: {  	v7 =	vld [tilespmem:s23+$0xC500];
	v14 =	vsub.f32 v5, v24;
	v11 =	vsub.f32 v20, v29;
	v20 =	vadd.s32 $0x7FFF, v34  }
0x13a: {  	v22 =	vld [tilespmem:s23+$0xC560];
	v5 =	vmul.f32 v33, v33;
	[tilespmem:s23+$0x4520] =	vst v18;
	v18 =	vadd.s32 $0x7FFF, v28;
	v20 =	vand.u32 $0xFFFF0000, v20  }
0x13b: {  	[tilespmem:s23+$0x4140] =	vst v23;
	v23 =	vld [tilespmem:s23+$0xC540];
	v21 =	vand.u32 $0xFFFF0000, v18;
	v29 =	vadd.f32 v11, v29;
	v15 =	vsub.f32 v20, v31  }
0x13c: {  	v28 =	vadd.f32 v14, v24;
	v18 =	vmul.f32 v30, v30;
	v24 =	vld [tilespmem:s23+$0xC170];
	v30 =	vand.u32 $0x1, v27  }
0x13d: {  	s29 =	simm.s32 $0x100;
	s24 =	simm.s32 $0x80;
	v27 =	vand.u32 $0xFFFF0000, v63;
	[tilespmem:s23+$0x4570] =	vst v29;
	v20 =	vsub.f32 v21, v26;
	v21 =	vld [tilespmem:s23+$0xC550];
	v29 =	vadd.f32 v15, v31  }
.LBB2_4:
0x13e: {  	s26 =	smov.u32 s29  }
0x13f: {  	s28 =	sand.u32 $0x3800, s29;
	s30 =	sand.u32 $0x380, s24;
	v12 =	vadd.f32 v12, v13;
	v6 =	vadd.s32 v30, v6;
	v13 =	vsub.f32 v19, v22;
	s26 =	sadd.s32 $0x100, s29  }
0x140: {  	p0 =	sne.s32 s29, $0x3F00;
	s28 =	sor.u32 s30, s28;
	v19 =	vadd.f32 v20, v26;
	v6 =	vadd.s32 $0x7FFF, v6;
	v10 =	vsub.f32 v10, v23;
	v26 =	vld [tilespmem:s23+$0xC130];
	[tilespmem:s23+$0x4150] =	vst v28  }
0x141: {  	v12 =	vadd.f32 v18, v12;
	v6 =	vand.u32 $0xFFFF0000, v6;
	v18 =	vadd.f32 v13, v22;
	v28 =	vld [tilespmem:s28+$0x4160];
	[tilespmem:s23+$0x4530] =	vst v29  }
0x142: {  	v8 =	vadd.f32 v17, v8;
	v16 =	vadd.s32 $0x7FFF, v16;
	v17 =	vmul.f32 v20, v20;
	v22 =	vld [tilespmem:s28+$0x4570];
	[tilespmem:s23+$0x4120] =	vst v19  }
0x143: {  	v14 =	vmul.f32 v14, v14;
	v6 =	vsub.f32 v6, v24;
	v19 =	vsub.f32 v27, v21;
	v29 =	vld [tilespmem:s28+$0x4150];
	[tilespmem:s23+$0x4560] =	vst v18  }
0x144: {  	v20 =	vadd.f32 v10, v23;
	v27 =	vld [tilespmem:s28+$0x4560];
	[tilespmem:s23+$0x4100] =	vst v8;
	v8 =	vand.u32 $0xFFFF0000, v16;
	v16 =	vsub.f32 v25, v7  }
0x145: {  	v24 =	vadd.f32 v6, v24;
	v18 =	vmul.f32 v13, v13;
	v23 =	vld [tilespmem:s28+$0x4120];
	v8 =	vsub.f32 v8, v26  }
0x146: {  	v12 =	vadd.f32 v17, v12;
	v13 =	vmul.f32 v11, v11;
	v25 =	vld [tilespmem:s28+$0x4140];
	[tilespmem:s23+$0x4540] =	vst v20;
	v20 =	vmul.f32 v10, v10  }
0x147: {  	v17 =	vmul.f32 v6, v6;
	v21 =	vadd.f32 v19, v21;
	v10 =	vld [tilespmem:s28+$0x4540];
	v11 =	vshrl.u32 v22, $0x10;
	[tilespmem:s23+$0x4170] =	vst v24  }
0x148: {  	v24 =	vadd.f32 v8, v26;
	v26 =	vmul.f32 v15, v15;
	v6 =	vld [tilespmem:s28+$0x4170];
	v11 =	vand.u32 $0x1, v11  }
0x149: {  	v8 =	vmul.f32 v8, v8;
	v30 =	vld [tilespmem:s28+$0x4110];
	v15 =	vshrl.u32 v27, $0x10;
	v11 =	vadd.s32 v11, v22;
	[tilespmem:s23+$0x4550] =	vst v21  }
0x14a: {  	v7 =	vadd.f32 v16, v7;
	v22 =	vld [tilespmem:s28+$0x4550];
	v15 =	vand.u32 $0x1, v15;
	v21 =	vadd.s32 $0x7FFF, v11;
	[tilespmem:s23+$0x4130] =	vst v24  }
0x14b: {  	v8 =	vadd.f32 v8, v12;
	v11 =	vmul.f32 v19, v19;
	v24 =	vld [tilespmem:s28+$0x4130];
	v15 =	vadd.s32 v15, v27  }
0x14c: {  	v16 =	vmul.f32 v16, v16;
	v12 =	vld [tilespmem:s28+$0x4100];
	v27 =	vshrl.u32 v10, $0x10;
	v19 =	vadd.s32 $0x7FFF, v15;
	[tilespmem:s23+$0x4500] =	vst v7;
	s23 =	smov.u32 s28  }
0x14d: {  	v8 =	vadd.f32 v9, v8;
	v7 =	vshrl.u32 v29, $0x10;
	v15 =	vand.u32 $0xFFFF0000, v21;
	v31 =	vld [tilespmem:s23+$0x4500]  }
0x14e: {  	v9 =	vshrl.u32 v25, $0x10;
	v33 =	vand.u32 $0x1, v7;
	v21 =	vshrl.u32 v6, $0x10;
	v32 =	vld [tilespmem:s23+$0xC140]  }
0x14f: {  	v9 =	vand.u32 $0x1, v9;
	v7 =	vand.u32 $0x1, v27;
	v14 =	vadd.f32 v14, v8;
	v34 =	vld [tilespmem:s23+$0xC150]  }
0x150: {  	v8 =	vshrl.u32 v23, $0x10;
	v7 =	vadd.s32 v7, v10;
	v10 =	vshrl.u32 v22, $0x10;
	v27 =	vld [tilespmem:s23+$0xC110]  }
0x151: {  	v35 =	vshrl.u32 v30, $0x10;
	v36 =	vand.u32 $0x1, v8;
	v8 =	vadd.s32 $0x7FFF, v7;
	v37 =	vld [tilespmem:s23+$0xC570]  }
0x152: {  	v39 =	vshrl.u32 v28, $0x10;
	v38 =	vshrl.u32 v12, $0x10;
	v40 =	vshrl.u32 v31, $0x10;
	v7 =	vld [tilespmem:s23+$0xC500]  }
0x153: {  	v35 =	vand.u32 $0x1, v35;
	v38 =	vand.u32 $0x1, v38;
	v41 =	vld [tilespmem:s23+$0xC160];
	v40 =	vand.u32 $0x1, v40  }
0x154: {  	v12 =	vadd.s32 v38, v12;
	v38 =	vand.u32 $0x1, v39;
	v39 =	vand.u32 $0x1, v10  }
0x155: {  	v10 =	vand.u32 $0xFFFF0000, v8;
	v12 =	vadd.s32 $0x7FFF, v12;
	v28 =	vadd.s32 v38, v28  }
0x156: {  	v3 =	vadd.f32 v3, v14;
	v30 =	vadd.s32 v35, v30;
	v28 =	vadd.s32 $0x7FFF, v28;
	v8 =	vld [tilespmem:s23+$0xC100]  }
0x157: {  	v14 =	vadd.s32 $0x7FFF, v30;
	v30 =	vshrl.u32 v24, $0x10;
	v28 =	vand.u32 $0xFFFF0000, v28;
	v35 =	vld [tilespmem:s23+$0x4510]  }
0x158: {  	v9 =	vadd.s32 v9, v25;
	v25 =	vadd.s32 v33, v29;
	v28 =	vsub.f32 v28, v41  }
0x159: {  	v9 =	vadd.s32 $0x7FFF, v9;
	v33 =	vadd.f32 v17, v3;
	v12 =	vand.u32 $0xFFFF0000, v12;
	v29 =	vld [tilespmem:s23+$0x4520]  }
0x15a: {  	v23 =	vadd.s32 v36, v23;
	v36 =	vadd.f32 v28, v41;
	v3 =	vmul.f32 v28, v28  }
0x15b: {  	v28 =	vadd.f32 v16, v33;
	v17 =	vsub.f32 v12, v8;
	v12 =	vand.u32 $0x1, v30  }
0x15c: {  	v30 =	vand.u32 $0xFFFF0000, v14;
	v16 =	vadd.s32 v12, v24;
	[tilespmem:s23+$0x4160] =	vst v36;
	v14 =	vshrl.u32 v35, $0x10;
	v24 =	vld [tilespmem:s23+$0xC510]  }
0x15d: {  	v5 =	vadd.f32 v5, v28;
	v12 =	vmul.f32 v17, v17;
	v14 =	vand.u32 $0x1, v14;
	v33 =	vld [tilespmem:s23+$0x4530]  }
0x15e: {  	v22 =	vadd.s32 v39, v22;
	v14 =	vadd.s32 v14, v35;
	v28 =	vshrl.u32 v29, $0x10  }
0x15f: {  	v4 =	vadd.f32 v4, v5;
	v14 =	vadd.s32 $0x7FFF, v14;
	v28 =	vand.u32 $0x1, v28  }
0x160: {  	v5 =	vand.u32 $0xFFFF0000, v14;
	v14 =	vadd.s32 v28, v29;
	v28 =	vld [tilespmem:s23+$0xC520];
	v29 =	vadd.s32 $0x7FFF, v22  }
0x161: {  	v22 =	vadd.s32 $0x7FFF, v25;
	v4 =	vadd.f32 v26, v4;
	v5 =	vsub.f32 v5, v24  }
0x162: {  	v25 =	vadd.s32 v40, v31;
	v26 =	vadd.s32 $0x7FFF, v14;
	v14 =	vshrl.u32 v33, $0x10  }
0x163: {  	v9 =	vand.u32 $0xFFFF0000, v9;
	v22 =	vand.u32 $0xFFFF0000, v22;
	v31 =	vand.u32 $0x1, v14  }
0x164: {  	v14 =	vsub.f32 v22, v34;
	v22 =	vadd.f32 v5, v24;
	v24 =	vand.u32 $0xFFFF0000, v26  }
0x165: {  	v20 =	vadd.f32 v20, v4;
	v5 =	vmul.f32 v5, v5;
	v24 =	vsub.f32 v24, v28  }
0x166: {  	v9 =	vsub.f32 v9, v32;
	v30 =	vsub.f32 v30, v27;
	[tilespmem:s23+$0x4510] =	vst v22;
	v22 =	vadd.s32 v31, v33  }
0x167: {  	v20 =	vadd.f32 v11, v20;
	v28 =	vadd.f32 v24, v28;
	v4 =	vmul.f32 v24, v24;
	v31 =	vld [tilespmem:s23+$0xC530]  }
0x168: {  	v23 =	vadd.s32 $0x7FFF, v23;
	v24 =	vadd.f32 v9, v32;
	v32 =	vadd.s32 $0x7FFF, v22;
	v22 =	vld [tilespmem:s23+$0xC560]  }
0x169: {  	v27 =	vadd.f32 v30, v27;
	v11 =	vsub.f32 v15, v37;
	v9 =	vmul.f32 v9, v9;
	v26 =	vld [tilespmem:s23+$0xC120];
	[tilespmem:s23+$0x4520] =	vst v28  }
.Ltmp1:
0x16a: {  	v33 =	vand.u32 $0xFFFF0000, v23;
	v15 =	vand.u32 $0xFFFF0000, v32;
	v28 =	vadd.f32 v14, v34;
	(pc) =	sbr.rel @p0 .LBB2_4-.Ltmp1, $4  }
0x16b: {  	v20 =	vadd.f32 v18, v20;
	v32 =	vadd.f32 v11, v37;
	[tilespmem:s23+$0x4140] =	vst v24;
	v24 =	vadd.s32 $0x7FFF, v25;
	v23 =	vld [tilespmem:s23+$0xC540]  }
0x16c: {  	v18 =	vmul.f32 v30, v30;
	[tilespmem:s23+$0x4110] =	vst v27;
	v25 =	vand.u32 $0xFFFF0000, v24;
	v15 =	vsub.f32 v15, v31  }
0x16d: {  	v30 =	vand.u32 $0x1, v21;
	v13 =	vadd.f32 v13, v20;
	v27 =	vand.u32 $0xFFFF0000, v29;
	v24 =	vld [tilespmem:s23+$0xC170];
	[tilespmem:s23+$0x4570] =	vst v32  }
0x16e: {  	s24 =	sadd.s32 $0x80, s24;
	s29 =	smov.u32 s26;
	v19 =	vand.u32 $0xFFFF0000, v19;
	v20 =	vsub.f32 v33, v26;
	v29 =	vadd.f32 v15, v31;
	v21 =	vld [tilespmem:s23+$0xC550]  }
0x16f: {  	_ = 	snop  }
0x170: {  	v6 =	vadd.s32 v30, v6;
	v19 =	vsub.f32 v19, v22;
	v30 =	vld [tilespmem:s23+$0xC130]  }
0x171: {  	[tilespmem:s23+$0x4150] =	vst v28;
	v8 =	vadd.f32 v17, v8;
	v26 =	vadd.f32 v20, v26;
	v6 =	vadd.s32 $0x7FFF, v6  }
0x172: {  	v10 =	vsub.f32 v10, v23;
	[tilespmem:s23+$0x4530] =	vst v29;
	v6 =	vand.u32 $0xFFFF0000, v6;
	v22 =	vadd.f32 v19, v22  }
0x173: {  	v16 =	vadd.s32 $0x7FFF, v16;
	[tilespmem:s23+$0x4100] =	vst v8;
	v6 =	vsub.f32 v6, v24;
	v17 =	vsub.f32 v27, v21  }
0x174: {  	v16 =	vand.u32 $0xFFFF0000, v16;
	[tilespmem:s23+$0x4560] =	vst v22;
	v22 =	vadd.f32 v10, v23;
	v23 =	vsub.f32 v25, v7  }
0x175: {  	[tilespmem:s23+$0x4120] =	vst v26;
	v8 =	vsub.f32 v16, v30;
	v16 =	vadd.f32 v6, v24  }
0x176: {  	[tilespmem:s23+$0x4540] =	vst v22;
	v21 =	vadd.f32 v17, v21  }
0x177: {  	v7 =	vadd.f32 v23, v7;
	[tilespmem:s23+$0x4170] =	vst v16  }
0x178: {  	v16 =	vadd.f32 v8, v30;
	[tilespmem:s23+$0x4550] =	vst v21  }
0x179: {  	[tilespmem:s23+$0x4500] =	vst v7  }
0x17a: {  	[tilespmem:s23+$0x4130] =	vst v16;
	s23 =	simm.s32 $0x0  }
0x17b: {  	[hbm4b:s9+s23] =	stream.linear.scatter [tilespmem:s25], [sflag:$0x5], $0x4000, $0x38;
	[tilespmem:$0x10180] =	vst v63  }
0x17c: {  	_ =	swait.ge [sflag:s15], $0x4000  }
0x17d: {  	[sflag:s15] =	ssyncset.done $0x0  }
0x17e: {  	[sflag:s15] =	ssyncadd.s32 $0xFFFFC000  }
0x17f: {  	v7 =	vld [tilespmem:$0xC0];
	_ =	sdelay $0x4  }
0x180: {  	v16 =	vshll.u32 v7, $0x1  }
0x181: {  	v7 =	vand.u32 $0x7, v7;
	v16 =	vand.u32 $0xFFFFFFF0, v16  }
0x182: {  	v7 =	vor.u32 v7, v16  }
0x183: {  	v16 =	vperm.xlane v7, v0;
	_ =	sdelay $0x1  }
0x184: {  	v7 =	vperm.xlane v7, v2;
	v16 =	vadd.s32 v1, v16;
	_ =	sdelay $0x1  }
0x185: {  	v7 =	vadd.s32 v1, v7;
	_ =	sdelay $0x2  }
0x186: {  	[tilespmem:s25], [sflag:$0x2] =	stream.indirect_vreg.gather [hbm4b:s1+s23], $0x80, v16, vm0, $0xb8;
	[tilespmem:$0x10180] =	vst v63  }
0x187: {  	s24 =	simm.s32 $0x4900  }
0x188: {  	[tilespmem:s24], [sflag:$0x2] =	stream.indirect_vreg.gather [hbm4b:s1+s23], $0x80, v7, vm0, $0xb8;
	[tilespmem:$0x10180] =	vst v63  }
0x189: {  	v7 =	vld [tilespmem:$0xD0];
	_ =	sdelay $0x4  }
0x18a: {  	v16 =	vshll.u32 v7, $0x1  }
0x18b: {  	v7 =	vand.u32 $0x7, v7;
	v16 =	vand.u32 $0xFFFFFFF0, v16  }
0x18c: {  	v7 =	vor.u32 v7, v16  }
0x18d: {  	v16 =	vperm.xlane v7, v0;
	_ =	sdelay $0x1  }
0x18e: {  	v7 =	vperm.xlane v7, v2;
	v16 =	vadd.s32 v1, v16;
	_ =	sdelay $0x1  }
0x18f: {  	v7 =	vadd.s32 v1, v7;
	_ =	sdelay $0x1  }
0x190: {  	s30 =	simm.s32 $0x5100  }
0x191: {  	[tilespmem:s30], [sflag:$0x2] =	stream.indirect_vreg.gather [hbm4b:s1+s23], $0x80, v16, vm0, $0xb8;
	[tilespmem:$0x10180] =	vst v63  }
0x192: {  	s26 =	simm.s32 $0x5900  }
0x193: {  	[tilespmem:s26], [sflag:$0x2] =	stream.indirect_vreg.gather [hbm4b:s1+s23], $0x80, v7, vm0, $0xb8;
	[tilespmem:$0x10180] =	vst v63  }
0x194: {  	v7 =	vld [tilespmem:$0xE0];
	_ =	sdelay $0x4  }
0x195: {  	v16 =	vshll.u32 v7, $0x1  }
0x196: {  	v7 =	vand.u32 $0x7, v7;
	v16 =	vand.u32 $0xFFFFFFF0, v16  }
0x197: {  	v7 =	vor.u32 v7, v16  }
0x198: {  	v16 =	vperm.xlane v7, v0;
	_ =	sdelay $0x1  }
0x199: {  	v7 =	vperm.xlane v7, v2;
	v16 =	vadd.s32 v1, v16;
	_ =	sdelay $0x1  }
0x19a: {  	v7 =	vadd.s32 v1, v7;
	_ =	sdelay $0x1  }
0x19b: {  	s28 =	simm.s32 $0x6100  }
0x19c: {  	[tilespmem:s28], [sflag:$0x2] =	stream.indirect_vreg.gather [hbm4b:s1+s23], $0x80, v16, vm0, $0xb8;
	[tilespmem:$0x10180] =	vst v63  }
0x19d: {  	_ = 	snop  }
0x19e: {  	[tilespmem:s31], [sflag:$0x2] =	stream.indirect_vreg.gather [hbm4b:s1+s23], $0x80, v7, vm0, $0xb8;
	[tilespmem:$0x10180] =	vst v63  }
0x19f: {  	v7 =	vld [tilespmem:$0xF0];
	_ =	sdelay $0x4  }
0x1a0: {  	v12 =	vadd.f32 v12, v13;
	v13 =	vshll.u32 v7, $0x1  }
0x1a1: {  	v7 =	vand.u32 $0x7, v7;
	v13 =	vand.u32 $0xFFFFFFF0, v13  }
0x1a2: {  	v12 =	vadd.f32 v18, v12;
	v16 =	vmul.f32 v20, v20;
	v7 =	vor.u32 v7, v13  }
0x1a3: {  	v13 =	vperm.xlane v7, v0  }
0x1a4: {  	v8 =	vmul.f32 v8, v8;
	v12 =	vadd.f32 v16, v12  }
0x1a5: {  	v7 =	vperm.xlane v7, v2;
	v13 =	vadd.s32 v1, v13  }
0x1a6: {  	v8 =	vadd.f32 v8, v12  }
0x1a7: {  	v7 =	vadd.s32 v1, v7  }
0x1a8: {  	v12 =	vmul.f32 v14, v14;
	v8 =	vadd.f32 v9, v8;
	_ =	sdelay $0x1  }
0x1a9: {  	v8 =	vadd.f32 v12, v8;
	[tilespmem:s0], [sflag:$0x2] =	stream.indirect_vreg.gather [hbm4b:s1+s23], $0x80, v13, vm0, $0xb8;
	[tilespmem:$0x10180] =	vst v63  }
0x1aa: {  	_ = 	snop  }
0x1ab: {  	v6 =	vmul.f32 v6, v6;
	v3 =	vadd.f32 v3, v8;
	[tilespmem:s2], [sflag:$0x2] =	stream.indirect_vreg.gather [hbm4b:s1+s23], $0x80, v7, vm0, $0xb8;
	[tilespmem:$0x10180] =	vst v63  }
0x1ac: {  	_ = 	snop  }
0x1ad: {  	v3 =	vadd.f32 v6, v3;
	v7 =	vmul.f32 v23, v23;
	[tilespmem:s17], [sflag:$0x4] =	stream.linear.gather [hbm4b:s10+s23], $0x4000, $0x38;
	[tilespmem:$0x10180] =	vst v63  }
0x1ae: {  	_ =	swait.ge [sflag:s18], $0x4000  }
0x1af: {  	v3 =	vadd.f32 v7, v3;
	[sflag:s18] =	ssyncset.done $0x0  }
0x1b0: {  	[sflag:s18] =	ssyncadd.s32 $0xFFFFC000  }
0x1b1: {  	v3 =	vadd.f32 v5, v3;
	_ =	swait.ge [sflag:s19], $0x4000  }
0x1b2: {  	s30 =	sand.u32 $0x3800, s23;
	s23 =	sand.u32 $0x380, s23;
	[sflag:s19] =	ssyncset.done $0x0  }
0x1b3: {  	s23 =	sor.u32 s23, s30;
	v5 =	vmul.f32 v15, v15;
	v3 =	vadd.f32 v4, v3;
	[sflag:s19] =	ssyncadd.s32 $0xFFFFC000  }
0x1b4: {  	v7 =	vld [tilespmem:s23+$0x570]  }
0x1b5: {  	v4 =	vmul.f32 v10, v10;
	v3 =	vadd.f32 v5, v3;
	v5 =	vld [tilespmem:s23+$0x560]  }
0x1b6: {  	v13 =	vld [tilespmem:s23+$0x140]  }
0x1b7: {  	v8 =	vmul.f32 v17, v17;
	v14 =	vld [tilespmem:s23+$0x110];
	v3 =	vadd.f32 v4, v3  }
0x1b8: {  	v18 =	vld [tilespmem:s23+$0x500]  }
0x1b9: {  	v9 =	vmul.f32 v19, v19;
	v4 =	vld [tilespmem:s23+$0x170];
	v3 =	vadd.f32 v8, v3;
	_ =	sdelay $0x1  }
0x1ba: {  	v11 =	vmul.f32 v11, v11;
	v6 =	vld [tilespmem:s23+$0x160];
	v3 =	vadd.f32 v9, v3;
	v9 =	vshrl.u32 v7, $0x10  }
0x1bb: {  	v8 =	vld [tilespmem:s23+$0x540];
	v15 =	vshrl.u32 v5, $0x10;
	v20 =	vshrl.u32 v13, $0x10;
	v24 =	vshrl.u32 v14, $0x10  }
0x1bc: {  	v10 =	vld [tilespmem:s23+$0x150];
	v30 =	vshrl.u32 v18, $0x10;
	v9 =	vand.u32 $0x1, v9;
	v15 =	vand.u32 $0x1, v15  }
0x1bd: {  	v25 =	vshrl.u32 v4, $0x10;
	v20 =	vand.u32 $0x1, v20;
	v24 =	vand.u32 $0x1, v24  }
0x1be: {  	v30 =	vand.u32 $0x1, v30;
	v11 =	vadd.f32 v11, v3;
	v3 =	vadd.s32 v9, v7  }
0x1bf: {  	v16 =	vld [tilespmem:s23+$0x550];
	v5 =	vadd.s32 v15, v5;
	v14 =	vadd.s32 v24, v14;
	v13 =	vadd.s32 v20, v13  }
0x1c0: {  	v17 =	vld [tilespmem:s23+$0x8160];
	v3 =	vadd.s32 $0x7FFF, v3;
	v15 =	vshrl.u32 v8, $0x10;
	v31 =	vadd.s32 $0x7FFF, v5  }
0x1c1: {  	v22 =	vld [tilespmem:s23+$0x8140];
	v5 =	vshrl.u32 v10, $0x10;
	v19 =	vand.u32 $0xFFFF0000, v3;
	v3 =	vshrl.u32 v6, $0x10  }
0x1c2: {  	v12 =	vld [tilespmem:s23+$0x120];
	v14 =	vadd.s32 $0x7FFF, v14;
	v13 =	vadd.s32 $0x7FFF, v13;
	v3 =	vand.u32 $0x1, v3  }
0x1c3: {  	v9 =	vld [tilespmem:s23+$0x100];
	v21 =	vand.u32 $0x1, v5;
	v5 =	vand.u32 $0x1, v15;
	v3 =	vadd.s32 v3, v6  }
0x1c4: {  	v7 =	vld [tilespmem:s23+$0x130];
	v14 =	vand.u32 $0xFFFF0000, v14;
	v13 =	vand.u32 $0xFFFF0000, v13;
	v3 =	vadd.s32 $0x7FFF, v3  }
0x1c5: {  	v26 =	vld [tilespmem:s23+$0x510];
	v5 =	vadd.s32 v5, v8;
	v8 =	vshrl.u32 v16, $0x10;
	v3 =	vand.u32 $0xFFFF0000, v3  }
0x1c6: {  	v21 =	vadd.s32 v21, v10;
	v13 =	vsub.f32 v13, v22;
	v3 =	vsub.f32 v3, v17  }
0x1c7: {  	v15 =	vld [tilespmem:s23+$0x8110];
	v6 =	vshrl.u32 v12, $0x10;
	v27 =	vadd.s32 $0x7FFF, v5;
	v21 =	vadd.s32 $0x7FFF, v21  }
0x1c8: {  	v24 =	vld [tilespmem:s23+$0x520];
	v6 =	vand.u32 $0x1, v6;
	v29 =	vshrl.u32 v9, $0x10;
	v17 =	vadd.f32 v3, v17  }
0x1c9: {  	v10 =	vshrl.u32 v7, $0x10;
	v21 =	vand.u32 $0xFFFF0000, v21;
	v22 =	vadd.f32 v13, v22  }
0x1ca: {  	v29 =	vand.u32 $0x1, v29;
	v10 =	vand.u32 $0x1, v10;
	[tilespmem:s23+$0x160] =	vst v17;
	v17 =	vshrl.u32 v26, $0x10  }
0x1cb: {  	v62 =	vld [tilespmem:s23+$0x8520];
	v9 =	vadd.s32 v29, v9;
	v29 =	vand.u32 $0x1, v8;
	v17 =	vand.u32 $0x1, v17  }
0x1cc: {  	v20 =	vld [tilespmem:s23+$0x8510];
	v63 =	vsub.f32 v14, v15;
	v32 =	vadd.s32 $0x7FFF, v9;
	v17 =	vadd.s32 v17, v26  }
0x1cd: {  	v8 =	vld [tilespmem:s23+$0x8100];
	v26 =	vadd.s32 v6, v12;
	v6 =	vadd.s32 $0x7FFF, v17;
	v17 =	vshrl.u32 v24, $0x10  }
0x1ce: {  	v9 =	vand.u32 $0xFFFF0000, v27;
	v12 =	vadd.s32 v10, v7;
	v7 =	vld [tilespmem:s23+$0x530];
	v17 =	vand.u32 $0x1, v17  }
0x1cf: {  	v16 =	vadd.s32 v29, v16;
	v29 =	vadd.s32 v30, v18;
	v17 =	vadd.s32 v17, v24  }
0x1d0: {  	v23 =	vld [tilespmem:s23+$0x8150];
	v27 =	vand.u32 $0xFFFF0000, v32;
	v6 =	vand.u32 $0xFFFF0000, v6;
	v17 =	vadd.s32 $0x7FFF, v17  }
0x1d1: {  	v3 =	vmul.f32 v3, v3;
	v6 =	vsub.f32 v6, v20;
	v17 =	vand.u32 $0xFFFF0000, v17  }
0x1d2: {  	v28 =	vld [tilespmem:s23+$0x8570];
	v16 =	vadd.s32 $0x7FFF, v16;
	v10 =	vsub.f32 v27, v8;
	v27 =	vsub.f32 v17, v62  }
0x1d3: {  	v29 =	vadd.s32 $0x7FFF, v29;
	v24 =	vadd.f32 v6, v20;
	v17 =	vshrl.u32 v7, $0x10  }
0x1d4: {  	v33 =	vld [tilespmem:s23+$0x8530];
	v20 =	vmul.f32 v10, v10;
	v17 =	vand.u32 $0x1, v17;
	v30 =	vadd.f32 v27, v62  }
0x1d5: {  	v14 =	vadd.s32 v17, v7;
	v17 =	vsub.f32 v21, v23;
	v7 =	vmul.f32 v6, v6  }
0x1d6: {  	[tilespmem:s23+$0x510] =	vst v24;
	v24 =	vld [tilespmem:s23+$0x8120];
	v6 =	vmul.f32 v27, v27;
	v21 =	vadd.s32 $0x7FFF, v26;
	v27 =	vadd.f32 v63, v15  }
0x1d7: {  	v5 =	vld [tilespmem:s23+$0x8500];
	v15 =	vsub.f32 v19, v28;
	v19 =	vadd.s32 $0x7FFF, v14;
	v14 =	vmul.f32 v13, v13  }
0x1d8: {  	[tilespmem:s23+$0x140] =	vst v22;
	v18 =	vld [tilespmem:s23+$0x8560];
	v21 =	vand.u32 $0xFFFF0000, v21;
	v26 =	vadd.f32 v17, v23;
	v13 =	vand.u32 $0xFFFF0000, v19  }
0x1d9: {  	v22 =	vld [tilespmem:s23+$0x8540];
	v28 =	vadd.f32 v15, v28;
	[tilespmem:s23+$0x110] =	vst v27;
	v27 =	vmul.f32 v63, v63;
	v19 =	vsub.f32 v13, v33  }
0x1da: {  	[tilespmem:s23+$0x520] =	vst v30;
	v23 =	vld [tilespmem:s23+$0x8170];
	v30 =	vand.u32 $0x1, v25;
	v25 =	vand.u32 $0xFFFF0000, v16;
	v16 =	vand.u32 $0xFFFF0000, v31  }
0x1db: {  	s29 =	simm.s32 $0x100;
	s24 =	simm.s32 $0x80;
	v13 =	vand.u32 $0xFFFF0000, v29;
	[tilespmem:s23+$0x570] =	vst v28;
	v28 =	vsub.f32 v21, v24;
	v21 =	vld [tilespmem:s23+$0x8550];
	v29 =	vadd.f32 v19, v33  }
.LBB2_6:
0x1dc: {  	s26 =	smov.u32 s29  }
0x1dd: {  	s28 =	sand.u32 $0x3800, s29;
	s30 =	sand.u32 $0x380, s24;
	v11 =	vadd.f32 v20, v11;
	v4 =	vadd.s32 v30, v4;
	v16 =	vsub.f32 v16, v18;
	s26 =	sadd.s32 $0x100, s29  }
0x1de: {  	p0 =	sne.s32 s29, $0x3F00;
	s28 =	sor.u32 s30, s28;
	v20 =	vadd.f32 v28, v24;
	v4 =	vadd.s32 $0x7FFF, v4;
	v9 =	vsub.f32 v9, v22;
	v24 =	vld [tilespmem:s23+$0x8130];
	[tilespmem:s23+$0x150] =	vst v26  }
0x1df: {  	v11 =	vadd.f32 v27, v11;
	v4 =	vand.u32 $0xFFFF0000, v4;
	v18 =	vadd.f32 v16, v18;
	v26 =	vld [tilespmem:s28+$0x160];
	[tilespmem:s23+$0x530] =	vst v29  }
0x1e0: {  	v8 =	vadd.f32 v10, v8;
	v12 =	vadd.s32 $0x7FFF, v12;
	v10 =	vmul.f32 v28, v28;
	v27 =	vld [tilespmem:s28+$0x570];
	[tilespmem:s23+$0x120] =	vst v20  }
0x1e1: {  	v17 =	vmul.f32 v17, v17;
	v4 =	vsub.f32 v4, v23;
	v25 =	vsub.f32 v25, v21;
	v20 =	vld [tilespmem:s28+$0x150];
	[tilespmem:s23+$0x560] =	vst v18  }
0x1e2: {  	v18 =	vadd.f32 v9, v22;
	v28 =	vld [tilespmem:s28+$0x560];
	[tilespmem:s23+$0x100] =	vst v8;
	v8 =	vand.u32 $0xFFFF0000, v12;
	v12 =	vsub.f32 v13, v5  }
0x1e3: {  	v23 =	vadd.f32 v4, v23;
	v13 =	vmul.f32 v16, v16;
	v22 =	vld [tilespmem:s28+$0x120];
	v8 =	vsub.f32 v8, v24  }
0x1e4: {  	v10 =	vadd.f32 v10, v11;
	v11 =	vmul.f32 v15, v15;
	v29 =	vld [tilespmem:s28+$0x140];
	[tilespmem:s23+$0x540] =	vst v18;
	v18 =	vmul.f32 v9, v9  }
0x1e5: {  	v16 =	vadd.f32 v25, v21;
	v9 =	vld [tilespmem:s28+$0x540];
	v15 =	vshrl.u32 v27, $0x10;
	[tilespmem:s23+$0x170] =	vst v23;
	v23 =	vmul.f32 v4, v4  }
0x1e6: {  	v21 =	vadd.f32 v8, v24;
	v24 =	vmul.f32 v19, v19;
	v4 =	vld [tilespmem:s28+$0x170];
	v15 =	vand.u32 $0x1, v15  }
0x1e7: {  	v8 =	vmul.f32 v8, v8;
	v30 =	vld [tilespmem:s28+$0x110];
	v19 =	vshrl.u32 v28, $0x10;
	v15 =	vadd.s32 v15, v27;
	[tilespmem:s23+$0x550] =	vst v16  }
0x1e8: {  	v5 =	vadd.f32 v12, v5;
	v27 =	vld [tilespmem:s28+$0x550];
	v16 =	vand.u32 $0x1, v19;
	v19 =	vadd.s32 $0x7FFF, v15;
	[tilespmem:s23+$0x130] =	vst v21  }
0x1e9: {  	v8 =	vadd.f32 v8, v10;
	v15 =	vmul.f32 v25, v25;
	v31 =	vld [tilespmem:s28+$0x130];
	v16 =	vadd.s32 v16, v28  }
0x1ea: {  	v12 =	vmul.f32 v12, v12;
	v10 =	vld [tilespmem:s28+$0x100];
	v25 =	vshrl.u32 v9, $0x10;
	v16 =	vadd.s32 $0x7FFF, v16;
	[tilespmem:s23+$0x500] =	vst v5;
	s23 =	smov.u32 s28  }
0x1eb: {  	v19 =	vand.u32 $0xFFFF0000, v19;
	v8 =	vadd.f32 v14, v8;
	v5 =	vshrl.u32 v20, $0x10;
	v28 =	vld [tilespmem:s23+$0x500]  }
0x1ec: {  	v14 =	vshrl.u32 v29, $0x10;
	v33 =	vand.u32 $0x1, v5;
	v21 =	vshrl.u32 v4, $0x10;
	v32 =	vld [tilespmem:s23+$0x8140]  }
0x1ed: {  	v14 =	vand.u32 $0x1, v14;
	v5 =	vand.u32 $0x1, v25;
	v17 =	vadd.f32 v17, v8;
	v34 =	vld [tilespmem:s23+$0x8150]  }
0x1ee: {  	v8 =	vshrl.u32 v22, $0x10;
	v5 =	vadd.s32 v5, v9;
	v9 =	vshrl.u32 v27, $0x10;
	v25 =	vld [tilespmem:s23+$0x8110]  }
0x1ef: {  	v35 =	vshrl.u32 v30, $0x10;
	v36 =	vand.u32 $0x1, v8;
	v8 =	vadd.s32 $0x7FFF, v5;
	v37 =	vld [tilespmem:s23+$0x8570]  }
0x1f0: {  	v39 =	vshrl.u32 v26, $0x10;
	v38 =	vshrl.u32 v10, $0x10;
	v40 =	vshrl.u32 v28, $0x10;
	v5 =	vld [tilespmem:s23+$0x8500]  }
0x1f1: {  	v35 =	vand.u32 $0x1, v35;
	v38 =	vand.u32 $0x1, v38;
	v41 =	vld [tilespmem:s23+$0x8160];
	v40 =	vand.u32 $0x1, v40  }
0x1f2: {  	v10 =	vadd.s32 v38, v10;
	v38 =	vand.u32 $0x1, v39;
	v39 =	vand.u32 $0x1, v9  }
0x1f3: {  	v9 =	vand.u32 $0xFFFF0000, v8;
	v10 =	vadd.s32 $0x7FFF, v10;
	v26 =	vadd.s32 v38, v26  }
0x1f4: {  	v3 =	vadd.f32 v3, v17;
	v30 =	vadd.s32 v35, v30;
	v26 =	vadd.s32 $0x7FFF, v26;
	v8 =	vld [tilespmem:s23+$0x8100]  }
0x1f5: {  	v17 =	vadd.s32 $0x7FFF, v30;
	v30 =	vshrl.u32 v31, $0x10;
	v26 =	vand.u32 $0xFFFF0000, v26;
	v35 =	vld [tilespmem:s23+$0x510]  }
0x1f6: {  	v14 =	vadd.s32 v14, v29;
	v29 =	vadd.s32 v33, v20;
	v20 =	vsub.f32 v26, v41  }
0x1f7: {  	v14 =	vadd.s32 $0x7FFF, v14;
	v23 =	vadd.f32 v23, v3;
	v10 =	vand.u32 $0xFFFF0000, v10;
	v26 =	vld [tilespmem:s23+$0x520]  }
0x1f8: {  	v22 =	vadd.s32 v36, v22;
	v33 =	vadd.f32 v20, v41;
	v3 =	vmul.f32 v20, v20  }
0x1f9: {  	v23 =	vadd.f32 v12, v23;
	v20 =	vand.u32 $0x1, v30;
	v10 =	vsub.f32 v10, v8  }
0x1fa: {  	v30 =	vand.u32 $0xFFFF0000, v17;
	v12 =	vadd.s32 v20, v31;
	[tilespmem:s23+$0x160] =	vst v33;
	v17 =	vshrl.u32 v35, $0x10;
	v31 =	vld [tilespmem:s23+$0x8510]  }
0x1fb: {  	v7 =	vadd.f32 v7, v23;
	v20 =	vmul.f32 v10, v10;
	v17 =	vand.u32 $0x1, v17;
	v33 =	vld [tilespmem:s23+$0x530]  }
0x1fc: {  	v27 =	vadd.s32 v39, v27;
	v17 =	vadd.s32 v17, v35;
	v23 =	vshrl.u32 v26, $0x10  }
0x1fd: {  	v6 =	vadd.f32 v6, v7;
	v17 =	vadd.s32 $0x7FFF, v17;
	v23 =	vand.u32 $0x1, v23  }
0x1fe: {  	v35 =	vadd.s32 $0x7FFF, v27;
	v7 =	vand.u32 $0xFFFF0000, v17;
	v17 =	vadd.s32 v23, v26;
	v23 =	vld [tilespmem:s23+$0x8520]  }
0x1ff: {  	v6 =	vadd.f32 v24, v6;
	v26 =	vadd.s32 $0x7FFF, v29;
	v7 =	vsub.f32 v7, v31  }
0x200: {  	v27 =	vadd.s32 v40, v28;
	v24 =	vadd.s32 $0x7FFF, v17;
	v17 =	vshrl.u32 v33, $0x10  }
0x201: {  	v14 =	vand.u32 $0xFFFF0000, v14;
	v26 =	vand.u32 $0xFFFF0000, v26;
	v28 =	vand.u32 $0x1, v17  }
0x202: {  	v24 =	vand.u32 $0xFFFF0000, v24;
	v17 =	vsub.f32 v26, v34;
	v26 =	vadd.f32 v7, v31  }
0x203: {  	v18 =	vadd.f32 v18, v6;
	v7 =	vmul.f32 v7, v7;
	v24 =	vsub.f32 v24, v23  }
0x204: {  	v14 =	vsub.f32 v14, v32;
	v29 =	vsub.f32 v30, v25;
	[tilespmem:s23+$0x510] =	vst v26;
	v26 =	vadd.s32 v28, v33  }
0x205: {  	v28 =	vadd.f32 v15, v18;
	v23 =	vadd.f32 v24, v23;
	v6 =	vmul.f32 v24, v24;
	v31 =	vld [tilespmem:s23+$0x8530]  }
0x206: {  	v22 =	vadd.s32 $0x7FFF, v22;
	v30 =	vadd.f32 v14, v32;
	v32 =	vadd.s32 $0x7FFF, v26;
	v18 =	vld [tilespmem:s23+$0x8560]  }
0x207: {  	v14 =	vmul.f32 v14, v14;
	v25 =	vadd.f32 v29, v25;
	v15 =	vsub.f32 v19, v37;
	v24 =	vld [tilespmem:s23+$0x8120];
	[tilespmem:s23+$0x520] =	vst v23  }
.Ltmp2:
0x208: {  	v33 =	vand.u32 $0xFFFF0000, v22;
	v26 =	vadd.f32 v17, v34;
	v19 =	vand.u32 $0xFFFF0000, v32;
	(pc) =	sbr.rel @p0 .LBB2_6-.Ltmp2, $4  }
0x209: {  	v32 =	vadd.f32 v15, v37;
	v28 =	vadd.f32 v13, v28;
	v23 =	vadd.s32 $0x7FFF, v27;
	[tilespmem:s23+$0x140] =	vst v30;
	v22 =	vld [tilespmem:s23+$0x8540]  }
0x20a: {  	v27 =	vmul.f32 v29, v29;
	v13 =	vand.u32 $0xFFFF0000, v23;
	[tilespmem:s23+$0x110] =	vst v25;
	v19 =	vsub.f32 v19, v31  }
0x20b: {  	v11 =	vadd.f32 v11, v28;
	v30 =	vand.u32 $0x1, v21;
	v25 =	vand.u32 $0xFFFF0000, v35;
	v23 =	vld [tilespmem:s23+$0x8170];
	[tilespmem:s23+$0x570] =	vst v32  }
0x20c: {  	s24 =	sadd.s32 $0x80, s24;
	s29 =	smov.u32 s26;
	v16 =	vand.u32 $0xFFFF0000, v16;
	v28 =	vsub.f32 v33, v24;
	v29 =	vadd.f32 v19, v31;
	v21 =	vld [tilespmem:s23+$0x8550]  }
0x20d: {  	v31 =	vld [tilespmem:s23+$0x8130];
	v11 =	vadd.f32 v20, v11;
	v4 =	vadd.s32 v30, v4  }
0x20e: {  	v16 =	vsub.f32 v16, v18;
	v12 =	vadd.s32 $0x7FFF, v12;
	v8 =	vadd.f32 v10, v8  }
0x20f: {  	[tilespmem:s23+$0x150] =	vst v26;
	v13 =	vsub.f32 v13, v5;
	v20 =	vadd.f32 v28, v24;
	v4 =	vadd.s32 $0x7FFF, v4  }
0x210: {  	v9 =	vsub.f32 v9, v22;
	[tilespmem:s23+$0x530] =	vst v29;
	v10 =	vand.u32 $0xFFFF0000, v12;
	v11 =	vadd.f32 v27, v11  }
0x211: {  	v4 =	vand.u32 $0xFFFF0000, v4;
	v18 =	vadd.f32 v16, v18;
	[tilespmem:s23+$0x100] =	vst v8;
	v5 =	vadd.f32 v13, v5  }
0x212: {  	v12 =	vmul.f32 v28, v28;
	[tilespmem:s23+$0x120] =	vst v20;
	v4 =	vsub.f32 v4, v23;
	v10 =	vsub.f32 v10, v31  }
0x213: {  	v20 =	vsub.f32 v25, v21;
	[tilespmem:s23+$0x560] =	vst v18;
	v18 =	vadd.f32 v9, v22  }
0x214: {  	v11 =	vadd.f32 v12, v11;
	[tilespmem:s23+$0x500] =	vst v5;
	v8 =	vadd.f32 v4, v23;
	v12 =	vmul.f32 v10, v10  }
0x215: {  	[tilespmem:s23+$0x540] =	vst v18;
	v18 =	vadd.f32 v20, v21  }
0x216: {  	[tilespmem:s23+$0x170] =	vst v8;
	v8 =	vadd.f32 v10, v31;
	v10 =	vadd.f32 v12, v11  }
0x217: {  	[tilespmem:s23+$0x550] =	vst v18  }
0x218: {  	s30 =	simm.s32 $0x0;
	v11 =	vmul.f32 v17, v17;
	[tilespmem:s23+$0x130] =	vst v8;
	v8 =	vadd.f32 v14, v10  }
0x219: {  	[hbm4b:s11+s30] =	stream.linear.scatter [tilespmem:s16], [sflag:$0x5], $0x4000, $0x38;
	[tilespmem:$0x10180] =	vst v63  }
0x21a: {  	_ =	swait.ge [sflag:s15], $0x4000;
	v5 =	vadd.f32 v11, v8  }
0x21b: {  	[sflag:s15] =	ssyncset.done $0x0  }
0x21c: {  	v4 =	vmul.f32 v4, v4;
	[sflag:s15] =	ssyncadd.s32 $0xFFFFC000;
	v3 =	vadd.f32 v3, v5  }
0x21d: {  	_ =	swait.ge [sflag:s20], $0x4000  }
0x21e: {  	v5 =	vmul.f32 v13, v13;
	[sflag:s20] =	ssyncset.done $0x0;
	v3 =	vadd.f32 v4, v3  }
0x21f: {  	[sflag:s20] =	ssyncadd.s32 $0xFFFFC000  }
0x220: {  	_ =	swait.ge [sflag:s21], $0x4000;
	v3 =	vadd.f32 v5, v3  }
0x221: {  	s24 =	sand.u32 $0x3800, s30;
	s23 =	sand.u32 $0x380, s30;
	[sflag:s21] =	ssyncset.done $0x0  }
0x222: {  	s23 =	sor.u32 s23, s24;
	[sflag:s21] =	ssyncadd.s32 $0xFFFFC000;
	v3 =	vadd.f32 v7, v3  }
0x223: {  	v8 =	vld [tilespmem:s23+$0x4560]  }
0x224: {  	v4 =	vmul.f32 v19, v19;
	v12 =	vld [tilespmem:s23+$0x4140];
	v3 =	vadd.f32 v6, v3  }
0x225: {  	v14 =	vld [tilespmem:s23+$0x4110]  }
0x226: {  	v10 =	vld [tilespmem:s23+$0x4150];
	v7 =	vmul.f32 v9, v9;
	v3 =	vadd.f32 v4, v3  }
0x227: {  	v11 =	vmul.f32 v15, v15;
	v6 =	vld [tilespmem:s23+$0x4570]  }
0x228: {  	v13 =	vld [tilespmem:s23+$0x4540];
	v4 =	vmul.f32 v20, v20;
	v15 =	vshrl.u32 v8, $0x10;
	v3 =	vadd.f32 v7, v3  }
0x229: {  	v9 =	vmul.f32 v16, v16;
	v20 =	vld [tilespmem:s23+$0x4500];
	v18 =	vshrl.u32 v12, $0x10;
	v15 =	vand.u32 $0x1, v15  }
0x22a: {  	v5 =	vld [tilespmem:s23+$0x4160];
	v23 =	vshrl.u32 v14, $0x10;
	v8 =	vadd.s32 v15, v8;
	v3 =	vadd.f32 v4, v3  }
0x22b: {  	v18 =	vand.u32 $0x1, v18;
	v23 =	vand.u32 $0x1, v23;
	v7 =	vld [tilespmem:s23+$0x4120];
	v31 =	vadd.s32 $0x7FFF, v8  }
0x22c: {  	v8 =	vshrl.u32 v10, $0x10;
	v4 =	vld [tilespmem:s23+$0x4170];
	v3 =	vadd.f32 v9, v3;
	v9 =	vshrl.u32 v6, $0x10  }
0x22d: {  	v16 =	vld [tilespmem:s23+$0x4550];
	v15 =	vshrl.u32 v13, $0x10;
	v21 =	vand.u32 $0x1, v8;
	v9 =	vand.u32 $0x1, v9  }
0x22e: {  	v30 =	vshrl.u32 v20, $0x10;
	v11 =	vadd.f32 v11, v3;
	v3 =	vadd.s32 v9, v6;
	v6 =	vld [tilespmem:s23+$0x4130]  }
0x22f: {  	v21 =	vadd.s32 v21, v10;
	v30 =	vand.u32 $0x1, v30;
	v9 =	vld [tilespmem:s23+$0x4100];
	v3 =	vadd.s32 $0x7FFF, v3  }
0x230: {  	v17 =	vld [tilespmem:s23+$0xC160];
	v8 =	vshrl.u32 v7, $0x10;
	v19 =	vand.u32 $0xFFFF0000, v3;
	v3 =	vshrl.u32 v5, $0x10  }
0x231: {  	v26 =	vand.u32 $0x1, v8;
	v24 =	vshrl.u32 v4, $0x10;
	v3 =	vand.u32 $0x1, v3  }
0x232: {  	v26 =	vadd.s32 v26, v7;
	v3 =	vadd.s32 v3, v5;
	v5 =	vand.u32 $0x1, v15  }
0x233: {  	v3 =	vadd.s32 $0x7FFF, v3;
	v5 =	vadd.s32 v5, v13;
	v13 =	vshrl.u32 v16, $0x10  }
0x234: {  	v27 =	vld [tilespmem:s23+$0x4510];
	v8 =	vshrl.u32 v9, $0x10;
	v10 =	vshrl.u32 v6, $0x10;
	v3 =	vand.u32 $0xFFFF0000, v3  }
0x235: {  	v5 =	vadd.s32 $0x7FFF, v5;
	v8 =	vand.u32 $0x1, v8;
	v28 =	vsub.f32 v3, v17  }
0x236: {  	v32 =	vand.u32 $0x1, v13;
	v10 =	vand.u32 $0x1, v10;
	v9 =	vadd.s32 v8, v9;
	v8 =	vld [tilespmem:s23+$0xC100]  }
0x237: {  	v22 =	vld [tilespmem:s23+$0xC140];
	v13 =	vadd.s32 $0x7FFF, v9;
	v9 =	vand.u32 $0xFFFF0000, v5;
	v17 =	vadd.f32 v28, v17  }
0x238: {  	v5 =	vadd.s32 v23, v14;
	v14 =	vld [tilespmem:s23+$0x4520];
	v23 =	vand.u32 $0xFFFF0000, v13;
	v13 =	vadd.s32 v10, v6  }
0x239: {  	[tilespmem:s23+$0x4160] =	vst v17;
	v17 =	vadd.s32 $0x7FFF, v5;
	v5 =	vadd.s32 v18, v12;
	v12 =	vshrl.u32 v27, $0x10;
	v18 =	vld [tilespmem:s23+$0xC510]  }
0x23a: {  	v25 =	vld [tilespmem:s23+$0xC150];
	v12 =	vand.u32 $0x1, v12;
	v33 =	vadd.s32 $0x7FFF, v5;
	v5 =	vmul.f32 v28, v28  }
0x23b: {  	v15 =	vld [tilespmem:s23+$0xC110];
	v10 =	vsub.f32 v23, v8;
	v23 =	vand.u32 $0xFFFF0000, v17;
	v12 =	vadd.s32 v12, v27  }
0x23c: {  	v6 =	vld [tilespmem:s23+$0x4530];
	v17 =	vadd.s32 $0x7FFF, v21;
	v28 =	vadd.s32 v30, v20;
	v7 =	vadd.s32 $0x7FFF, v12  }
0x23d: {  	v27 =	vld [tilespmem:s23+$0xC520];
	v21 =	vand.u32 $0xFFFF0000, v33;
	v12 =	vshrl.u32 v14, $0x10;
	v7 =	vand.u32 $0xFFFF0000, v7  }
0x23e: {  	v20 =	vand.u32 $0xFFFF0000, v17;
	v12 =	vand.u32 $0x1, v12;
	v7 =	vsub.f32 v7, v18  }
0x23f: {  	v21 =	vsub.f32 v21, v22;
	v20 =	vsub.f32 v20, v25;
	v12 =	vadd.s32 v12, v14  }
0x240: {  	v29 =	vld [tilespmem:s23+$0xC570];
	v14 =	vadd.s32 v32, v16;
	v12 =	vadd.s32 $0x7FFF, v12;
	v16 =	vadd.f32 v7, v18  }
0x241: {  	v30 =	vsub.f32 v23, v15;
	v22 =	vadd.f32 v21, v22;
	v12 =	vand.u32 $0xFFFF0000, v12  }
0x242: {  	v25 =	vadd.f32 v20, v25;
	v12 =	vsub.f32 v12, v27;
	[tilespmem:s23+$0x4510] =	vst v16;
	v16 =	vshrl.u32 v6, $0x10  }
0x243: {  	v63 =	vld [tilespmem:s23+$0xC530];
	v14 =	vadd.s32 $0x7FFF, v14;
	v18 =	vmul.f32 v10, v10;
	v16 =	vand.u32 $0x1, v16  }
0x244: {  	v23 =	vld [tilespmem:s23+$0xC120];
	v27 =	vadd.f32 v12, v27;
	v16 =	vadd.s32 v16, v6;
	v6 =	vmul.f32 v12, v12  }
0x245: {  	v12 =	vadd.s32 $0x7FFF, v26;
	v26 =	vadd.f32 v30, v15;
	v15 =	vsub.f32 v19, v29  }
0x246: {  	v3 =	vld [tilespmem:s23+$0xC500];
	v7 =	vmul.f32 v7, v7;
	[tilespmem:s23+$0x4140] =	vst v22;
	v19 =	vadd.s32 $0x7FFF, v16;
	v16 =	vmul.f32 v21, v21  }
0x247: {  	v17 =	vld [tilespmem:s23+$0xC560];
	[tilespmem:s23+$0x4520] =	vst v27;
	v27 =	vand.u32 $0xFFFF0000, v12;
	v12 =	vand.u32 $0xFFFF0000, v19;
	v19 =	vadd.f32 v15, v29  }
0x248: {  	v22 =	vld [tilespmem:s23+$0xC540];
	[tilespmem:s23+$0x4110] =	vst v26;
	v26 =	vadd.s32 $0x7FFF, v28;
	v29 =	vmul.f32 v30, v30;
	v21 =	vsub.f32 v12, v63  }
0x249: {  	v30 =	vand.u32 $0x1, v24;
	v24 =	vand.u32 $0xFFFF0000, v14;
	v27 =	vsub.f32 v27, v23;
	v12 =	vld [tilespmem:s23+$0xC170]  }
0x24a: {  	s29 =	simm.s32 $0x100;
	s24 =	simm.s32 $0x80;
	v14 =	vand.u32 $0xFFFF0000, v31;
	v26 =	vand.u32 $0xFFFF0000, v26;
	[tilespmem:s23+$0x4570] =	vst v19;
	v19 =	vld [tilespmem:s23+$0xC550];
	v28 =	vadd.f32 v21, v63  }
.LBB2_8:
0x24b: {  	s26 =	smov.u32 s29  }
0x24c: {  	s28 =	sand.u32 $0x3800, s29;
	s30 =	sand.u32 $0x380, s24;
	v11 =	vadd.f32 v18, v11;
	v4 =	vadd.s32 v30, v4;
	v14 =	vsub.f32 v14, v17;
	s26 =	sadd.s32 $0x100, s29  }
0x24d: {  	p0 =	sne.s32 s29, $0x3F00;
	s28 =	sor.u32 s30, s28;
	v18 =	vadd.f32 v27, v23;
	v4 =	vadd.s32 $0x7FFF, v4;
	v9 =	vsub.f32 v9, v22;
	v23 =	vld [tilespmem:s23+$0xC130];
	[tilespmem:s23+$0x4150] =	vst v25  }
0x24e: {  	v11 =	vadd.f32 v29, v11;
	v4 =	vand.u32 $0xFFFF0000, v4;
	v17 =	vadd.f32 v14, v17;
	v25 =	vld [tilespmem:s28+$0x4160];
	[tilespmem:s23+$0x4530] =	vst v28  }
0x24f: {  	v8 =	vadd.f32 v10, v8;
	v13 =	vadd.s32 $0x7FFF, v13;
	v10 =	vmul.f32 v27, v27;
	v28 =	vld [tilespmem:s28+$0x4570];
	[tilespmem:s23+$0x4120] =	vst v18  }
0x250: {  	v20 =	vmul.f32 v20, v20;
	v4 =	vsub.f32 v4, v12;
	v24 =	vsub.f32 v24, v19;
	v18 =	vld [tilespmem:s28+$0x4150];
	[tilespmem:s23+$0x4560] =	vst v17  }
0x251: {  	v17 =	vadd.f32 v9, v22;
	v27 =	vld [tilespmem:s28+$0x4560];
	[tilespmem:s23+$0x4100] =	vst v8;
	v8 =	vand.u32 $0xFFFF0000, v13;
	v13 =	vsub.f32 v26, v3  }
0x252: {  	v26 =	vadd.f32 v4, v12;
	v12 =	vmul.f32 v14, v14;
	v22 =	vld [tilespmem:s28+$0x4120];
	v8 =	vsub.f32 v8, v23  }
0x253: {  	v10 =	vadd.f32 v10, v11;
	v11 =	vmul.f32 v15, v15;
	v29 =	vld [tilespmem:s28+$0x4140];
	[tilespmem:s23+$0x4540] =	vst v17;
	v17 =	vmul.f32 v9, v9  }
0x254: {  	v15 =	vadd.f32 v24, v19;
	v9 =	vld [tilespmem:s28+$0x4540];
	v14 =	vshrl.u32 v28, $0x10;
	[tilespmem:s23+$0x4170] =	vst v26;
	v26 =	vmul.f32 v4, v4  }
0x255: {  	v19 =	vadd.f32 v8, v23;
	v23 =	vmul.f32 v21, v21;
	v4 =	vld [tilespmem:s28+$0x4170];
	v14 =	vand.u32 $0x1, v14  }
0x256: {  	v8 =	vmul.f32 v8, v8;
	v30 =	vld [tilespmem:s28+$0x4110];
	v21 =	vshrl.u32 v27, $0x10;
	v14 =	vadd.s32 v14, v28;
	[tilespmem:s23+$0x4550] =	vst v15  }
0x257: {  	v3 =	vadd.f32 v13, v3;
	v28 =	vld [tilespmem:s28+$0x4550];
	v15 =	vand.u32 $0x1, v21;
	v21 =	vadd.s32 $0x7FFF, v14;
	[tilespmem:s23+$0x4130] =	vst v19  }
0x258: {  	v8 =	vadd.f32 v8, v10;
	v31 =	vld [tilespmem:s28+$0x4130];
	v14 =	vadd.s32 v15, v27;
	v15 =	vmul.f32 v24, v24  }
0x259: {  	v13 =	vmul.f32 v13, v13;
	v10 =	vld [tilespmem:s28+$0x4100];
	v24 =	vshrl.u32 v9, $0x10;
	v14 =	vadd.s32 $0x7FFF, v14;
	[tilespmem:s23+$0x4500] =	vst v3;
	s23 =	smov.u32 s28  }
0x25a: {  	v21 =	vand.u32 $0xFFFF0000, v21;
	v8 =	vadd.f32 v16, v8;
	v3 =	vshrl.u32 v18, $0x10;
	v27 =	vld [tilespmem:s23+$0x4500]  }
0x25b: {  	v16 =	vshrl.u32 v29, $0x10;
	v33 =	vand.u32 $0x1, v3;
	v19 =	vshrl.u32 v4, $0x10;
	v32 =	vld [tilespmem:s23+$0xC140]  }
0x25c: {  	v16 =	vand.u32 $0x1, v16;
	v3 =	vand.u32 $0x1, v24;
	v20 =	vadd.f32 v20, v8;
	v34 =	vld [tilespmem:s23+$0xC150]  }
0x25d: {  	v8 =	vshrl.u32 v22, $0x10;
	v3 =	vadd.s32 v3, v9;
	v9 =	vshrl.u32 v28, $0x10;
	v24 =	vld [tilespmem:s23+$0xC110]  }
0x25e: {  	v35 =	vshrl.u32 v30, $0x10;
	v36 =	vand.u32 $0x1, v8;
	v8 =	vadd.s32 $0x7FFF, v3;
	v37 =	vld [tilespmem:s23+$0xC570]  }
0x25f: {  	v39 =	vshrl.u32 v25, $0x10;
	v38 =	vshrl.u32 v10, $0x10;
	v40 =	vshrl.u32 v27, $0x10;
	v3 =	vld [tilespmem:s23+$0xC500]  }
0x260: {  	v35 =	vand.u32 $0x1, v35;
	v38 =	vand.u32 $0x1, v38;
	v41 =	vld [tilespmem:s23+$0xC160];
	v40 =	vand.u32 $0x1, v40  }
0x261: {  	v10 =	vadd.s32 v38, v10;
	v38 =	vand.u32 $0x1, v39;
	v39 =	vand.u32 $0x1, v9  }
0x262: {  	v9 =	vand.u32 $0xFFFF0000, v8;
	v10 =	vadd.s32 $0x7FFF, v10;
	v25 =	vadd.s32 v38, v25  }
0x263: {  	v5 =	vadd.f32 v5, v20;
	v30 =	vadd.s32 v35, v30;
	v25 =	vadd.s32 $0x7FFF, v25;
	v8 =	vld [tilespmem:s23+$0xC100]  }
0x264: {  	v20 =	vadd.s32 $0x7FFF, v30;
	v30 =	vshrl.u32 v31, $0x10;
	v25 =	vand.u32 $0xFFFF0000, v25;
	v35 =	vld [tilespmem:s23+$0x4510]  }
0x265: {  	v16 =	vadd.s32 v16, v29;
	v29 =	vadd.s32 v33, v18;
	v18 =	vsub.f32 v25, v41  }
0x266: {  	v16 =	vadd.s32 $0x7FFF, v16;
	v26 =	vadd.f32 v26, v5;
	v10 =	vand.u32 $0xFFFF0000, v10;
	v25 =	vld [tilespmem:s23+$0x4520]  }
0x267: {  	v22 =	vadd.s32 v36, v22;
	v33 =	vadd.f32 v18, v41;
	v5 =	vmul.f32 v18, v18  }
0x268: {  	v26 =	vadd.f32 v13, v26;
	v18 =	vand.u32 $0x1, v30;
	v10 =	vsub.f32 v10, v8  }
0x269: {  	v30 =	vand.u32 $0xFFFF0000, v20;
	v13 =	vadd.s32 v18, v31;
	[tilespmem:s23+$0x4160] =	vst v33;
	v20 =	vshrl.u32 v35, $0x10;
	v31 =	vld [tilespmem:s23+$0xC510]  }
0x26a: {  	v7 =	vadd.f32 v7, v26;
	v18 =	vmul.f32 v10, v10;
	v20 =	vand.u32 $0x1, v20;
	v33 =	vld [tilespmem:s23+$0x4530]  }
0x26b: {  	v28 =	vadd.s32 v39, v28;
	v20 =	vadd.s32 v20, v35;
	v26 =	vshrl.u32 v25, $0x10  }
0x26c: {  	v6 =	vadd.f32 v6, v7;
	v20 =	vadd.s32 $0x7FFF, v20;
	v26 =	vand.u32 $0x1, v26  }
0x26d: {  	v28 =	vadd.s32 $0x7FFF, v28;
	v7 =	vand.u32 $0xFFFF0000, v20;
	v20 =	vadd.s32 v26, v25;
	v25 =	vld [tilespmem:s23+$0xC520]  }
0x26e: {  	v6 =	vadd.f32 v23, v6;
	v26 =	vadd.s32 $0x7FFF, v29;
	v7 =	vsub.f32 v7, v31  }
0x26f: {  	v27 =	vadd.s32 v40, v27;
	v23 =	vadd.s32 $0x7FFF, v20;
	v20 =	vshrl.u32 v33, $0x10  }
0x270: {  	v16 =	vand.u32 $0xFFFF0000, v16;
	v26 =	vand.u32 $0xFFFF0000, v26;
	v29 =	vand.u32 $0x1, v20  }
0x271: {  	v23 =	vand.u32 $0xFFFF0000, v23;
	v20 =	vsub.f32 v26, v34;
	v26 =	vadd.f32 v7, v31  }
0x272: {  	v17 =	vadd.f32 v17, v6;
	v7 =	vmul.f32 v7, v7;
	v23 =	vsub.f32 v23, v25  }
0x273: {  	v16 =	vsub.f32 v16, v32;
	v30 =	vsub.f32 v30, v24;
	[tilespmem:s23+$0x4510] =	vst v26;
	v26 =	vadd.s32 v29, v33  }
0x274: {  	v29 =	vadd.f32 v15, v17;
	v25 =	vadd.f32 v23, v25;
	v6 =	vmul.f32 v23, v23;
	v31 =	vld [tilespmem:s23+$0xC530]  }
0x275: {  	v22 =	vadd.s32 $0x7FFF, v22;
	v32 =	vadd.f32 v16, v32;
	v26 =	vadd.s32 $0x7FFF, v26;
	v17 =	vld [tilespmem:s23+$0xC560]  }
0x276: {  	v16 =	vmul.f32 v16, v16;
	v24 =	vadd.f32 v30, v24;
	v15 =	vsub.f32 v21, v37;
	v23 =	vld [tilespmem:s23+$0xC120];
	[tilespmem:s23+$0x4520] =	vst v25  }
.Ltmp3:
0x277: {  	v33 =	vand.u32 $0xFFFF0000, v22;
	v21 =	vand.u32 $0xFFFF0000, v26;
	v25 =	vadd.f32 v20, v34;
	(pc) =	sbr.rel @p0 .LBB2_8-.Ltmp3, $4  }
0x278: {  	v26 =	vadd.s32 $0x7FFF, v27;
	v27 =	vadd.f32 v15, v37;
	[tilespmem:s23+$0x4140] =	vst v32;
	v22 =	vld [tilespmem:s23+$0xC540];
	v32 =	vadd.f32 v12, v29  }
0x279: {  	v26 =	vand.u32 $0xFFFF0000, v26;
	v29 =	vmul.f32 v30, v30;
	[tilespmem:s23+$0x4110] =	vst v24;
	v21 =	vsub.f32 v21, v31  }
0x27a: {  	v30 =	vand.u32 $0x1, v19;
	v24 =	vand.u32 $0xFFFF0000, v28;
	v12 =	vld [tilespmem:s23+$0xC170];
	[tilespmem:s23+$0x4570] =	vst v27;
	v11 =	vadd.f32 v11, v32  }
0x27b: {  	s24 =	sadd.s32 $0x80, s24;
	s29 =	smov.u32 s26;
	v14 =	vand.u32 $0xFFFF0000, v14;
	v27 =	vsub.f32 v33, v23;
	v28 =	vadd.f32 v21, v31;
	v19 =	vld [tilespmem:s23+$0xC550]  }
0x27c: {  	v31 =	vld [tilespmem:s23+$0xC130];
	_ =	sdelay $0x2  }
0x27d: {  	v11 =	vadd.f32 v18, v11;
	v13 =	vadd.s32 $0x7FFF, v13  }
0x27e: {  	v13 =	vand.u32 $0xFFFF0000, v13  }
0x27f: {  	v47 =	vmul.f32 v27, v27;
	v11 =	vadd.f32 v29, v11;
	v13 =	vsub.f32 v13, v31;
	_ =	sdelay $0x1  }
0x280: {  	v11 =	vadd.f32 v47, v11;
	v48 =	vmul.f32 v13, v13;
	_ =	sdelay $0x1  }
0x281: {  	v11 =	vadd.f32 v48, v11  }
0x282: {  	v4 =	vadd.s32 v30, v4  }
0x283: {  	v49 =	vmul.f32 v20, v20;
	v4 =	vadd.s32 $0x7FFF, v4;
	v11 =	vadd.f32 v16, v11  }
0x284: {  	v4 =	vand.u32 $0xFFFF0000, v4  }
0x285: {  	v4 =	vsub.f32 v4, v12;
	v11 =	vadd.f32 v49, v11;
	_ =	sdelay $0x1  }
0x286: {  	v50 =	vsub.f32 v26, v3;
	v51 =	vmul.f32 v4, v4;
	v5 =	vadd.f32 v5, v11;
	_ =	sdelay $0x1  }
0x287: {  	v52 =	vmul.f32 v50, v50;
	v5 =	vadd.f32 v51, v5;
	_ =	sdelay $0x1  }
0x288: {  	v5 =	vadd.f32 v52, v5  }
0x289: {  	v53 =	vsub.f32 v14, v17  }
0x28a: {  	[tilespmem:s23+$0x4150] =	vst v25;
	v8 =	vadd.f32 v10, v8;
	v5 =	vadd.f32 v7, v5  }
0x28b: {  	v54 =	vadd.f32 v27, v23;
	v55 =	vsub.f32 v9, v22;
	[tilespmem:s23+$0x4530] =	vst v28  }
0x28c: {  	v57 =	vmul.f32 v21, v21;
	v56 =	vadd.f32 v53, v17;
	[tilespmem:s23+$0x4100] =	vst v8;
	v5 =	vadd.f32 v6, v5  }
0x28d: {  	v3 =	vadd.f32 v50, v3;
	[tilespmem:s23+$0x4120] =	vst v54;
	v59 =	vadd.f32 v55, v22  }
0x28e: {  	v58 =	vsub.f32 v24, v19;
	[tilespmem:s23+$0x4560] =	vst v56;
	v7 =	vmul.f32 v55, v55;
	v5 =	vadd.f32 v57, v5  }
0x28f: {  	[tilespmem:s23+$0x4500] =	vst v3;
	v4 =	vadd.f32 v4, v12  }
0x290: {  	[tilespmem:s23+$0x4540] =	vst v59;
	v60 =	vadd.f32 v58, v19;
	v6 =	vmul.f32 v58, v58;
	v5 =	vadd.f32 v7, v5  }
0x291: {  	[tilespmem:s23+$0x4170] =	vst v4;
	v61 =	vadd.f32 v13, v31  }
0x292: {  	v62 =	vmul.f32 v53, v53;
	[tilespmem:s23+$0x4550] =	vst v60;
	v63 =	vadd.f32 v6, v5  }
0x293: {  	[tilespmem:s23+$0x4130] =	vst v61  }
0x294: {  	v3 =	vmul.f32 v15, v15;
	[hbm4b:s12+s3] =	stream.linear.scatter [tilespmem:s25], [sflag:$0x5], $0x4000, $0x38;
	v4 =	vadd.f32 v62, v63;
	[tilespmem:$0x10180] =	vst v63  }
0x295: {  	_ =	swait.ge [sflag:s15], $0x4000  }
0x296: {  	s22 =	sadd.s32 $0x1, s22;
	[sflag:s15] =	ssyncset.done $0x0;
	v3 =	vadd.f32 v3, v4  }
0x297: {  	p0 =	sne.s32 s22, s14;
	[sflag:s15] =	ssyncadd.s32 $0xFFFFC000  }
.Ltmp4:
0x298: {  	s30 =	simm.s32 $0x10100;
	[tilespmem:$0x10100] =	vst v3;
	(pc) =	sbr.rel @p0 .LBB2_1-.Ltmp4, $4  }
0x299: {  	[hbm4b:s13+s3] =	stream.linear.scatter [tilespmem:s30], [sflag:$0x5], $0x80, $0x38;
	[tilespmem:$0x10180] =	vst v63  }
0x29a: {  	_ =	swait.ge [sflag:s15], $0x80  }
0x29b: {  	[sflag:s15] =	ssyncset.done $0x0  }
0x29c: {  	[sflag:s15] =	ssyncadd.s32 $0xFFFFFF80  }
0x29d: {  	_ =	sfence.sel $0x180000  }
0x29e: {  	[bflag:$0x0] =	sbarrier.arrive $0xFFFF  }
0x29f: {  	_ =	strace $0x90000047  }
0x2a0: {  	s0 =	stileid.u32;
	[bflag:$0x2] =	sbarrier.arrive $0xFFFF  }
0x2a1: {  	p0 =	sne.s32 s0, $0x0;
	s0 =	rddreg [dreg:$0x4]  }
0x2a2: {  	s0 =	sadd.s32 @!p0 $0x100000, s0  }
0x2a3: {  	[sflag:s0] =	ssyncadd.tile.s32 @!p0 $0x1;
	_ =	shalt  }
.Lfunc_end2:
_tile_overlayer_lowered:
.L_overlay_start_2:
0x2a4: {  	(tag) =	ssettag $0x2  }
0x2a5: {  	s0 =	rddreg [dreg:$0x0];
	s2 =	stileid.u32  }
0x2a6: {  	s1 =	rddreg [dreg:$0x1];
	p0 =	sne.s32 s2, $0x0  }
0x2a7: {  	s3 =	rddreg [dreg:$0x2];
	[bflag:$0x3] =	sbarrier.arrive $0xFFFF;
	s2 =	simm.s32 @!p0 $0x1C05  }
0x2a8: {  	[timem:s3], [sflag:s2] =	dma.local @!p0 [hbm:s0], s1  }
0x2a9: {  	s0 =	simm.s32 @!p0 $0x5  }
0x2aa: {  	_ =	swait.ge @!p0 [sflag:s0], s1  }
0x2ab: {  	s1 =	ssub.s32 @!p0 $0x0, s1;
	[sflag:s0] =	ssyncset.done @!p0 $0x0  }
0x2ac: {  	[sflag:s0] =	ssyncadd.s32 @!p0 s1  }
0x2ad: {  	[bflag:$0x3] =	sbarrier.arrive $0xFFFF  }
0x2ae: {  	_ =	shalt  }

</sc_bundles>
